<compile_context>
chip_gen: v7x
topology: tpu7x:2x2x1
jax: 0.10.2.dev20260603
libtpu: 0.0.44.dev20260713+nightly
codegen_flags: <defaults>
</compile_context>

<pallas_src>
import functools

import jax
import jax.numpy as jnp
from jax import lax
from jax.experimental import pallas as pl
from jax.experimental.pallas import tpu as pltpu
from jax.experimental.pallas import tpu_sc as plsc

NC = 2
NS = 16
NW = NC * NS
LANES = 16
CHUNK3 = 80

_SC_MESH = plsc.VectorSubcoreMesh(core_axis_name="c", subcore_axis_name="s")
_SC_PARAMS = pltpu.CompilerParams(needs_layout_passes=False,
                                  use_tc_tiling_on_sc=False)


def _deg_parts(ei3, n):
    _, nchunks, chunk = ei3.shape
    e = nchunks * chunk
    ew = e // NW
    cw = nchunks // NW

    @functools.partial(
        pl.kernel,
        out_type=jax.ShapeDtypeStruct((NW, n), jnp.float32),
        mesh=_SC_MESH,
        compiler_params=_SC_PARAMS,
        scratch_types=[
            pltpu.VMEM((cw, chunk), jnp.int32),
            pltpu.VMEM((n,), jnp.float32),
        ],
    )
    def deg_kernel(ei_hbm, out_hbm, dst_v, deg_v):
        wid = lax.axis_index("s") * NC + lax.axis_index("c")
        pltpu.sync_copy(ei_hbm.at[1, pl.ds(wid * cw, cw)], dst_v)
        zero = jnp.zeros((LANES,), jnp.float32)

        def zbody(i, carry):
            deg_v[pl.ds(i * LANES, LANES)] = zero
            return carry

        lax.fori_loop(0, n // LANES, zbody, 0)
        ones = jnp.ones((LANES,), jnp.float32)
        vecs = chunk // LANES

        def body(i, carry):
            idx = dst_v[i // vecs, pl.ds((i % vecs) * LANES, LANES)]
            plsc.addupdate_scatter(deg_v, [idx], ones)
            return carry

        lax.fori_loop(0, ew // LANES, body, 0)
        pltpu.sync_copy(deg_v, out_hbm.at[wid])

    return deg_kernel(ei3)


def _agg_parts3(h2, zeros, ei3):
    n, d = h2.shape
    _, nchunks, chunk = ei3.shape
    cw = nchunks // NW
    rows_per_tile = n // NS

    @functools.partial(
        pl.kernel,
        out_type=jax.ShapeDtypeStruct((NC, n, d), jnp.float32),
        mesh=_SC_MESH,
        compiler_params=_SC_PARAMS,
        scratch_types=[
            pltpu.VMEM((cw, chunk), jnp.int32),
            pltpu.VMEM((cw, chunk), jnp.int32),
            pltpu.VMEM((chunk, d), jnp.float32),
            pltpu.VMEM((chunk, d), jnp.float32),
            pltpu.VMEM((chunk, d), jnp.float32),
            pltpu.SemaphoreType.DMA,
            pltpu.SemaphoreType.DMA,
            pltpu.SemaphoreType.DMA,
            pltpu.SemaphoreType.DMA,
            pltpu.SemaphoreType.DMA,
            pltpu.SemaphoreType.DMA,
            pltpu.VMEM_SHARED((n, d), jnp.float32),
        ],
    )
    def agg_kernel(h2_hbm, z_hbm, ei_hbm, out_hbm,
                   src_v, dst_v, rows_a, rows_b, rows_c,
                   gs0, gs1, gs2, ss0, ss1, ss2, acc_sh):
        cid = lax.axis_index("c")
        sid = lax.axis_index("s")
        wid = sid * NC + cid
        row0 = sid * rows_per_tile
        pltpu.make_async_copy(ei_hbm.at[0, pl.ds(wid * cw, cw)],
                              src_v, gs0).start()
        pltpu.make_async_copy(ei_hbm.at[1, pl.ds(wid * cw, cw)],
                              dst_v, gs1).start()
        @pl.when(cid == 0)
        def _():
            pltpu.sync_copy(h2_hbm.at[pl.ds(row0, rows_per_tile)],
                            acc_sh.at[pl.ds(row0, rows_per_tile)])

        @pl.when(cid == 1)
        def _():
            pltpu.sync_copy(z_hbm.at[pl.ds(row0, rows_per_tile)],
                            acc_sh.at[pl.ds(row0, rows_per_tile)])
        pltpu.make_async_copy(ei_hbm.at[0, pl.ds(wid * cw, cw)],
                              src_v, gs0).wait()
        pltpu.make_async_copy(ei_hbm.at[1, pl.ds(wid * cw, cw)],
                              dst_v, gs1).wait()

        bufs = (rows_a, rows_b, rows_c)
        gsems = (gs0, gs1, gs2)
        ssems = (ss0, ss1, ss2)

        def gather(j, b):
            return pltpu.make_async_copy(h2_hbm.at[src_v.at[j]],
                                         bufs[b], gsems[b])

        def swait(b):
            pltpu.make_async_copy(bufs[b], acc_sh.at[dst_v.at[0]],
                                  ssems[b]).wait()

        def scat_start(j, b):
            pltpu.async_copy(bufs[b], acc_sh.at[dst_v.at[j]],
                             ssems[b], add=True)

        gather(0, 0).start()
        gather(1, 1).start()
        plsc.subcore_barrier()

        def step(j, b, bprev):
            swait(b)
            gather(j, b).start()
            gather(j - 2, bprev).wait()
            scat_start(j - 2, bprev)

        def body(p, carry):
            jb = 3 * p + 2

            @pl.when(p >= 1)
            def _():
                swait(2)
            gather(jb, 2).start()
            gather(jb - 2, 0).wait()
            scat_start(jb - 2, 0)
            step(jb + 1, 0, 1)
            step(jb + 2, 1, 2)
            return carry

        lax.fori_loop(0, (cw - 2) // 3, body, 0)
        gather(cw - 2, 0).wait()
        scat_start(cw - 2, 0)
        gather(cw - 1, 1).wait()
        scat_start(cw - 1, 1)
        swait(2)
        swait(0)
        swait(1)
        plsc.subcore_barrier()
        pltpu.sync_copy(acc_sh.at[pl.ds(row0, rows_per_tile)],
                        out_hbm.at[cid, pl.ds(row0, rows_per_tile)])

    return agg_kernel(h2, zeros, ei3)


def _stage0(deg_parts, x, w0):
    n, d = x.shape

    def body(deg_ref, x_ref, w_ref, h2_ref, dis_ref):
        deg = jnp.sum(deg_ref[...], axis=0) + 1.0
        dis = lax.rsqrt(deg)[:, None]
        dis_ref[...] = dis
        h = jnp.dot(x_ref[...], w_ref[...],
                    preferred_element_type=jnp.float32)
        h2_ref[...] = h * dis

    return pl.pallas_call(
        body,
        out_shape=(
            jax.ShapeDtypeStruct((n, d), jnp.float32),
            jax.ShapeDtypeStruct((n, 1), jnp.float32),
        ),
    )(deg_parts, x, w0)


def _stage_mid(agg, dis, b, g, be, w_next):
    _, n, d = agg.shape

    def body(agg_ref, dis_ref, b_ref, g_ref, be_ref, w_ref, out_ref):
        dis = dis_ref[...]
        y = agg_ref[0] + agg_ref[1]
        z = dis * y + b_ref[...]
        mu = jnp.mean(z, axis=0, keepdims=True)
        zc = z - mu
        var = jnp.mean(zc * zc, axis=0, keepdims=True)
        t = zc * lax.rsqrt(var + 1e-5) * g_ref[...] + be_ref[...]
        t = jnp.where(t >= 0.0, t, 0.01 * t)
        h = jnp.dot(t, w_ref[...], preferred_element_type=jnp.float32)
        out_ref[...] = h * dis

    return pl.pallas_call(
        body,
        out_shape=jax.ShapeDtypeStruct((n, d), jnp.float32),
    )(agg, dis, b[None, :], g[None, :], be[None, :], w_next)


def _stage_final(agg, dis, b, g, be):
    _, n, d = agg.shape

    def body(agg_ref, dis_ref, b_ref, g_ref, be_ref, out_ref):
        y = agg_ref[0] + agg_ref[1]
        z = dis_ref[...] * y + b_ref[...]
        mu = jnp.mean(z, axis=0, keepdims=True)
        zc = z - mu
        var = jnp.mean(zc * zc, axis=0, keepdims=True)
        out_ref[...] = zc * lax.rsqrt(var + 1e-5) * g_ref[...] + be_ref[...]

    return pl.pallas_call(
        body,
        out_shape=jax.ShapeDtypeStruct((n, d), jnp.float32),
    )(agg, dis, b[None, :], g[None, :], be[None, :])


def kernel(x, edge_index, W0, b0, g0, be0, W1, b1, g1, be1, W2, b2, g2, be2):
    n, d = x.shape
    e = edge_index.shape[1]
    ei3 = edge_index.reshape(2, e // CHUNK3, CHUNK3)
    zeros = jnp.zeros((n, d), jnp.float32)

    deg_parts = _deg_parts(ei3, n)
    h2, dis = _stage0(deg_parts, x, W0)
    agg = _agg_parts3(h2, zeros, ei3)
    h2 = _stage_mid(agg, dis, b0, g0, be0, W1)
    agg = _agg_parts3(h2, zeros, ei3)
    h2 = _stage_mid(agg, dis, b1, g1, be1, W2)
    agg = _agg_parts3(h2, zeros, ei3)
    return _stage_final(agg, dis, b2, g2, be2)

# --- scband reference (transcript-rebuilt; emitter-appended) ---
"""Pipeline reference for scband-actor-critic-74242804678760 (READ-ONLY COPY).

The authoritative reference and input builder live on the scoring server;
editing this copy changes nothing except your own understanding.
"""

import jax, jax.numpy as jnp
import numpy as np

N = 10000
E = 320000
D = 128

def _gcn_conv(x, src, dst, W, b):
    # PyG GCNConv: add self-loops, symmetric normalization, linear, scatter-add, bias
    n = x.shape[0]
    loop = jnp.arange(n, dtype=src.dtype)
    s = jnp.concatenate([src, loop])
    d = jnp.concatenate([dst, loop])
    deg = jnp.zeros((n,), dtype=x.dtype).at[d].add(1.0)
    dis = jnp.where(deg > 0, jax.lax.rsqrt(deg), 0.0)
    norm = dis[s] * dis[d]
    h = x @ W
    msg = h[s] * norm[:, None]
    out = jax.ops.segment_sum(msg, d, num_segments=n)
    return out + b

def _bn(x, gamma, beta, eps=1e-5):
    # BatchNorm1d in training mode (batch statistics)
    mu = jnp.mean(x, axis=0)
    var = jnp.var(x, axis=0)
    return (x - mu) * jax.lax.rsqrt(var + eps) * gamma + beta

def setup_inputs(seed: int = 0):
    key = jax.random.key(seed)
    ks = jax.random.split(key, 16)
    inp = {}
    inp['x'] = jax.random.normal(ks[0], (N, D), dtype=jnp.float32)
    inp['edge_index'] = jax.random.randint(ks[1], (2, E), 0, N, dtype=jnp.int32)
    sc = 1.0 / float(np.sqrt(D))
    for i in range(3):
        inp['W%d' % i] = jax.random.normal(ks[2 + i], (D, D), dtype=jnp.float32) * sc
        inp['b%d' % i] = jnp.zeros((D,), dtype=jnp.float32)
        inp['g%d' % i] = jnp.ones((D,), dtype=jnp.float32)
        inp['be%d' % i] = jnp.zeros((D,), dtype=jnp.float32)
    return inp

def reference(x, edge_index, W0, b0, g0, be0, W1, b1, g1, be1, W2, b2, g2, be2):
    src, dst = edge_index[0], edge_index[1]
    h = _gcn_conv(x, src, dst, W0, b0)
    h = jax.nn.leaky_relu(_bn(h, g0, be0), negative_slope=0.01)
    h = _gcn_conv(h, src, dst, W1, b1)
    h = jax.nn.leaky_relu(_bn(h, g1, be1), negative_slope=0.01)
    h = _gcn_conv(h, src, dst, W2, b2)
    h = _bn(h, g2, be2)
    return h

if __name__ == "__main__":
    import jax
    _d = setup_inputs()
    print(jax.jit(kernel)(*tuple(_d.values())))

</pallas_src>

<mosaic_0001>
#map = affine_map<(d0, d1) -> (0, 0, 0)>
#map1 = affine_map<(d0, d1) -> (0, 0)>
module attributes {stable_mosaic.version = 14 : i64} {
  func.func @deg_kernel(%arg0: i32, %arg1: i32, %arg2: memref<2x4000x80xi32, #tpu.memory_space<hbm>>, %arg3: memref<32x10000xf32, #tpu.memory_space<hbm>>, %arg4: memref<125x80xi32, #tpu.memory_space<vmem>>, %arg5: memref<10000xf32, #tpu.memory_space<vmem>>) attributes {dimension_semantics = [#tpu.dimension_semantics<core_parallel>, #tpu.dimension_semantics<subcore_parallel>], iteration_bounds = array<i64: 2, 16>, scalar_prefetch = 0 : i64, scratch_operands = 2 : i64, tpu.core_type = #tpu.core_type<sc_vector_subcore>, window_params = [{transform_indices = #map}, {transform_indices = #map1}]} {
    %mul3A = arith.constant 2 : i32
    %mul3A_0 = arith.muli %arg1, %mul3A : i32
    %add3A = arith.addi %mul3A_0, %arg0 : i32
    %mul3A_1 = arith.constant 125 : i32
    %mul3A_2 = arith.muli %add3A, %mul3A_1 : i32
    %run_scoped3A = arith.constant 1 : i32
    "tpu.region"() ({
      %run_scoped3A_17 = tpu.sem_alloc : memref<!tpu.dma_semaphore, #tpu.memory_space<semaphore_mem>>
      %dma_start3A = arith.constant 0 : i32
      %dma_start3A_18 = tpu.memref_slice %arg2[%run_scoped3A, %mul3A_2, %dma_start3A] : memref<2x4000x80xi32, #tpu.memory_space<hbm>> -> memref<1x125x80xi32, #tpu.memory_space<hbm>>
      %dma_start3A_19 = tpu.memref_squeeze %dma_start3A_18 : memref<1x125x80xi32, #tpu.memory_space<hbm>> -> memref<125x80xi32, #tpu.memory_space<hbm>>
      %dma_start3A_20 = arith.constant 0 : i32
      %dma_start3A_21 = tpu.memref_slice %arg2[%run_scoped3A, %mul3A_2, %dma_start3A_20] : memref<2x4000x80xi32, #tpu.memory_space<hbm>> -> memref<1x125x80xi32, #tpu.memory_space<hbm>>
      %dma_start3A_22 = tpu.memref_squeeze %dma_start3A_21 : memref<1x125x80xi32, #tpu.memory_space<hbm>> -> memref<125x80xi32, #tpu.memory_space<hbm>>
      tpu.enqueue_dma source(%dma_start3A_22 : memref<125x80xi32, #tpu.memory_space<hbm>>) target(%arg4 : memref<125x80xi32, #tpu.memory_space<vmem>>) target_semaphore(%run_scoped3A_17 : memref<!tpu.dma_semaphore, #tpu.memory_space<semaphore_mem>>)
      %dma_wait3A = arith.constant 0 : i32
      %dma_wait3A_23 = tpu.memref_slice %arg2[%run_scoped3A, %mul3A_2, %dma_wait3A] : memref<2x4000x80xi32, #tpu.memory_space<hbm>> -> memref<1x125x80xi32, #tpu.memory_space<hbm>>
      %dma_wait3A_24 = tpu.memref_squeeze %dma_wait3A_23 : memref<1x125x80xi32, #tpu.memory_space<hbm>> -> memref<125x80xi32, #tpu.memory_space<hbm>>
      %dma_wait3A_25 = arith.constant 0 : i32
      %dma_wait3A_26 = tpu.memref_slice %arg2[%run_scoped3A, %mul3A_2, %dma_wait3A_25] : memref<2x4000x80xi32, #tpu.memory_space<hbm>> -> memref<1x125x80xi32, #tpu.memory_space<hbm>>
      %dma_wait3A_27 = tpu.memref_squeeze %dma_wait3A_26 : memref<1x125x80xi32, #tpu.memory_space<hbm>> -> memref<125x80xi32, #tpu.memory_space<hbm>>
      tpu.wait_dma2 semaphore(%run_scoped3A_17 : memref<!tpu.dma_semaphore, #tpu.memory_space<semaphore_mem>>) src(%dma_wait3A_27 : memref<125x80xi32, #tpu.memory_space<hbm>>) dst(%arg4 : memref<125x80xi32, #tpu.memory_space<vmem>>)
      tpu.yield
    }) : () -> ()
    %broadcast_in_dim3A = arith.constant 0.000000e+00 : f32
    %broadcast_in_dim3A_3 = vector.broadcast %broadcast_in_dim3A : f32 to vector<16xf32>
    %scan3A = arith.constant 0 : i32
    %scan3A_4 = arith.constant 0 : i32
    %scan3A_5 = arith.constant 625 : i32
    %scan3A_6 = arith.addi %scan3A_4, %scan3A_5 : i32
    %scan3A_7 = arith.constant 1 : i32
    scf.for %scan3A_17 = %scan3A_4 to %scan3A_6 step %scan3A_7  : i32 {
      %mul3A_18 = arith.constant 16 : i32
      %mul3A_19 = arith.muli %scan3A_17, %mul3A_18 : i32
      %swap3A = arith.index_cast %mul3A_19 : i32 to index
      %swap3A_20 = tpu.vector_load %arg5[%swap3A] {strides = array<i32>} : memref<10000xf32, #tpu.memory_space<vmem>>, vector<16xf32>,
      tpu.vector_store %arg5[%swap3A], %broadcast_in_dim3A_3 {strides = array<i32>} : memref<10000xf32, #tpu.memory_space<vmem>>, vector<16xf32>,
    }
    %scan3A_8 = arith.constant 625 : i32
    %broadcast_in_dim3A_9 = arith.constant 1.000000e+00 : f32
    %broadcast_in_dim3A_10 = vector.broadcast %broadcast_in_dim3A_9 : f32 to vector<16xf32>
    %scan3A_11 = arith.constant 0 : i32
    %scan3A_12 = arith.constant 0 : i32
    %scan3A_13 = arith.constant 625 : i32
    %scan3A_14 = arith.addi %scan3A_12, %scan3A_13 : i32
    %scan3A_15 = arith.constant 1 : i32
    scf.for %scan3A_17 = %scan3A_12 to %scan3A_14 step %scan3A_15  : i32 {
      %jit3A = arith.constant 5 : i32
      %div3A = arith.divsi %scan3A_17, %jit3A : i32
      %sign3A = arith.constant 0 : i32
      %sign3A_18 = arith.cmpi sgt, %scan3A_17, %sign3A : i32
      %sign3A_19 = arith.extui %sign3A_18 : i1 to i32
      %sign3A_20 = arith.constant 0 : i32
      %sign3A_21 = arith.cmpi slt, %scan3A_17, %sign3A_20 : i32
      %sign3A_22 = arith.extui %sign3A_21 : i1 to i32
      %sign3A_23 = arith.subi %sign3A_19, %sign3A_22 : i32
      %sign3A_24 = arith.constant 0 : i32
      %sign3A_25 = arith.cmpi sgt, %jit3A, %sign3A_24 : i32
      %sign3A_26 = arith.extui %sign3A_25 : i1 to i32
      %sign3A_27 = arith.constant 0 : i32
      %sign3A_28 = arith.cmpi slt, %jit3A, %sign3A_27 : i32
      %sign3A_29 = arith.extui %sign3A_28 : i1 to i32
      %sign3A_30 = arith.subi %sign3A_26, %sign3A_29 : i32
      %ne3A = arith.cmpi ne, %sign3A_23, %sign3A_30 : i32
      %rem3A = arith.remsi %scan3A_17, %jit3A : i32
      %ne3A_31 = arith.constant 0 : i32
      %ne3A_32 = arith.cmpi ne, %rem3A, %ne3A_31 : i32
      %and3A = arith.andi %ne3A, %ne3A_32 : i1
      %sub3A = arith.constant 1 : i32
      %sub3A_33 = arith.subi %div3A, %sub3A : i32
      %select_n3A = arith.select %and3A, %sub3A_33, %div3A : i32
      %jit3A_34 = arith.constant 5 : i32
      %eq3A = arith.constant 0 : i32
      %eq3A_35 = arith.cmpi eq, %jit3A_34, %eq3A : i32
      %jit3A_36 = arith.constant 1 : i32
      %select_n3A_37 = arith.select %eq3A_35, %jit3A_36, %jit3A_34 : i32
      %rem3A_38 = arith.remsi %scan3A_17, %select_n3A_37 : i32
      %ne3A_39 = arith.constant 0 : i32
      %ne3A_40 = arith.cmpi ne, %rem3A_38, %ne3A_39 : i32
      %lt3A = arith.constant 0 : i32
      %lt3A_41 = arith.cmpi slt, %rem3A_38, %lt3A : i32
      %lt3A_42 = arith.constant 0 : i32
      %lt3A_43 = arith.cmpi slt, %select_n3A_37, %lt3A_42 : i32
      %ne3A_44 = arith.xori %lt3A_41, %lt3A_43 : i1
      %and3A_45 = arith.andi %ne3A_44, %ne3A_40 : i1
      %add3A_46 = arith.addi %rem3A_38, %select_n3A_37 : i32
      %select_n3A_47 = arith.select %and3A_45, %add3A_46, %rem3A_38 : i32
      %mul3A_48 = arith.constant 16 : i32
      %mul3A_49 = arith.muli %select_n3A_47, %mul3A_48 : i32
      %get3A = arith.index_cast %select_n3A : i32 to index
      %get3A_50 = arith.index_cast %mul3A_49 : i32 to index
      %get3A_51 = tpu.vector_load %arg4[%get3A, %get3A_50] {strides = array<i32>} : memref<125x80xi32, #tpu.memory_space<vmem>>, vector<16xi32>,
      tpu.vector_store_idx %arg5[%get3A_51], %broadcast_in_dim3A_10 {add = true} : memref<10000xf32, #tpu.memory_space<vmem>>[vector<16xi32>], vector<16xf32>,
    }
    %scan3A_16 = arith.constant 625 : i32
    "tpu.region"() ({
      %run_scoped3A_17 = tpu.sem_alloc : memref<!tpu.dma_semaphore, #tpu.memory_space<semaphore_mem>>
      %dma_start3A = arith.constant 0 : i32
      %dma_start3A_18 = tpu.memref_slice %arg3[%add3A, %dma_start3A] : memref<32x10000xf32, #tpu.memory_space<hbm>> -> memref<1x10000xf32, #tpu.memory_space<hbm>>
      %dma_start3A_19 = tpu.memref_squeeze %dma_start3A_18 : memref<1x10000xf32, #tpu.memory_space<hbm>> -> memref<10000xf32, #tpu.memory_space<hbm>>
      %dma_start3A_20 = arith.constant 0 : i32
      %dma_start3A_21 = tpu.memref_slice %arg3[%add3A, %dma_start3A_20] : memref<32x10000xf32, #tpu.memory_space<hbm>> -> memref<1x10000xf32, #tpu.memory_space<hbm>>
      %dma_start3A_22 = tpu.memref_squeeze %dma_start3A_21 : memref<1x10000xf32, #tpu.memory_space<hbm>> -> memref<10000xf32, #tpu.memory_space<hbm>>
      tpu.enqueue_dma source(%arg5 : memref<10000xf32, #tpu.memory_space<vmem>>) target(%dma_start3A_22 : memref<10000xf32, #tpu.memory_space<hbm>>) target_semaphore(%run_scoped3A_17 : memref<!tpu.dma_semaphore, #tpu.memory_space<semaphore_mem>>)
      %dma_wait3A = arith.constant 0 : i32
      %dma_wait3A_23 = tpu.memref_slice %arg3[%add3A, %dma_wait3A] : memref<32x10000xf32, #tpu.memory_space<hbm>> -> memref<1x10000xf32, #tpu.memory_space<hbm>>
      %dma_wait3A_24 = tpu.memref_squeeze %dma_wait3A_23 : memref<1x10000xf32, #tpu.memory_space<hbm>> -> memref<10000xf32, #tpu.memory_space<hbm>>
      %dma_wait3A_25 = arith.constant 0 : i32
      %dma_wait3A_26 = tpu.memref_slice %arg3[%add3A, %dma_wait3A_25] : memref<32x10000xf32, #tpu.memory_space<hbm>> -> memref<1x10000xf32, #tpu.memory_space<hbm>>
      %dma_wait3A_27 = tpu.memref_squeeze %dma_wait3A_26 : memref<1x10000xf32, #tpu.memory_space<hbm>> -> memref<10000xf32, #tpu.memory_space<hbm>>
      tpu.wait_dma2 semaphore(%run_scoped3A_17 : memref<!tpu.dma_semaphore, #tpu.memory_space<semaphore_mem>>) src(%arg5 : memref<10000xf32, #tpu.memory_space<vmem>>) dst(%dma_wait3A_27 : memref<10000xf32, #tpu.memory_space<hbm>>)
      tpu.yield
    }) : () -> ()
    return
  }
}

#map = affine_map<(d0, d1) -> (0, 0)>
#map1 = affine_map<(d0, d1) -> (0, 0, 0)>
module attributes {stable_mosaic.version = 14 : i64} {
  func.func @agg_kernel(%arg0: i32, %arg1: i32, %arg2: memref<10000x128xf32, #tpu.memory_space<hbm>>, %arg3: memref<10000x128xf32, #tpu.memory_space<hbm>>, %arg4: memref<2x4000x80xi32, #tpu.memory_space<hbm>>, %arg5: memref<2x10000x128xf32, #tpu.memory_space<hbm>>, %arg6: memref<125x80xi32, #tpu.memory_space<vmem>>, %arg7: memref<125x80xi32, #tpu.memory_space<vmem>>, %arg8: memref<80x128xf32, #tpu.memory_space<vmem>>, %arg9: memref<80x128xf32, #tpu.memory_space<vmem>>, %arg10: memref<80x128xf32, #tpu.memory_space<vmem>>, %arg11: memref<!tpu.dma_semaphore, #tpu.memory_space<semaphore_mem>>, %arg12: memref<!tpu.dma_semaphore, #tpu.memory_space<semaphore_mem>>, %arg13: memref<!tpu.dma_semaphore, #tpu.memory_space<semaphore_mem>>, %arg14: memref<!tpu.dma_semaphore, #tpu.memory_space<semaphore_mem>>, %arg15: memref<!tpu.dma_semaphore, #tpu.memory_space<semaphore_mem>>, %arg16: memref<!tpu.dma_semaphore, #tpu.memory_space<semaphore_mem>>, %arg17: memref<10000x128xf32, #tpu.memory_space<vmem_shared>>) attributes {dimension_semantics = [#tpu.dimension_semantics<core_parallel>, #tpu.dimension_semantics<subcore_parallel>], iteration_bounds = array<i64: 2, 16>, scalar_prefetch = 0 : i64, scratch_operands = 12 : i64, tpu.core_type = #tpu.core_type<sc_vector_subcore>, window_params = [{transform_indices = #map}, {transform_indices = #map}, {transform_indices = #map1}, {transform_indices = #map1}]} {
    %mul3A = arith.constant 2 : i32
    %mul3A_0 = arith.muli %arg1, %mul3A : i32
    %add3A = arith.addi %mul3A_0, %arg0 : i32
    %mul3A_1 = arith.constant 625 : i32
    %mul3A_2 = arith.muli %arg1, %mul3A_1 : i32
    %mul3A_3 = arith.constant 125 : i32
    %mul3A_4 = arith.muli %add3A, %mul3A_3 : i32
    %dma_start3A = arith.constant 0 : i32
    %dma_start3A_5 = arith.constant 0 : i32
    %dma_start3A_6 = tpu.memref_slice %arg4[%dma_start3A, %mul3A_4, %dma_start3A_5] : memref<2x4000x80xi32, #tpu.memory_space<hbm>> -> memref<1x125x80xi32, #tpu.memory_space<hbm>>
    %dma_start3A_7 = tpu.memref_squeeze %dma_start3A_6 : memref<1x125x80xi32, #tpu.memory_space<hbm>> -> memref<125x80xi32, #tpu.memory_space<hbm>>
    %dma_start3A_8 = arith.constant 0 : i32
    %dma_start3A_9 = tpu.memref_slice %arg4[%dma_start3A, %mul3A_4, %dma_start3A_8] : memref<2x4000x80xi32, #tpu.memory_space<hbm>> -> memref<1x125x80xi32, #tpu.memory_space<hbm>>
    %dma_start3A_10 = tpu.memref_squeeze %dma_start3A_9 : memref<1x125x80xi32, #tpu.memory_space<hbm>> -> memref<125x80xi32, #tpu.memory_space<hbm>>
    tpu.enqueue_dma source(%dma_start3A_10 : memref<125x80xi32, #tpu.memory_space<hbm>>) target(%arg6 : memref<125x80xi32, #tpu.memory_space<vmem>>) target_semaphore(%arg11 : memref<!tpu.dma_semaphore, #tpu.memory_space<semaphore_mem>>)
    %mul3A_11 = arith.constant 125 : i32
    %mul3A_12 = arith.muli %add3A, %mul3A_11 : i32
    %dma_start3A_13 = arith.constant 1 : i32
    %dma_start3A_14 = arith.constant 0 : i32
    %dma_start3A_15 = tpu.memref_slice %arg4[%dma_start3A_13, %mul3A_12, %dma_start3A_14] : memref<2x4000x80xi32, #tpu.memory_space<hbm>> -> memref<1x125x80xi32, #tpu.memory_space<hbm>>
    %dma_start3A_16 = tpu.memref_squeeze %dma_start3A_15 : memref<1x125x80xi32, #tpu.memory_space<hbm>> -> memref<125x80xi32, #tpu.memory_space<hbm>>
    %dma_start3A_17 = arith.constant 0 : i32
    %dma_start3A_18 = tpu.memref_slice %arg4[%dma_start3A_13, %mul3A_12, %dma_start3A_17] : memref<2x4000x80xi32, #tpu.memory_space<hbm>> -> memref<1x125x80xi32, #tpu.memory_space<hbm>>
    %dma_start3A_19 = tpu.memref_squeeze %dma_start3A_18 : memref<1x125x80xi32, #tpu.memory_space<hbm>> -> memref<125x80xi32, #tpu.memory_space<hbm>>
    tpu.enqueue_dma source(%dma_start3A_19 : memref<125x80xi32, #tpu.memory_space<hbm>>) target(%arg7 : memref<125x80xi32, #tpu.memory_space<vmem>>) target_semaphore(%arg12 : memref<!tpu.dma_semaphore, #tpu.memory_space<semaphore_mem>>)
    %eq3A = arith.constant 0 : i32
    %eq3A_20 = arith.cmpi eq, %arg0, %eq3A : i32
    %convert_element_type3A = arith.extui %eq3A_20 : i1 to i32
    %cond3A = arith.constant 0 : i32
    %cond3A_21 = arith.cmpi ne, %convert_element_type3A, %cond3A : i32
    scf.if %cond3A_21 {
      "tpu.region"() ({
        %run_scoped3A = tpu.sem_alloc : memref<!tpu.dma_semaphore, #tpu.memory_space<semaphore_mem>>
        %dma_start3A_113 = arith.constant 0 : i32
        %dma_start3A_114 = tpu.memref_slice %arg17[%mul3A_2, %dma_start3A_113] : memref<10000x128xf32, #tpu.memory_space<vmem_shared>> -> memref<625x128xf32, #tpu.memory_space<vmem_shared>>
        %dma_start3A_115 = arith.constant 0 : i32
        %dma_start3A_116 = tpu.memref_slice %arg2[%mul3A_2, %dma_start3A_115] : memref<10000x128xf32, #tpu.memory_space<hbm>> -> memref<625x128xf32, #tpu.memory_space<hbm>>
        tpu.enqueue_dma source(%dma_start3A_116 : memref<625x128xf32, #tpu.memory_space<hbm>>) target(%dma_start3A_114 : memref<625x128xf32, #tpu.memory_space<vmem_shared>>) target_semaphore(%run_scoped3A : memref<!tpu.dma_semaphore, #tpu.memory_space<semaphore_mem>>)
        %dma_wait3A_117 = arith.constant 0 : i32
        %dma_wait3A_118 = tpu.memref_slice %arg17[%mul3A_2, %dma_wait3A_117] : memref<10000x128xf32, #tpu.memory_space<vmem_shared>> -> memref<625x128xf32, #tpu.memory_space<vmem_shared>>
        %dma_wait3A_119 = arith.constant 0 : i32
        %dma_wait3A_120 = tpu.memref_slice %arg2[%mul3A_2, %dma_wait3A_119] : memref<10000x128xf32, #tpu.memory_space<hbm>> -> memref<625x128xf32, #tpu.memory_space<hbm>>
        tpu.wait_dma2 semaphore(%run_scoped3A : memref<!tpu.dma_semaphore, #tpu.memory_space<semaphore_mem>>) src(%dma_wait3A_120 : memref<625x128xf32, #tpu.memory_space<hbm>>) dst(%dma_wait3A_118 : memref<625x128xf32, #tpu.memory_space<vmem_shared>>)
        tpu.yield
      }) : () -> ()
    } else {
    }
    %eq3A_22 = arith.constant 1 : i32
    %eq3A_23 = arith.cmpi eq, %arg0, %eq3A_22 : i32
    %convert_element_type3A_24 = arith.extui %eq3A_23 : i1 to i32
    %cond3A_25 = arith.constant 0 : i32
    %cond3A_26 = arith.cmpi ne, %convert_element_type3A_24, %cond3A_25 : i32
    scf.if %cond3A_26 {
      "tpu.region"() ({
        %run_scoped3A = tpu.sem_alloc : memref<!tpu.dma_semaphore, #tpu.memory_space<semaphore_mem>>
        %dma_start3A_113 = arith.constant 0 : i32
        %dma_start3A_114 = tpu.memref_slice %arg17[%mul3A_2, %dma_start3A_113] : memref<10000x128xf32, #tpu.memory_space<vmem_shared>> -> memref<625x128xf32, #tpu.memory_space<vmem_shared>>
        %dma_start3A_115 = arith.constant 0 : i32
        %dma_start3A_116 = tpu.memref_slice %arg3[%mul3A_2, %dma_start3A_115] : memref<10000x128xf32, #tpu.memory_space<hbm>> -> memref<625x128xf32, #tpu.memory_space<hbm>>
        tpu.enqueue_dma source(%dma_start3A_116 : memref<625x128xf32, #tpu.memory_space<hbm>>) target(%dma_start3A_114 : memref<625x128xf32, #tpu.memory_space<vmem_shared>>) target_semaphore(%run_scoped3A : memref<!tpu.dma_semaphore, #tpu.memory_space<semaphore_mem>>)
        %dma_wait3A_117 = arith.constant 0 : i32
        %dma_wait3A_118 = tpu.memref_slice %arg17[%mul3A_2, %dma_wait3A_117] : memref<10000x128xf32, #tpu.memory_space<vmem_shared>> -> memref<625x128xf32, #tpu.memory_space<vmem_shared>>
        %dma_wait3A_119 = arith.constant 0 : i32
        %dma_wait3A_120 = tpu.memref_slice %arg3[%mul3A_2, %dma_wait3A_119] : memref<10000x128xf32, #tpu.memory_space<hbm>> -> memref<625x128xf32, #tpu.memory_space<hbm>>
        tpu.wait_dma2 semaphore(%run_scoped3A : memref<!tpu.dma_semaphore, #tpu.memory_space<semaphore_mem>>) src(%dma_wait3A_120 : memref<625x128xf32, #tpu.memory_space<hbm>>) dst(%dma_wait3A_118 : memref<625x128xf32, #tpu.memory_space<vmem_shared>>)
        tpu.yield
      }) : () -> ()
    } else {
    }
    %mul3A_27 = arith.constant 125 : i32
    %mul3A_28 = arith.muli %add3A, %mul3A_27 : i32
    %dma_wait3A = arith.constant 0 : i32
    %dma_wait3A_29 = arith.constant 0 : i32
    %dma_wait3A_30 = tpu.memref_slice %arg4[%dma_wait3A, %mul3A_28, %dma_wait3A_29] : memref<2x4000x80xi32, #tpu.memory_space<hbm>> -> memref<1x125x80xi32, #tpu.memory_space<hbm>>
    %dma_wait3A_31 = tpu.memref_squeeze %dma_wait3A_30 : memref<1x125x80xi32, #tpu.memory_space<hbm>> -> memref<125x80xi32, #tpu.memory_space<hbm>>
    %dma_wait3A_32 = arith.constant 0 : i32
    %dma_wait3A_33 = tpu.memref_slice %arg4[%dma_wait3A, %mul3A_28, %dma_wait3A_32] : memref<2x4000x80xi32, #tpu.memory_space<hbm>> -> memref<1x125x80xi32, #tpu.memory_space<hbm>>
    %dma_wait3A_34 = tpu.memref_squeeze %dma_wait3A_33 : memref<1x125x80xi32, #tpu.memory_space<hbm>> -> memref<125x80xi32, #tpu.memory_space<hbm>>
    tpu.wait_dma2 semaphore(%arg11 : memref<!tpu.dma_semaphore, #tpu.memory_space<semaphore_mem>>) src(%dma_wait3A_34 : memref<125x80xi32, #tpu.memory_space<hbm>>) dst(%arg6 : memref<125x80xi32, #tpu.memory_space<vmem>>)
    %mul3A_35 = arith.constant 125 : i32
    %mul3A_36 = arith.muli %add3A, %mul3A_35 : i32
    %dma_wait3A_37 = arith.constant 1 : i32
    %dma_wait3A_38 = arith.constant 0 : i32
    %dma_wait3A_39 = tpu.memref_slice %arg4[%dma_wait3A_37, %mul3A_36, %dma_wait3A_38] : memref<2x4000x80xi32, #tpu.memory_space<hbm>> -> memref<1x125x80xi32, #tpu.memory_space<hbm>>
    %dma_wait3A_40 = tpu.memref_squeeze %dma_wait3A_39 : memref<1x125x80xi32, #tpu.memory_space<hbm>> -> memref<125x80xi32, #tpu.memory_space<hbm>>
    %dma_wait3A_41 = arith.constant 0 : i32
    %dma_wait3A_42 = tpu.memref_slice %arg4[%dma_wait3A_37, %mul3A_36, %dma_wait3A_41] : memref<2x4000x80xi32, #tpu.memory_space<hbm>> -> memref<1x125x80xi32, #tpu.memory_space<hbm>>
    %dma_wait3A_43 = tpu.memref_squeeze %dma_wait3A_42 : memref<1x125x80xi32, #tpu.memory_space<hbm>> -> memref<125x80xi32, #tpu.memory_space<hbm>>
    tpu.wait_dma2 semaphore(%arg12 : memref<!tpu.dma_semaphore, #tpu.memory_space<semaphore_mem>>) src(%dma_wait3A_43 : memref<125x80xi32, #tpu.memory_space<hbm>>) dst(%arg7 : memref<125x80xi32, #tpu.memory_space<vmem>>)
    %dma_start3A_44 = arith.constant 0 : i32
    %dma_start3A_45 = arith.constant 0 : i32
    %dma_start3A_46 = tpu.memref_slice %arg6[%dma_start3A_44, %dma_start3A_45] : memref<125x80xi32, #tpu.memory_space<vmem>> -> memref<1x80xi32, #tpu.memory_space<vmem>>
    %dma_start3A_47 = tpu.memref_squeeze %dma_start3A_46 : memref<1x80xi32, #tpu.memory_space<vmem>> -> memref<80xi32, #tpu.memory_space<vmem>>
    %dma_start3A_48 = arith.constant 0 : i32
    %dma_start3A_49 = arith.constant 0 : i32
    %dma_start3A_50 = tpu.memref_slice %arg2[%dma_start3A_48, %dma_start3A_49] : memref<10000x128xf32, #tpu.memory_space<hbm>> -> memref<10000x128xf32, #tpu.memory_space<hbm>>
    tpu.enqueue_indirect_dma source(%dma_start3A_50 : memref<10000x128xf32, #tpu.memory_space<hbm>>) target(%arg8 : memref<80x128xf32, #tpu.memory_space<vmem>>) offsets(%dma_start3A_47 : memref<80xi32, #tpu.memory_space<vmem>>) semaphore(%arg11 : memref<!tpu.dma_semaphore, #tpu.memory_space<semaphore_mem>>)
    %dma_start3A_51 = arith.constant 1 : i32
    %dma_start3A_52 = arith.constant 0 : i32
    %dma_start3A_53 = tpu.memref_slice %arg6[%dma_start3A_51, %dma_start3A_52] : memref<125x80xi32, #tpu.memory_space<vmem>> -> memref<1x80xi32, #tpu.memory_space<vmem>>
    %dma_start3A_54 = tpu.memref_squeeze %dma_start3A_53 : memref<1x80xi32, #tpu.memory_space<vmem>> -> memref<80xi32, #tpu.memory_space<vmem>>
    %dma_start3A_55 = arith.constant 0 : i32
    %dma_start3A_56 = arith.constant 0 : i32
    %dma_start3A_57 = tpu.memref_slice %arg2[%dma_start3A_55, %dma_start3A_56] : memref<10000x128xf32, #tpu.memory_space<hbm>> -> memref<10000x128xf32, #tpu.memory_space<hbm>>
    tpu.enqueue_indirect_dma source(%dma_start3A_57 : memref<10000x128xf32, #tpu.memory_space<hbm>>) target(%arg9 : memref<80x128xf32, #tpu.memory_space<vmem>>) offsets(%dma_start3A_54 : memref<80xi32, #tpu.memory_space<vmem>>) semaphore(%arg12 : memref<!tpu.dma_semaphore, #tpu.memory_space<semaphore_mem>>)
    %barrier3A = arith.constant 0 : index
    tpu.barrier barrier_id(%barrier3A)
    %scan3A = arith.constant 0 : i32
    %scan3A_58 = arith.constant 0 : i32
    %scan3A_59 = arith.constant 41 : i32
    %scan3A_60 = arith.addi %scan3A_58, %scan3A_59 : i32
    %scan3A_61 = arith.constant 1 : i32
    scf.for %scan3A_113 = %scan3A_58 to %scan3A_60 step %scan3A_61  : i32 {
      %mul3A_114 = arith.constant 3 : i32
      %mul3A_115 = arith.muli %mul3A_114, %scan3A_113 : i32
      %add3A_116 = arith.constant 2 : i32
      %add3A_117 = arith.addi %mul3A_115, %add3A_116 : i32
      %ge3A = arith.constant 1 : i32
      %ge3A_118 = arith.cmpi sge, %scan3A_113, %ge3A : i32
      %convert_element_type3A_119 = arith.extui %ge3A_118 : i1 to i32
      %cond3A_120 = arith.constant 0 : i32
      %cond3A_121 = arith.cmpi ne, %convert_element_type3A_119, %cond3A_120 : i32
      scf.if %cond3A_121 {
        %dma_wait3A_205 = arith.constant 0 : i32
        %dma_wait3A_206 = arith.constant 0 : i32
        %dma_wait3A_207 = tpu.memref_slice %arg7[%dma_wait3A_205, %dma_wait3A_206] : memref<125x80xi32, #tpu.memory_space<vmem>> -> memref<1x80xi32, #tpu.memory_space<vmem>>
        %dma_wait3A_208 = tpu.memref_squeeze %dma_wait3A_207 : memref<1x80xi32, #tpu.memory_space<vmem>> -> memref<80xi32, #tpu.memory_space<vmem>>
        %dma_wait3A_209 = arith.constant 0 : i32
        %dma_wait3A_210 = arith.constant 0 : i32
        %dma_wait3A_211 = tpu.memref_slice %arg17[%dma_wait3A_209, %dma_wait3A_210] : memref<10000x128xf32, #tpu.memory_space<vmem_shared>> -> memref<10000x128xf32, #tpu.memory_space<vmem_shared>>
        tpu.wait_indirect_dma semaphore(%arg16 : memref<!tpu.dma_semaphore, #tpu.memory_space<semaphore_mem>>) src(%arg10 : memref<80x128xf32, #tpu.memory_space<vmem>>) dst(%dma_wait3A_211 : memref<10000x128xf32, #tpu.memory_space<vmem_shared>>)
      } else {
      }
      %dma_start3A_122 = arith.constant 0 : i32
      %dma_start3A_123 = tpu.memref_slice %arg6[%add3A_117, %dma_start3A_122] : memref<125x80xi32, #tpu.memory_space<vmem>> -> memref<1x80xi32, #tpu.memory_space<vmem>>
      %dma_start3A_124 = tpu.memref_squeeze %dma_start3A_123 : memref<1x80xi32, #tpu.memory_space<vmem>> -> memref<80xi32, #tpu.memory_space<vmem>>
      %dma_start3A_125 = arith.constant 0 : i32
      %dma_start3A_126 = arith.constant 0 : i32
      %dma_start3A_127 = tpu.memref_slice %arg2[%dma_start3A_125, %dma_start3A_126] : memref<10000x128xf32, #tpu.memory_space<hbm>> -> memref<10000x128xf32, #tpu.memory_space<hbm>>
      tpu.enqueue_indirect_dma source(%dma_start3A_127 : memref<10000x128xf32, #tpu.memory_space<hbm>>) target(%arg10 : memref<80x128xf32, #tpu.memory_space<vmem>>) offsets(%dma_start3A_124 : memref<80xi32, #tpu.memory_space<vmem>>) semaphore(%arg13 : memref<!tpu.dma_semaphore, #tpu.memory_space<semaphore_mem>>)
      %sub3A = arith.constant 2 : i32
      %sub3A_128 = arith.subi %add3A_117, %sub3A : i32
      %dma_wait3A_129 = arith.constant 0 : i32
      %dma_wait3A_130 = tpu.memref_slice %arg6[%sub3A_128, %dma_wait3A_129] : memref<125x80xi32, #tpu.memory_space<vmem>> -> memref<1x80xi32, #tpu.memory_space<vmem>>
      %dma_wait3A_131 = tpu.memref_squeeze %dma_wait3A_130 : memref<1x80xi32, #tpu.memory_space<vmem>> -> memref<80xi32, #tpu.memory_space<vmem>>
      %dma_wait3A_132 = arith.constant 0 : i32
      %dma_wait3A_133 = arith.constant 0 : i32
      %dma_wait3A_134 = tpu.memref_slice %arg2[%dma_wait3A_132, %dma_wait3A_133] : memref<10000x128xf32, #tpu.memory_space<hbm>> -> memref<10000x128xf32, #tpu.memory_space<hbm>>
      tpu.wait_indirect_dma semaphore(%arg11 : memref<!tpu.dma_semaphore, #tpu.memory_space<semaphore_mem>>) src(%dma_wait3A_134 : memref<10000x128xf32, #tpu.memory_space<hbm>>) dst(%arg8 : memref<80x128xf32, #tpu.memory_space<vmem>>)
      %sub3A_135 = arith.constant 2 : i32
      %sub3A_136 = arith.subi %add3A_117, %sub3A_135 : i32
      %dma_start3A_137 = arith.constant 0 : i32
      %dma_start3A_138 = tpu.memref_slice %arg7[%sub3A_136, %dma_start3A_137] : memref<125x80xi32, #tpu.memory_space<vmem>> -> memref<1x80xi32, #tpu.memory_space<vmem>>
      %dma_start3A_139 = tpu.memref_squeeze %dma_start3A_138 : memref<1x80xi32, #tpu.memory_space<vmem>> -> memref<80xi32, #tpu.memory_space<vmem>>
      %dma_start3A_140 = arith.constant 0 : i32
      %dma_start3A_141 = arith.constant 0 : i32
      %dma_start3A_142 = tpu.memref_slice %arg17[%dma_start3A_140, %dma_start3A_141] : memref<10000x128xf32, #tpu.memory_space<vmem_shared>> -> memref<10000x128xf32, #tpu.memory_space<vmem_shared>>
      tpu.enqueue_indirect_dma source(%arg8 : memref<80x128xf32, #tpu.memory_space<vmem>>) target(%dma_start3A_142 : memref<10000x128xf32, #tpu.memory_space<vmem_shared>>) offsets(%dma_start3A_139 : memref<80xi32, #tpu.memory_space<vmem>>) semaphore(%arg14 : memref<!tpu.dma_semaphore, #tpu.memory_space<semaphore_mem>>) {add = true}
      %add3A_143 = arith.constant 1 : i32
      %add3A_144 = arith.addi %add3A_117, %add3A_143 : i32
      %dma_wait3A_145 = arith.constant 0 : i32
      %dma_wait3A_146 = arith.constant 0 : i32
      %dma_wait3A_147 = tpu.memref_slice %arg7[%dma_wait3A_145, %dma_wait3A_146] : memref<125x80xi32, #tpu.memory_space<vmem>> -> memref<1x80xi32, #tpu.memory_space<vmem>>
      %dma_wait3A_148 = tpu.memref_squeeze %dma_wait3A_147 : memref<1x80xi32, #tpu.memory_space<vmem>> -> memref<80xi32, #tpu.memory_space<vmem>>
      %dma_wait3A_149 = arith.constant 0 : i32
      %dma_wait3A_150 = arith.constant 0 : i32
      %dma_wait3A_151 = tpu.memref_slice %arg17[%dma_wait3A_149, %dma_wait3A_150] : memref<10000x128xf32, #tpu.memory_space<vmem_shared>> -> memref<10000x128xf32, #tpu.memory_space<vmem_shared>>
      tpu.wait_indirect_dma semaphore(%arg14 : memref<!tpu.dma_semaphore, #tpu.memory_space<semaphore_mem>>) src(%arg8 : memref<80x128xf32, #tpu.memory_space<vmem>>) dst(%dma_wait3A_151 : memref<10000x128xf32, #tpu.memory_space<vmem_shared>>)
      %dma_start3A_152 = arith.constant 0 : i32
      %dma_start3A_153 = tpu.memref_slice %arg6[%add3A_144, %dma_start3A_152] : memref<125x80xi32, #tpu.memory_space<vmem>> -> memref<1x80xi32, #tpu.memory_space<vmem>>
      %dma_start3A_154 = tpu.memref_squeeze %dma_start3A_153 : memref<1x80xi32, #tpu.memory_space<vmem>> -> memref<80xi32, #tpu.memory_space<vmem>>
      %dma_start3A_155 = arith.constant 0 : i32
      %dma_start3A_156 = arith.constant 0 : i32
      %dma_start3A_157 = tpu.memref_slice %arg2[%dma_start3A_155, %dma_start3A_156] : memref<10000x128xf32, #tpu.memory_space<hbm>> -> memref<10000x128xf32, #tpu.memory_space<hbm>>
      tpu.enqueue_indirect_dma source(%dma_start3A_157 : memref<10000x128xf32, #tpu.memory_space<hbm>>) target(%arg8 : memref<80x128xf32, #tpu.memory_space<vmem>>) offsets(%dma_start3A_154 : memref<80xi32, #tpu.memory_space<vmem>>) semaphore(%arg11 : memref<!tpu.dma_semaphore, #tpu.memory_space<semaphore_mem>>)
      %sub3A_158 = arith.constant 2 : i32
      %sub3A_159 = arith.subi %add3A_144, %sub3A_158 : i32
      %dma_wait3A_160 = arith.constant 0 : i32
      %dma_wait3A_161 = tpu.memref_slice %arg6[%sub3A_159, %dma_wait3A_160] : memref<125x80xi32, #tpu.memory_space<vmem>> -> memref<1x80xi32, #tpu.memory_space<vmem>>
      %dma_wait3A_162 = tpu.memref_squeeze %dma_wait3A_161 : memref<1x80xi32, #tpu.memory_space<vmem>> -> memref<80xi32, #tpu.memory_space<vmem>>
      %dma_wait3A_163 = arith.constant 0 : i32
      %dma_wait3A_164 = arith.constant 0 : i32
      %dma_wait3A_165 = tpu.memref_slice %arg2[%dma_wait3A_163, %dma_wait3A_164] : memref<10000x128xf32, #tpu.memory_space<hbm>> -> memref<10000x128xf32, #tpu.memory_space<hbm>>
      tpu.wait_indirect_dma semaphore(%arg12 : memref<!tpu.dma_semaphore, #tpu.memory_space<semaphore_mem>>) src(%dma_wait3A_165 : memref<10000x128xf32, #tpu.memory_space<hbm>>) dst(%arg9 : memref<80x128xf32, #tpu.memory_space<vmem>>)
      %sub3A_166 = arith.constant 2 : i32
      %sub3A_167 = arith.subi %add3A_144, %sub3A_166 : i32
      %dma_start3A_168 = arith.constant 0 : i32
      %dma_start3A_169 = tpu.memref_slice %arg7[%sub3A_167, %dma_start3A_168] : memref<125x80xi32, #tpu.memory_space<vmem>> -> memref<1x80xi32, #tpu.memory_space<vmem>>
      %dma_start3A_170 = tpu.memref_squeeze %dma_start3A_169 : memref<1x80xi32, #tpu.memory_space<vmem>> -> memref<80xi32, #tpu.memory_space<vmem>>
      %dma_start3A_171 = arith.constant 0 : i32
      %dma_start3A_172 = arith.constant 0 : i32
      %dma_start3A_173 = tpu.memref_slice %arg17[%dma_start3A_171, %dma_start3A_172] : memref<10000x128xf32, #tpu.memory_space<vmem_shared>> -> memref<10000x128xf32, #tpu.memory_space<vmem_shared>>
      tpu.enqueue_indirect_dma source(%arg9 : memref<80x128xf32, #tpu.memory_space<vmem>>) target(%dma_start3A_173 : memref<10000x128xf32, #tpu.memory_space<vmem_shared>>) offsets(%dma_start3A_170 : memref<80xi32, #tpu.memory_space<vmem>>) semaphore(%arg15 : memref<!tpu.dma_semaphore, #tpu.memory_space<semaphore_mem>>) {add = true}
      %add3A_174 = arith.constant 2 : i32
      %add3A_175 = arith.addi %add3A_117, %add3A_174 : i32
      %dma_wait3A_176 = arith.constant 0 : i32
      %dma_wait3A_177 = arith.constant 0 : i32
      %dma_wait3A_178 = tpu.memref_slice %arg7[%dma_wait3A_176, %dma_wait3A_177] : memref<125x80xi32, #tpu.memory_space<vmem>> -> memref<1x80xi32, #tpu.memory_space<vmem>>
      %dma_wait3A_179 = tpu.memref_squeeze %dma_wait3A_178 : memref<1x80xi32, #tpu.memory_space<vmem>> -> memref<80xi32, #tpu.memory_space<vmem>>
      %dma_wait3A_180 = arith.constant 0 : i32
      %dma_wait3A_181 = arith.constant 0 : i32
      %dma_wait3A_182 = tpu.memref_slice %arg17[%dma_wait3A_180, %dma_wait3A_181] : memref<10000x128xf32, #tpu.memory_space<vmem_shared>> -> memref<10000x128xf32, #tpu.memory_space<vmem_shared>>
      tpu.wait_indirect_dma semaphore(%arg15 : memref<!tpu.dma_semaphore, #tpu.memory_space<semaphore_mem>>) src(%arg9 : memref<80x128xf32, #tpu.memory_space<vmem>>) dst(%dma_wait3A_182 : memref<10000x128xf32, #tpu.memory_space<vmem_shared>>)
      %dma_start3A_183 = arith.constant 0 : i32
      %dma_start3A_184 = tpu.memref_slice %arg6[%add3A_175, %dma_start3A_183] : memref<125x80xi32, #tpu.memory_space<vmem>> -> memref<1x80xi32, #tpu.memory_space<vmem>>
      %dma_start3A_185 = tpu.memref_squeeze %dma_start3A_184 : memref<1x80xi32, #tpu.memory_space<vmem>> -> memref<80xi32, #tpu.memory_space<vmem>>
      %dma_start3A_186 = arith.constant 0 : i32
      %dma_start3A_187 = arith.constant 0 : i32
      %dma_start3A_188 = tpu.memref_slice %arg2[%dma_start3A_186, %dma_start3A_187] : memref<10000x128xf32, #tpu.memory_space<hbm>> -> memref<10000x128xf32, #tpu.memory_space<hbm>>
      tpu.enqueue_indirect_dma source(%dma_start3A_188 : memref<10000x128xf32, #tpu.memory_space<hbm>>) target(%arg9 : memref<80x128xf32, #tpu.memory_space<vmem>>) offsets(%dma_start3A_185 : memref<80xi32, #tpu.memory_space<vmem>>) semaphore(%arg12 : memref<!tpu.dma_semaphore, #tpu.memory_space<semaphore_mem>>)
      %sub3A_189 = arith.constant 2 : i32
      %sub3A_190 = arith.subi %add3A_175, %sub3A_189 : i32
      %dma_wait3A_191 = arith.constant 0 : i32
      %dma_wait3A_192 = tpu.memref_slice %arg6[%sub3A_190, %dma_wait3A_191] : memref<125x80xi32, #tpu.memory_space<vmem>> -> memref<1x80xi32, #tpu.memory_space<vmem>>
      %dma_wait3A_193 = tpu.memref_squeeze %dma_wait3A_192 : memref<1x80xi32, #tpu.memory_space<vmem>> -> memref<80xi32, #tpu.memory_space<vmem>>
      %dma_wait3A_194 = arith.constant 0 : i32
      %dma_wait3A_195 = arith.constant 0 : i32
      %dma_wait3A_196 = tpu.memref_slice %arg2[%dma_wait3A_194, %dma_wait3A_195] : memref<10000x128xf32, #tpu.memory_space<hbm>> -> memref<10000x128xf32, #tpu.memory_space<hbm>>
      tpu.wait_indirect_dma semaphore(%arg13 : memref<!tpu.dma_semaphore, #tpu.memory_space<semaphore_mem>>) src(%dma_wait3A_196 : memref<10000x128xf32, #tpu.memory_space<hbm>>) dst(%arg10 : memref<80x128xf32, #tpu.memory_space<vmem>>)
      %sub3A_197 = arith.constant 2 : i32
      %sub3A_198 = arith.subi %add3A_175, %sub3A_197 : i32
      %dma_start3A_199 = arith.constant 0 : i32
      %dma_start3A_200 = tpu.memref_slice %arg7[%sub3A_198, %dma_start3A_199] : memref<125x80xi32, #tpu.memory_space<vmem>> -> memref<1x80xi32, #tpu.memory_space<vmem>>
      %dma_start3A_201 = tpu.memref_squeeze %dma_start3A_200 : memref<1x80xi32, #tpu.memory_space<vmem>> -> memref<80xi32, #tpu.memory_space<vmem>>
      %dma_start3A_202 = arith.constant 0 : i32
      %dma_start3A_203 = arith.constant 0 : i32
      %dma_start3A_204 = tpu.memref_slice %arg17[%dma_start3A_202, %dma_start3A_203] : memref<10000x128xf32, #tpu.memory_space<vmem_shared>> -> memref<10000x128xf32, #tpu.memory_space<vmem_shared>>
      tpu.enqueue_indirect_dma source(%arg10 : memref<80x128xf32, #tpu.memory_space<vmem>>) target(%dma_start3A_204 : memref<10000x128xf32, #tpu.memory_space<vmem_shared>>) offsets(%dma_start3A_201 : memref<80xi32, #tpu.memory_space<vmem>>) semaphore(%arg16 : memref<!tpu.dma_semaphore, #tpu.memory_space<semaphore_mem>>) {add = true}
    }
    %scan3A_62 = arith.constant 41 : i32
    %dma_wait3A_63 = arith.constant 123 : i32
    %dma_wait3A_64 = arith.constant 0 : i32
    %dma_wait3A_65 = tpu.memref_slice %arg6[%dma_wait3A_63, %dma_wait3A_64] : memref<125x80xi32, #tpu.memory_space<vmem>> -> memref<1x80xi32, #tpu.memory_space<vmem>>
    %dma_wait3A_66 = tpu.memref_squeeze %dma_wait3A_65 : memref<1x80xi32, #tpu.memory_space<vmem>> -> memref<80xi32, #tpu.memory_space<vmem>>
    %dma_wait3A_67 = arith.constant 0 : i32
    %dma_wait3A_68 = arith.constant 0 : i32
    %dma_wait3A_69 = tpu.memref_slice %arg2[%dma_wait3A_67, %dma_wait3A_68] : memref<10000x128xf32, #tpu.memory_space<hbm>> -> memref<10000x128xf32, #tpu.memory_space<hbm>>
    tpu.wait_indirect_dma semaphore(%arg11 : memref<!tpu.dma_semaphore, #tpu.memory_space<semaphore_mem>>) src(%dma_wait3A_69 : memref<10000x128xf32, #tpu.memory_space<hbm>>) dst(%arg8 : memref<80x128xf32, #tpu.memory_space<vmem>>)
    %dma_start3A_70 = arith.constant 123 : i32
    %dma_start3A_71 = arith.constant 0 : i32
    %dma_start3A_72 = tpu.memref_slice %arg7[%dma_start3A_70, %dma_start3A_71] : memref<125x80xi32, #tpu.memory_space<vmem>> -> memref<1x80xi32, #tpu.memory_space<vmem>>
    %dma_start3A_73 = tpu.memref_squeeze %dma_start3A_72 : memref<1x80xi32, #tpu.memory_space<vmem>> -> memref<80xi32, #tpu.memory_space<vmem>>
    %dma_start3A_74 = arith.constant 0 : i32
    %dma_start3A_75 = arith.constant 0 : i32
    %dma_start3A_76 = tpu.memref_slice %arg17[%dma_start3A_74, %dma_start3A_75] : memref<10000x128xf32, #tpu.memory_space<vmem_shared>> -> memref<10000x128xf32, #tpu.memory_space<vmem_shared>>
    tpu.enqueue_indirect_dma source(%arg8 : memref<80x128xf32, #tpu.memory_space<vmem>>) target(%dma_start3A_76 : memref<10000x128xf32, #tpu.memory_space<vmem_shared>>) offsets(%dma_start3A_73 : memref<80xi32, #tpu.memory_space<vmem>>) semaphore(%arg14 : memref<!tpu.dma_semaphore, #tpu.memory_space<semaphore_mem>>) {add = true}
    %dma_wait3A_77 = arith.constant 124 : i32
    %dma_wait3A_78 = arith.constant 0 : i32
    %dma_wait3A_79 = tpu.memref_slice %arg6[%dma_wait3A_77, %dma_wait3A_78] : memref<125x80xi32, #tpu.memory_space<vmem>> -> memref<1x80xi32, #tpu.memory_space<vmem>>
    %dma_wait3A_80 = tpu.memref_squeeze %dma_wait3A_79 : memref<1x80xi32, #tpu.memory_space<vmem>> -> memref<80xi32, #tpu.memory_space<vmem>>
    %dma_wait3A_81 = arith.constant 0 : i32
    %dma_wait3A_82 = arith.constant 0 : i32
    %dma_wait3A_83 = tpu.memref_slice %arg2[%dma_wait3A_81, %dma_wait3A_82] : memref<10000x128xf32, #tpu.memory_space<hbm>> -> memref<10000x128xf32, #tpu.memory_space<hbm>>
    tpu.wait_indirect_dma semaphore(%arg12 : memref<!tpu.dma_semaphore, #tpu.memory_space<semaphore_mem>>) src(%dma_wait3A_83 : memref<10000x128xf32, #tpu.memory_space<hbm>>) dst(%arg9 : memref<80x128xf32, #tpu.memory_space<vmem>>)
    %dma_start3A_84 = arith.constant 124 : i32
    %dma_start3A_85 = arith.constant 0 : i32
    %dma_start3A_86 = tpu.memref_slice %arg7[%dma_start3A_84, %dma_start3A_85] : memref<125x80xi32, #tpu.memory_space<vmem>> -> memref<1x80xi32, #tpu.memory_space<vmem>>
    %dma_start3A_87 = tpu.memref_squeeze %dma_start3A_86 : memref<1x80xi32, #tpu.memory_space<vmem>> -> memref<80xi32, #tpu.memory_space<vmem>>
    %dma_start3A_88 = arith.constant 0 : i32
    %dma_start3A_89 = arith.constant 0 : i32
    %dma_start3A_90 = tpu.memref_slice %arg17[%dma_start3A_88, %dma_start3A_89] : memref<10000x128xf32, #tpu.memory_space<vmem_shared>> -> memref<10000x128xf32, #tpu.memory_space<vmem_shared>>
    tpu.enqueue_indirect_dma source(%arg9 : memref<80x128xf32, #tpu.memory_space<vmem>>) target(%dma_start3A_90 : memref<10000x128xf32, #tpu.memory_space<vmem_shared>>) offsets(%dma_start3A_87 : memref<80xi32, #tpu.memory_space<vmem>>) semaphore(%arg15 : memref<!tpu.dma_semaphore, #tpu.memory_space<semaphore_mem>>) {add = true}
    %dma_wait3A_91 = arith.constant 0 : i32
    %dma_wait3A_92 = arith.constant 0 : i32
    %dma_wait3A_93 = tpu.memref_slice %arg7[%dma_wait3A_91, %dma_wait3A_92] : memref<125x80xi32, #tpu.memory_space<vmem>> -> memref<1x80xi32, #tpu.memory_space<vmem>>
    %dma_wait3A_94 = tpu.memref_squeeze %dma_wait3A_93 : memref<1x80xi32, #tpu.memory_space<vmem>> -> memref<80xi32, #tpu.memory_space<vmem>>
    %dma_wait3A_95 = arith.constant 0 : i32
    %dma_wait3A_96 = arith.constant 0 : i32
    %dma_wait3A_97 = tpu.memref_slice %arg17[%dma_wait3A_95, %dma_wait3A_96] : memref<10000x128xf32, #tpu.memory_space<vmem_shared>> -> memref<10000x128xf32, #tpu.memory_space<vmem_shared>>
    tpu.wait_indirect_dma semaphore(%arg16 : memref<!tpu.dma_semaphore, #tpu.memory_space<semaphore_mem>>) src(%arg10 : memref<80x128xf32, #tpu.memory_space<vmem>>) dst(%dma_wait3A_97 : memref<10000x128xf32, #tpu.memory_space<vmem_shared>>)
    %dma_wait3A_98 = arith.constant 0 : i32
    %dma_wait3A_99 = arith.constant 0 : i32
    %dma_wait3A_100 = tpu.memref_slice %arg7[%dma_wait3A_98, %dma_wait3A_99] : memref<125x80xi32, #tpu.memory_space<vmem>> -> memref<1x80xi32, #tpu.memory_space<vmem>>
    %dma_wait3A_101 = tpu.memref_squeeze %dma_wait3A_100 : memref<1x80xi32, #tpu.memory_space<vmem>> -> memref<80xi32, #tpu.memory_space<vmem>>
    %dma_wait3A_102 = arith.constant 0 : i32
    %dma_wait3A_103 = arith.constant 0 : i32
    %dma_wait3A_104 = tpu.memref_slice %arg17[%dma_wait3A_102, %dma_wait3A_103] : memref<10000x128xf32, #tpu.memory_space<vmem_shared>> -> memref<10000x128xf32, #tpu.memory_space<vmem_shared>>
    tpu.wait_indirect_dma semaphore(%arg14 : memref<!tpu.dma_semaphore, #tpu.memory_space<semaphore_mem>>) src(%arg8 : memref<80x128xf32, #tpu.memory_space<vmem>>) dst(%dma_wait3A_104 : memref<10000x128xf32, #tpu.memory_space<vmem_shared>>)
    %dma_wait3A_105 = arith.constant 0 : i32
    %dma_wait3A_106 = arith.constant 0 : i32
    %dma_wait3A_107 = tpu.memref_slice %arg7[%dma_wait3A_105, %dma_wait3A_106] : memref<125x80xi32, #tpu.memory_space<vmem>> -> memref<1x80xi32, #tpu.memory_space<vmem>>
    %dma_wait3A_108 = tpu.memref_squeeze %dma_wait3A_107 : memref<1x80xi32, #tpu.memory_space<vmem>> -> memref<80xi32, #tpu.memory_space<vmem>>
    %dma_wait3A_109 = arith.constant 0 : i32
    %dma_wait3A_110 = arith.constant 0 : i32
    %dma_wait3A_111 = tpu.memref_slice %arg17[%dma_wait3A_109, %dma_wait3A_110] : memref<10000x128xf32, #tpu.memory_space<vmem_shared>> -> memref<10000x128xf32, #tpu.memory_space<vmem_shared>>
    tpu.wait_indirect_dma semaphore(%arg15 : memref<!tpu.dma_semaphore, #tpu.memory_space<semaphore_mem>>) src(%arg9 : memref<80x128xf32, #tpu.memory_space<vmem>>) dst(%dma_wait3A_111 : memref<10000x128xf32, #tpu.memory_space<vmem_shared>>)
    %barrier3A_112 = arith.constant 0 : index
    tpu.barrier barrier_id(%barrier3A_112)
    "tpu.region"() ({
      %run_scoped3A = tpu.sem_alloc : memref<!tpu.dma_semaphore, #tpu.memory_space<semaphore_mem>>
      %dma_start3A_113 = arith.constant 0 : i32
      %dma_start3A_114 = tpu.memref_slice %arg5[%arg0, %mul3A_2, %dma_start3A_113] : memref<2x10000x128xf32, #tpu.memory_space<hbm>> -> memref<1x625x128xf32, #tpu.memory_space<hbm>>
      %dma_start3A_115 = tpu.memref_squeeze %dma_start3A_114 : memref<1x625x128xf32, #tpu.memory_space<hbm>> -> memref<625x128xf32, #tpu.memory_space<hbm>>
      %dma_start3A_116 = arith.constant 0 : i32
      %dma_start3A_117 = tpu.memref_slice %arg17[%mul3A_2, %dma_start3A_116] : memref<10000x128xf32, #tpu.memory_space<vmem_shared>> -> memref<625x128xf32, #tpu.memory_space<vmem_shared>>
      tpu.enqueue_dma source(%dma_start3A_117 : memref<625x128xf32, #tpu.memory_space<vmem_shared>>) target(%dma_start3A_115 : memref<625x128xf32, #tpu.memory_space<hbm>>) target_semaphore(%run_scoped3A : memref<!tpu.dma_semaphore, #tpu.memory_space<semaphore_mem>>)
      %dma_wait3A_118 = arith.constant 0 : i32
      %dma_wait3A_119 = tpu.memref_slice %arg5[%arg0, %mul3A_2, %dma_wait3A_118] : memref<2x10000x128xf32, #tpu.memory_space<hbm>> -> memref<1x625x128xf32, #tpu.memory_space<hbm>>
      %dma_wait3A_120 = tpu.memref_squeeze %dma_wait3A_119 : memref<1x625x128xf32, #tpu.memory_space<hbm>> -> memref<625x128xf32, #tpu.memory_space<hbm>>
      %dma_wait3A_121 = arith.constant 0 : i32
      %dma_wait3A_122 = tpu.memref_slice %arg17[%mul3A_2, %dma_wait3A_121] : memref<10000x128xf32, #tpu.memory_space<vmem_shared>> -> memref<625x128xf32, #tpu.memory_space<vmem_shared>>
      tpu.wait_dma2 semaphore(%run_scoped3A : memref<!tpu.dma_semaphore, #tpu.memory_space<semaphore_mem>>) src(%dma_wait3A_122 : memref<625x128xf32, #tpu.memory_space<vmem_shared>>) dst(%dma_wait3A_120 : memref<625x128xf32, #tpu.memory_space<hbm>>)
      tpu.yield
    }) : () -> ()
    return
  }
}

#map = affine_map<(d0, d1) -> (0, 0)>
#map1 = affine_map<(d0, d1) -> (0, 0, 0)>
module attributes {stable_mosaic.version = 14 : i64} {
  func.func @agg_kernel(%arg0: i32, %arg1: i32, %arg2: memref<10000x128xf32, #tpu.memory_space<hbm>>, %arg3: memref<10000x128xf32, #tpu.memory_space<hbm>>, %arg4: memref<2x4000x80xi32, #tpu.memory_space<hbm>>, %arg5: memref<2x10000x128xf32, #tpu.memory_space<hbm>>, %arg6: memref<125x80xi32, #tpu.memory_space<vmem>>, %arg7: memref<125x80xi32, #tpu.memory_space<vmem>>, %arg8: memref<80x128xf32, #tpu.memory_space<vmem>>, %arg9: memref<80x128xf32, #tpu.memory_space<vmem>>, %arg10: memref<80x128xf32, #tpu.memory_space<vmem>>, %arg11: memref<!tpu.dma_semaphore, #tpu.memory_space<semaphore_mem>>, %arg12: memref<!tpu.dma_semaphore, #tpu.memory_space<semaphore_mem>>, %arg13: memref<!tpu.dma_semaphore, #tpu.memory_space<semaphore_mem>>, %arg14: memref<!tpu.dma_semaphore, #tpu.memory_space<semaphore_mem>>, %arg15: memref<!tpu.dma_semaphore, #tpu.memory_space<semaphore_mem>>, %arg16: memref<!tpu.dma_semaphore, #tpu.memory_space<semaphore_mem>>, %arg17: memref<10000x128xf32, #tpu.memory_space<vmem_shared>>) attributes {dimension_semantics = [#tpu.dimension_semantics<core_parallel>, #tpu.dimension_semantics<subcore_parallel>], iteration_bounds = array<i64: 2, 16>, scalar_prefetch = 0 : i64, scratch_operands = 12 : i64, tpu.core_type = #tpu.core_type<sc_vector_subcore>, window_params = [{transform_indices = #map}, {transform_indices = #map}, {transform_indices = #map1}, {transform_indices = #map1}]} {
    %mul3A = arith.constant 2 : i32
    %mul3A_0 = arith.muli %arg1, %mul3A : i32
    %add3A = arith.addi %mul3A_0, %arg0 : i32
    %mul3A_1 = arith.constant 625 : i32
    %mul3A_2 = arith.muli %arg1, %mul3A_1 : i32
    %mul3A_3 = arith.constant 125 : i32
    %mul3A_4 = arith.muli %add3A, %mul3A_3 : i32
    %dma_start3A = arith.constant 0 : i32
    %dma_start3A_5 = arith.constant 0 : i32
    %dma_start3A_6 = tpu.memref_slice %arg4[%dma_start3A, %mul3A_4, %dma_start3A_5] : memref<2x4000x80xi32, #tpu.memory_space<hbm>> -> memref<1x125x80xi32, #tpu.memory_space<hbm>>
    %dma_start3A_7 = tpu.memref_squeeze %dma_start3A_6 : memref<1x125x80xi32, #tpu.memory_space<hbm>> -> memref<125x80xi32, #tpu.memory_space<hbm>>
    %dma_start3A_8 = arith.constant 0 : i32
    %dma_start3A_9 = tpu.memref_slice %arg4[%dma_start3A, %mul3A_4, %dma_start3A_8] : memref<2x4000x80xi32, #tpu.memory_space<hbm>> -> memref<1x125x80xi32, #tpu.memory_space<hbm>>
    %dma_start3A_10 = tpu.memref_squeeze %dma_start3A_9 : memref<1x125x80xi32, #tpu.memory_space<hbm>> -> memref<125x80xi32, #tpu.memory_space<hbm>>
    tpu.enqueue_dma source(%dma_start3A_10 : memref<125x80xi32, #tpu.memory_space<hbm>>) target(%arg6 : memref<125x80xi32, #tpu.memory_space<vmem>>) target_semaphore(%arg11 : memref<!tpu.dma_semaphore, #tpu.memory_space<semaphore_mem>>)
    %mul3A_11 = arith.constant 125 : i32
    %mul3A_12 = arith.muli %add3A, %mul3A_11 : i32
    %dma_start3A_13 = arith.constant 1 : i32
    %dma_start3A_14 = arith.constant 0 : i32
    %dma_start3A_15 = tpu.memref_slice %arg4[%dma_start3A_13, %mul3A_12, %dma_start3A_14] : memref<2x4000x80xi32, #tpu.memory_space<hbm>> -> memref<1x125x80xi32, #tpu.memory_space<hbm>>
    %dma_start3A_16 = tpu.memref_squeeze %dma_start3A_15 : memref<1x125x80xi32, #tpu.memory_space<hbm>> -> memref<125x80xi32, #tpu.memory_space<hbm>>
    %dma_start3A_17 = arith.constant 0 : i32
    %dma_start3A_18 = tpu.memref_slice %arg4[%dma_start3A_13, %mul3A_12, %dma_start3A_17] : memref<2x4000x80xi32, #tpu.memory_space<hbm>> -> memref<1x125x80xi32, #tpu.memory_space<hbm>>
    %dma_start3A_19 = tpu.memref_squeeze %dma_start3A_18 : memref<1x125x80xi32, #tpu.memory_space<hbm>> -> memref<125x80xi32, #tpu.memory_space<hbm>>
    tpu.enqueue_dma source(%dma_start3A_19 : memref<125x80xi32, #tpu.memory_space<hbm>>) target(%arg7 : memref<125x80xi32, #tpu.memory_space<vmem>>) target_semaphore(%arg12 : memref<!tpu.dma_semaphore, #tpu.memory_space<semaphore_mem>>)
    %eq3A = arith.constant 0 : i32
    %eq3A_20 = arith.cmpi eq, %arg0, %eq3A : i32
    %convert_element_type3A = arith.extui %eq3A_20 : i1 to i32
    %cond3A = arith.constant 0 : i32
    %cond3A_21 = arith.cmpi ne, %convert_element_type3A, %cond3A : i32
    scf.if %cond3A_21 {
      "tpu.region"() ({
        %run_scoped3A = tpu.sem_alloc : memref<!tpu.dma_semaphore, #tpu.memory_space<semaphore_mem>>
        %dma_start3A_113 = arith.constant 0 : i32
        %dma_start3A_114 = tpu.memref_slice %arg17[%mul3A_2, %dma_start3A_113] : memref<10000x128xf32, #tpu.memory_space<vmem_shared>> -> memref<625x128xf32, #tpu.memory_space<vmem_shared>>
        %dma_start3A_115 = arith.constant 0 : i32
        %dma_start3A_116 = tpu.memref_slice %arg2[%mul3A_2, %dma_start3A_115] : memref<10000x128xf32, #tpu.memory_space<hbm>> -> memref<625x128xf32, #tpu.memory_space<hbm>>
        tpu.enqueue_dma source(%dma_start3A_116 : memref<625x128xf32, #tpu.memory_space<hbm>>) target(%dma_start3A_114 : memref<625x128xf32, #tpu.memory_space<vmem_shared>>) target_semaphore(%run_scoped3A : memref<!tpu.dma_semaphore, #tpu.memory_space<semaphore_mem>>)
        %dma_wait3A_117 = arith.constant 0 : i32
        %dma_wait3A_118 = tpu.memref_slice %arg17[%mul3A_2, %dma_wait3A_117] : memref<10000x128xf32, #tpu.memory_space<vmem_shared>> -> memref<625x128xf32, #tpu.memory_space<vmem_shared>>
        %dma_wait3A_119 = arith.constant 0 : i32
        %dma_wait3A_120 = tpu.memref_slice %arg2[%mul3A_2, %dma_wait3A_119] : memref<10000x128xf32, #tpu.memory_space<hbm>> -> memref<625x128xf32, #tpu.memory_space<hbm>>
        tpu.wait_dma2 semaphore(%run_scoped3A : memref<!tpu.dma_semaphore, #tpu.memory_space<semaphore_mem>>) src(%dma_wait3A_120 : memref<625x128xf32, #tpu.memory_space<hbm>>) dst(%dma_wait3A_118 : memref<625x128xf32, #tpu.memory_space<vmem_shared>>)
        tpu.yield
      }) : () -> ()
    } else {
    }
    %eq3A_22 = arith.constant 1 : i32
    %eq3A_23 = arith.cmpi eq, %arg0, %eq3A_22 : i32
    %convert_element_type3A_24 = arith.extui %eq3A_23 : i1 to i32
    %cond3A_25 = arith.constant 0 : i32
    %cond3A_26 = arith.cmpi ne, %convert_element_type3A_24, %cond3A_25 : i32
    scf.if %cond3A_26 {
      "tpu.region"() ({
        %run_scoped3A = tpu.sem_alloc : memref<!tpu.dma_semaphore, #tpu.memory_space<semaphore_mem>>
        %dma_start3A_113 = arith.constant 0 : i32
        %dma_start3A_114 = tpu.memref_slice %arg17[%mul3A_2, %dma_start3A_113] : memref<10000x128xf32, #tpu.memory_space<vmem_shared>> -> memref<625x128xf32, #tpu.memory_space<vmem_shared>>
        %dma_start3A_115 = arith.constant 0 : i32
        %dma_start3A_116 = tpu.memref_slice %arg3[%mul3A_2, %dma_start3A_115] : memref<10000x128xf32, #tpu.memory_space<hbm>> -> memref<625x128xf32, #tpu.memory_space<hbm>>
        tpu.enqueue_dma source(%dma_start3A_116 : memref<625x128xf32, #tpu.memory_space<hbm>>) target(%dma_start3A_114 : memref<625x128xf32, #tpu.memory_space<vmem_shared>>) target_semaphore(%run_scoped3A : memref<!tpu.dma_semaphore, #tpu.memory_space<semaphore_mem>>)
        %dma_wait3A_117 = arith.constant 0 : i32
        %dma_wait3A_118 = tpu.memref_slice %arg17[%mul3A_2, %dma_wait3A_117] : memref<10000x128xf32, #tpu.memory_space<vmem_shared>> -> memref<625x128xf32, #tpu.memory_space<vmem_shared>>
        %dma_wait3A_119 = arith.constant 0 : i32
        %dma_wait3A_120 = tpu.memref_slice %arg3[%mul3A_2, %dma_wait3A_119] : memref<10000x128xf32, #tpu.memory_space<hbm>> -> memref<625x128xf32, #tpu.memory_space<hbm>>
        tpu.wait_dma2 semaphore(%run_scoped3A : memref<!tpu.dma_semaphore, #tpu.memory_space<semaphore_mem>>) src(%dma_wait3A_120 : memref<625x128xf32, #tpu.memory_space<hbm>>) dst(%dma_wait3A_118 : memref<625x128xf32, #tpu.memory_space<vmem_shared>>)
        tpu.yield
      }) : () -> ()
    } else {
    }
    %mul3A_27 = arith.constant 125 : i32
    %mul3A_28 = arith.muli %add3A, %mul3A_27 : i32
    %dma_wait3A = arith.constant 0 : i32
    %dma_wait3A_29 = arith.constant 0 : i32
    %dma_wait3A_30 = tpu.memref_slice %arg4[%dma_wait3A, %mul3A_28, %dma_wait3A_29] : memref<2x4000x80xi32, #tpu.memory_space<hbm>> -> memref<1x125x80xi32, #tpu.memory_space<hbm>>
    %dma_wait3A_31 = tpu.memref_squeeze %dma_wait3A_30 : memref<1x125x80xi32, #tpu.memory_space<hbm>> -> memref<125x80xi32, #tpu.memory_space<hbm>>
    %dma_wait3A_32 = arith.constant 0 : i32
    %dma_wait3A_33 = tpu.memref_slice %arg4[%dma_wait3A, %mul3A_28, %dma_wait3A_32] : memref<2x4000x80xi32, #tpu.memory_space<hbm>> -> memref<1x125x80xi32, #tpu.memory_space<hbm>>
    %dma_wait3A_34 = tpu.memref_squeeze %dma_wait3A_33 : memref<1x125x80xi32, #tpu.memory_space<hbm>> -> memref<125x80xi32, #tpu.memory_space<hbm>>
    tpu.wait_dma2 semaphore(%arg11 : memref<!tpu.dma_semaphore, #tpu.memory_space<semaphore_mem>>) src(%dma_wait3A_34 : memref<125x80xi32, #tpu.memory_space<hbm>>) dst(%arg6 : memref<125x80xi32, #tpu.memory_space<vmem>>)
    %mul3A_35 = arith.constant 125 : i32
    %mul3A_36 = arith.muli %add3A, %mul3A_35 : i32
    %dma_wait3A_37 = arith.constant 1 : i32
    %dma_wait3A_38 = arith.constant 0 : i32
    %dma_wait3A_39 = tpu.memref_slice %arg4[%dma_wait3A_37, %mul3A_36, %dma_wait3A_38] : memref<2x4000x80xi32, #tpu.memory_space<hbm>> -> memref<1x125x80xi32, #tpu.memory_space<hbm>>
    %dma_wait3A_40 = tpu.memref_squeeze %dma_wait3A_39 : memref<1x125x80xi32, #tpu.memory_space<hbm>> -> memref<125x80xi32, #tpu.memory_space<hbm>>
    %dma_wait3A_41 = arith.constant 0 : i32
    %dma_wait3A_42 = tpu.memref_slice %arg4[%dma_wait3A_37, %mul3A_36, %dma_wait3A_41] : memref<2x4000x80xi32, #tpu.memory_space<hbm>> -> memref<1x125x80xi32, #tpu.memory_space<hbm>>
    %dma_wait3A_43 = tpu.memref_squeeze %dma_wait3A_42 : memref<1x125x80xi32, #tpu.memory_space<hbm>> -> memref<125x80xi32, #tpu.memory_space<hbm>>
    tpu.wait_dma2 semaphore(%arg12 : memref<!tpu.dma_semaphore, #tpu.memory_space<semaphore_mem>>) src(%dma_wait3A_43 : memref<125x80xi32, #tpu.memory_space<hbm>>) dst(%arg7 : memref<125x80xi32, #tpu.memory_space<vmem>>)
    %dma_start3A_44 = arith.constant 0 : i32
    %dma_start3A_45 = arith.constant 0 : i32
    %dma_start3A_46 = tpu.memref_slice %arg6[%dma_start3A_44, %dma_start3A_45] : memref<125x80xi32, #tpu.memory_space<vmem>> -> memref<1x80xi32, #tpu.memory_space<vmem>>
    %dma_start3A_47 = tpu.memref_squeeze %dma_start3A_46 : memref<1x80xi32, #tpu.memory_space<vmem>> -> memref<80xi32, #tpu.memory_space<vmem>>
    %dma_start3A_48 = arith.constant 0 : i32
    %dma_start3A_49 = arith.constant 0 : i32
    %dma_start3A_50 = tpu.memref_slice %arg2[%dma_start3A_48, %dma_start3A_49] : memref<10000x128xf32, #tpu.memory_space<hbm>> -> memref<10000x128xf32, #tpu.memory_space<hbm>>
    tpu.enqueue_indirect_dma source(%dma_start3A_50 : memref<10000x128xf32, #tpu.memory_space<hbm>>) target(%arg8 : memref<80x128xf32, #tpu.memory_space<vmem>>) offsets(%dma_start3A_47 : memref<80xi32, #tpu.memory_space<vmem>>) semaphore(%arg11 : memref<!tpu.dma_semaphore, #tpu.memory_space<semaphore_mem>>)
    %dma_start3A_51 = arith.constant 1 : i32
    %dma_start3A_52 = arith.constant 0 : i32
    %dma_start3A_53 = tpu.memref_slice %arg6[%dma_start3A_51, %dma_start3A_52] : memref<125x80xi32, #tpu.memory_space<vmem>> -> memref<1x80xi32, #tpu.memory_space<vmem>>
    %dma_start3A_54 = tpu.memref_squeeze %dma_start3A_53 : memref<1x80xi32, #tpu.memory_space<vmem>> -> memref<80xi32, #tpu.memory_space<vmem>>
    %dma_start3A_55 = arith.constant 0 : i32
    %dma_start3A_56 = arith.constant 0 : i32
    %dma_start3A_57 = tpu.memref_slice %arg2[%dma_start3A_55, %dma_start3A_56] : memref<10000x128xf32, #tpu.memory_space<hbm>> -> memref<10000x128xf32, #tpu.memory_space<hbm>>
    tpu.enqueue_indirect_dma source(%dma_start3A_57 : memref<10000x128xf32, #tpu.memory_space<hbm>>) target(%arg9 : memref<80x128xf32, #tpu.memory_space<vmem>>) offsets(%dma_start3A_54 : memref<80xi32, #tpu.memory_space<vmem>>) semaphore(%arg12 : memref<!tpu.dma_semaphore, #tpu.memory_space<semaphore_mem>>)
    %barrier3A = arith.constant 0 : index
    tpu.barrier barrier_id(%barrier3A)
    %scan3A = arith.constant 0 : i32
    %scan3A_58 = arith.constant 0 : i32
    %scan3A_59 = arith.constant 41 : i32
    %scan3A_60 = arith.addi %scan3A_58, %scan3A_59 : i32
    %scan3A_61 = arith.constant 1 : i32
    scf.for %scan3A_113 = %scan3A_58 to %scan3A_60 step %scan3A_61  : i32 {
      %mul3A_114 = arith.constant 3 : i32
      %mul3A_115 = arith.muli %mul3A_114, %scan3A_113 : i32
      %add3A_116 = arith.constant 2 : i32
      %add3A_117 = arith.addi %mul3A_115, %add3A_116 : i32
      %ge3A = arith.constant 1 : i32
      %ge3A_118 = arith.cmpi sge, %scan3A_113, %ge3A : i32
      %convert_element_type3A_119 = arith.extui %ge3A_118 : i1 to i32
      %cond3A_120 = arith.constant 0 : i32
      %cond3A_121 = arith.cmpi ne, %convert_element_type3A_119, %cond3A_120 : i32
      scf.if %cond3A_121 {
        %dma_wait3A_205 = arith.constant 0 : i32
        %dma_wait3A_206 = arith.constant 0 : i32
        %dma_wait3A_207 = tpu.memref_slice %arg7[%dma_wait3A_205, %dma_wait3A_206] : memref<125x80xi32, #tpu.memory_space<vmem>> -> memref<1x80xi32, #tpu.memory_space<vmem>>
        %dma_wait3A_208 = tpu.memref_squeeze %dma_wait3A_207 : memref<1x80xi32, #tpu.memory_space<vmem>> -> memref<80xi32, #tpu.memory_space<vmem>>
        %dma_wait3A_209 = arith.constant 0 : i32
        %dma_wait3A_210 = arith.constant 0 : i32
        %dma_wait3A_211 = tpu.memref_slice %arg17[%dma_wait3A_209, %dma_wait3A_210] : memref<10000x128xf32, #tpu.memory_space<vmem_shared>> -> memref<10000x128xf32, #tpu.memory_space<vmem_shared>>
        tpu.wait_indirect_dma semaphore(%arg16 : memref<!tpu.dma_semaphore, #tpu.memory_space<semaphore_mem>>) src(%arg10 : memref<80x128xf32, #tpu.memory_space<vmem>>) dst(%dma_wait3A_211 : memref<10000x128xf32, #tpu.memory_space<vmem_shared>>)
      } else {
      }
      %dma_start3A_122 = arith.constant 0 : i32
      %dma_start3A_123 = tpu.memref_slice %arg6[%add3A_117, %dma_start3A_122] : memref<125x80xi32, #tpu.memory_space<vmem>> -> memref<1x80xi32, #tpu.memory_space<vmem>>
      %dma_start3A_124 = tpu.memref_squeeze %dma_start3A_123 : memref<1x80xi32, #tpu.memory_space<vmem>> -> memref<80xi32, #tpu.memory_space<vmem>>
      %dma_start3A_125 = arith.constant 0 : i32
      %dma_start3A_126 = arith.constant 0 : i32
      %dma_start3A_127 = tpu.memref_slice %arg2[%dma_start3A_125, %dma_start3A_126] : memref<10000x128xf32, #tpu.memory_space<hbm>> -> memref<10000x128xf32, #tpu.memory_space<hbm>>
      tpu.enqueue_indirect_dma source(%dma_start3A_127 : memref<10000x128xf32, #tpu.memory_space<hbm>>) target(%arg10 : memref<80x128xf32, #tpu.memory_space<vmem>>) offsets(%dma_start3A_124 : memref<80xi32, #tpu.memory_space<vmem>>) semaphore(%arg13 : memref<!tpu.dma_semaphore, #tpu.memory_space<semaphore_mem>>)
      %sub3A = arith.constant 2 : i32
      %sub3A_128 = arith.subi %add3A_117, %sub3A : i32
      %dma_wait3A_129 = arith.constant 0 : i32
      %dma_wait3A_130 = tpu.memref_slice %arg6[%sub3A_128, %dma_wait3A_129] : memref<125x80xi32, #tpu.memory_space<vmem>> -> memref<1x80xi32, #tpu.memory_space<vmem>>
      %dma_wait3A_131 = tpu.memref_squeeze %dma_wait3A_130 : memref<1x80xi32, #tpu.memory_space<vmem>> -> memref<80xi32, #tpu.memory_space<vmem>>
      %dma_wait3A_132 = arith.constant 0 : i32
      %dma_wait3A_133 = arith.constant 0 : i32
      %dma_wait3A_134 = tpu.memref_slice %arg2[%dma_wait3A_132, %dma_wait3A_133] : memref<10000x128xf32, #tpu.memory_space<hbm>> -> memref<10000x128xf32, #tpu.memory_space<hbm>>
      tpu.wait_indirect_dma semaphore(%arg11 : memref<!tpu.dma_semaphore, #tpu.memory_space<semaphore_mem>>) src(%dma_wait3A_134 : memref<10000x128xf32, #tpu.memory_space<hbm>>) dst(%arg8 : memref<80x128xf32, #tpu.memory_space<vmem>>)
      %sub3A_135 = arith.constant 2 : i32
      %sub3A_136 = arith.subi %add3A_117, %sub3A_135 : i32
      %dma_start3A_137 = arith.constant 0 : i32
      %dma_start3A_138 = tpu.memref_slice %arg7[%sub3A_136, %dma_start3A_137] : memref<125x80xi32, #tpu.memory_space<vmem>> -> memref<1x80xi32, #tpu.memory_space<vmem>>
      %dma_start3A_139 = tpu.memref_squeeze %dma_start3A_138 : memref<1x80xi32, #tpu.memory_space<vmem>> -> memref<80xi32, #tpu.memory_space<vmem>>
      %dma_start3A_140 = arith.constant 0 : i32
      %dma_start3A_141 = arith.constant 0 : i32
      %dma_start3A_142 = tpu.memref_slice %arg17[%dma_start3A_140, %dma_start3A_141] : memref<10000x128xf32, #tpu.memory_space<vmem_shared>> -> memref<10000x128xf32, #tpu.memory_space<vmem_shared>>
      tpu.enqueue_indirect_dma source(%arg8 : memref<80x128xf32, #tpu.memory_space<vmem>>) target(%dma_start3A_142 : memref<10000x128xf32, #tpu.memory_space<vmem_shared>>) offsets(%dma_start3A_139 : memref<80xi32, #tpu.memory_space<vmem>>) semaphore(%arg14 : memref<!tpu.dma_semaphore, #tpu.memory_space<semaphore_mem>>) {add = true}
      %add3A_143 = arith.constant 1 : i32
      %add3A_144 = arith.addi %add3A_117, %add3A_143 : i32
      %dma_wait3A_145 = arith.constant 0 : i32
      %dma_wait3A_146 = arith.constant 0 : i32
      %dma_wait3A_147 = tpu.memref_slice %arg7[%dma_wait3A_145, %dma_wait3A_146] : memref<125x80xi32, #tpu.memory_space<vmem>> -> memref<1x80xi32, #tpu.memory_space<vmem>>
      %dma_wait3A_148 = tpu.memref_squeeze %dma_wait3A_147 : memref<1x80xi32, #tpu.memory_space<vmem>> -> memref<80xi32, #tpu.memory_space<vmem>>
      %dma_wait3A_149 = arith.constant 0 : i32
      %dma_wait3A_150 = arith.constant 0 : i32
      %dma_wait3A_151 = tpu.memref_slice %arg17[%dma_wait3A_149, %dma_wait3A_150] : memref<10000x128xf32, #tpu.memory_space<vmem_shared>> -> memref<10000x128xf32, #tpu.memory_space<vmem_shared>>
      tpu.wait_indirect_dma semaphore(%arg14 : memref<!tpu.dma_semaphore, #tpu.memory_space<semaphore_mem>>) src(%arg8 : memref<80x128xf32, #tpu.memory_space<vmem>>) dst(%dma_wait3A_151 : memref<10000x128xf32, #tpu.memory_space<vmem_shared>>)
      %dma_start3A_152 = arith.constant 0 : i32
      %dma_start3A_153 = tpu.memref_slice %arg6[%add3A_144, %dma_start3A_152] : memref<125x80xi32, #tpu.memory_space<vmem>> -> memref<1x80xi32, #tpu.memory_space<vmem>>
      %dma_start3A_154 = tpu.memref_squeeze %dma_start3A_153 : memref<1x80xi32, #tpu.memory_space<vmem>> -> memref<80xi32, #tpu.memory_space<vmem>>
      %dma_start3A_155 = arith.constant 0 : i32
      %dma_start3A_156 = arith.constant 0 : i32
      %dma_start3A_157 = tpu.memref_slice %arg2[%dma_start3A_155, %dma_start3A_156] : memref<10000x128xf32, #tpu.memory_space<hbm>> -> memref<10000x128xf32, #tpu.memory_space<hbm>>
      tpu.enqueue_indirect_dma source(%dma_start3A_157 : memref<10000x128xf32, #tpu.memory_space<hbm>>) target(%arg8 : memref<80x128xf32, #tpu.memory_space<vmem>>) offsets(%dma_start3A_154 : memref<80xi32, #tpu.memory_space<vmem>>) semaphore(%arg11 : memref<!tpu.dma_semaphore, #tpu.memory_space<semaphore_mem>>)
      %sub3A_158 = arith.constant 2 : i32
      %sub3A_159 = arith.subi %add3A_144, %sub3A_158 : i32
      %dma_wait3A_160 = arith.constant 0 : i32
      %dma_wait3A_161 = tpu.memref_slice %arg6[%sub3A_159, %dma_wait3A_160] : memref<125x80xi32, #tpu.memory_space<vmem>> -> memref<1x80xi32, #tpu.memory_space<vmem>>
      %dma_wait3A_162 = tpu.memref_squeeze %dma_wait3A_161 : memref<1x80xi32, #tpu.memory_space<vmem>> -> memref<80xi32, #tpu.memory_space<vmem>>
      %dma_wait3A_163 = arith.constant 0 : i32
      %dma_wait3A_164 = arith.constant 0 : i32
      %dma_wait3A_165 = tpu.memref_slice %arg2[%dma_wait3A_163, %dma_wait3A_164] : memref<10000x128xf32, #tpu.memory_space<hbm>> -> memref<10000x128xf32, #tpu.memory_space<hbm>>
      tpu.wait_indirect_dma semaphore(%arg12 : memref<!tpu.dma_semaphore, #tpu.memory_space<semaphore_mem>>) src(%dma_wait3A_165 : memref<10000x128xf32, #tpu.memory_space<hbm>>) dst(%arg9 : memref<80x128xf32, #tpu.memory_space<vmem>>)
      %sub3A_166 = arith.constant 2 : i32
      %sub3A_167 = arith.subi %add3A_144, %sub3A_166 : i32
      %dma_start3A_168 = arith.constant 0 : i32
      %dma_start3A_169 = tpu.memref_slice %arg7[%sub3A_167, %dma_start3A_168] : memref<125x80xi32, #tpu.memory_space<vmem>> -> memref<1x80xi32, #tpu.memory_space<vmem>>
      %dma_start3A_170 = tpu.memref_squeeze %dma_start3A_169 : memref<1x80xi32, #tpu.memory_space<vmem>> -> memref<80xi32, #tpu.memory_space<vmem>>
      %dma_start3A_171 = arith.constant 0 : i32
      %dma_start3A_172 = arith.constant 0 : i32
      %dma_start3A_173 = tpu.memref_slice %arg17[%dma_start3A_171, %dma_start3A_172] : memref<10000x128xf32, #tpu.memory_space<vmem_shared>> -> memref<10000x128xf32, #tpu.memory_space<vmem_shared>>
      tpu.enqueue_indirect_dma source(%arg9 : memref<80x128xf32, #tpu.memory_space<vmem>>) target(%dma_start3A_173 : memref<10000x128xf32, #tpu.memory_space<vmem_shared>>) offsets(%dma_start3A_170 : memref<80xi32, #tpu.memory_space<vmem>>) semaphore(%arg15 : memref<!tpu.dma_semaphore, #tpu.memory_space<semaphore_mem>>) {add = true}
      %add3A_174 = arith.constant 2 : i32
      %add3A_175 = arith.addi %add3A_117, %add3A_174 : i32
      %dma_wait3A_176 = arith.constant 0 : i32
      %dma_wait3A_177 = arith.constant 0 : i32
      %dma_wait3A_178 = tpu.memref_slice %arg7[%dma_wait3A_176, %dma_wait3A_177] : memref<125x80xi32, #tpu.memory_space<vmem>> -> memref<1x80xi32, #tpu.memory_space<vmem>>
      %dma_wait3A_179 = tpu.memref_squeeze %dma_wait3A_178 : memref<1x80xi32, #tpu.memory_space<vmem>> -> memref<80xi32, #tpu.memory_space<vmem>>
      %dma_wait3A_180 = arith.constant 0 : i32
      %dma_wait3A_181 = arith.constant 0 : i32
      %dma_wait3A_182 = tpu.memref_slice %arg17[%dma_wait3A_180, %dma_wait3A_181] : memref<10000x128xf32, #tpu.memory_space<vmem_shared>> -> memref<10000x128xf32, #tpu.memory_space<vmem_shared>>
      tpu.wait_indirect_dma semaphore(%arg15 : memref<!tpu.dma_semaphore, #tpu.memory_space<semaphore_mem>>) src(%arg9 : memref<80x128xf32, #tpu.memory_space<vmem>>) dst(%dma_wait3A_182 : memref<10000x128xf32, #tpu.memory_space<vmem_shared>>)
      %dma_start3A_183 = arith.constant 0 : i32
      %dma_start3A_184 = tpu.memref_slice %arg6[%add3A_175, %dma_start3A_183] : memref<125x80xi32, #tpu.memory_space<vmem>> -> memref<1x80xi32, #tpu.memory_space<vmem>>
      %dma_start3A_185 = tpu.memref_squeeze %dma_start3A_184 : memref<1x80xi32, #tpu.memory_space<vmem>> -> memref<80xi32, #tpu.memory_space<vmem>>
      %dma_start3A_186 = arith.constant 0 : i32
      %dma_start3A_187 = arith.constant 0 : i32
      %dma_start3A_188 = tpu.memref_slice %arg2[%dma_start3A_186, %dma_start3A_187] : memref<10000x128xf32, #tpu.memory_space<hbm>> -> memref<10000x128xf32, #tpu.memory_space<hbm>>
      tpu.enqueue_indirect_dma source(%dma_start3A_188 : memref<10000x128xf32, #tpu.memory_space<hbm>>) target(%arg9 : memref<80x128xf32, #tpu.memory_space<vmem>>) offsets(%dma_start3A_185 : memref<80xi32, #tpu.memory_space<vmem>>) semaphore(%arg12 : memref<!tpu.dma_semaphore, #tpu.memory_space<semaphore_mem>>)
      %sub3A_189 = arith.constant 2 : i32
      %sub3A_190 = arith.subi %add3A_175, %sub3A_189 : i32
      %dma_wait3A_191 = arith.constant 0 : i32
      %dma_wait3A_192 = tpu.memref_slice %arg6[%sub3A_190, %dma_wait3A_191] : memref<125x80xi32, #tpu.memory_space<vmem>> -> memref<1x80xi32, #tpu.memory_space<vmem>>
      %dma_wait3A_193 = tpu.memref_squeeze %dma_wait3A_192 : memref<1x80xi32, #tpu.memory_space<vmem>> -> memref<80xi32, #tpu.memory_space<vmem>>
      %dma_wait3A_194 = arith.constant 0 : i32
      %dma_wait3A_195 = arith.constant 0 : i32
      %dma_wait3A_196 = tpu.memref_slice %arg2[%dma_wait3A_194, %dma_wait3A_195] : memref<10000x128xf32, #tpu.memory_space<hbm>> -> memref<10000x128xf32, #tpu.memory_space<hbm>>
      tpu.wait_indirect_dma semaphore(%arg13 : memref<!tpu.dma_semaphore, #tpu.memory_space<semaphore_mem>>) src(%dma_wait3A_196 : memref<10000x128xf32, #tpu.memory_space<hbm>>) dst(%arg10 : memref<80x128xf32, #tpu.memory_space<vmem>>)
      %sub3A_197 = arith.constant 2 : i32
      %sub3A_198 = arith.subi %add3A_175, %sub3A_197 : i32
      %dma_start3A_199 = arith.constant 0 : i32
      %dma_start3A_200 = tpu.memref_slice %arg7[%sub3A_198, %dma_start3A_199] : memref<125x80xi32, #tpu.memory_space<vmem>> -> memref<1x80xi32, #tpu.memory_space<vmem>>
      %dma_start3A_201 = tpu.memref_squeeze %dma_start3A_200 : memref<1x80xi32, #tpu.memory_space<vmem>> -> memref<80xi32, #tpu.memory_space<vmem>>
      %dma_start3A_202 = arith.constant 0 : i32
      %dma_start3A_203 = arith.constant 0 : i32
      %dma_start3A_204 = tpu.memref_slice %arg17[%dma_start3A_202, %dma_start3A_203] : memref<10000x128xf32, #tpu.memory_space<vmem_shared>> -> memref<10000x128xf32, #tpu.memory_space<vmem_shared>>
      tpu.enqueue_indirect_dma source(%arg10 : memref<80x128xf32, #tpu.memory_space<vmem>>) target(%dma_start3A_204 : memref<10000x128xf32, #tpu.memory_space<vmem_shared>>) offsets(%dma_start3A_201 : memref<80xi32, #tpu.memory_space<vmem>>) semaphore(%arg16 : memref<!tpu.dma_semaphore, #tpu.memory_space<semaphore_mem>>) {add = true}
    }
    %scan3A_62 = arith.constant 41 : i32
    %dma_wait3A_63 = arith.constant 123 : i32
    %dma_wait3A_64 = arith.constant 0 : i32
    %dma_wait3A_65 = tpu.memref_slice %arg6[%dma_wait3A_63, %dma_wait3A_64] : memref<125x80xi32, #tpu.memory_space<vmem>> -> memref<1x80xi32, #tpu.memory_space<vmem>>
    %dma_wait3A_66 = tpu.memref_squeeze %dma_wait3A_65 : memref<1x80xi32, #tpu.memory_space<vmem>> -> memref<80xi32, #tpu.memory_space<vmem>>
    %dma_wait3A_67 = arith.constant 0 : i32
    %dma_wait3A_68 = arith.constant 0 : i32
    %dma_wait3A_69 = tpu.memref_slice %arg2[%dma_wait3A_67, %dma_wait3A_68] : memref<10000x128xf32, #tpu.memory_space<hbm>> -> memref<10000x128xf32, #tpu.memory_space<hbm>>
    tpu.wait_indirect_dma semaphore(%arg11 : memref<!tpu.dma_semaphore, #tpu.memory_space<semaphore_mem>>) src(%dma_wait3A_69 : memref<10000x128xf32, #tpu.memory_space<hbm>>) dst(%arg8 : memref<80x128xf32, #tpu.memory_space<vmem>>)
    %dma_start3A_70 = arith.constant 123 : i32
    %dma_start3A_71 = arith.constant 0 : i32
    %dma_start3A_72 = tpu.memref_slice %arg7[%dma_start3A_70, %dma_start3A_71] : memref<125x80xi32, #tpu.memory_space<vmem>> -> memref<1x80xi32, #tpu.memory_space<vmem>>
    %dma_start3A_73 = tpu.memref_squeeze %dma_start3A_72 : memref<1x80xi32, #tpu.memory_space<vmem>> -> memref<80xi32, #tpu.memory_space<vmem>>
    %dma_start3A_74 = arith.constant 0 : i32
    %dma_start3A_75 = arith.constant 0 : i32
    %dma_start3A_76 = tpu.memref_slice %arg17[%dma_start3A_74, %dma_start3A_75] : memref<10000x128xf32, #tpu.memory_space<vmem_shared>> -> memref<10000x128xf32, #tpu.memory_space<vmem_shared>>
    tpu.enqueue_indirect_dma source(%arg8 : memref<80x128xf32, #tpu.memory_space<vmem>>) target(%dma_start3A_76 : memref<10000x128xf32, #tpu.memory_space<vmem_shared>>) offsets(%dma_start3A_73 : memref<80xi32, #tpu.memory_space<vmem>>) semaphore(%arg14 : memref<!tpu.dma_semaphore, #tpu.memory_space<semaphore_mem>>) {add = true}
    %dma_wait3A_77 = arith.constant 124 : i32
    %dma_wait3A_78 = arith.constant 0 : i32
    %dma_wait3A_79 = tpu.memref_slice %arg6[%dma_wait3A_77, %dma_wait3A_78] : memref<125x80xi32, #tpu.memory_space<vmem>> -> memref<1x80xi32, #tpu.memory_space<vmem>>
    %dma_wait3A_80 = tpu.memref_squeeze %dma_wait3A_79 : memref<1x80xi32, #tpu.memory_space<vmem>> -> memref<80xi32, #tpu.memory_space<vmem>>
    %dma_wait3A_81 = arith.constant 0 : i32
    %dma_wait3A_82 = arith.constant 0 : i32
    %dma_wait3A_83 = tpu.memref_slice %arg2[%dma_wait3A_81, %dma_wait3A_82] : memref<10000x128xf32, #tpu.memory_space<hbm>> -> memref<10000x128xf32, #tpu.memory_space<hbm>>
    tpu.wait_indirect_dma semaphore(%arg12 : memref<!tpu.dma_semaphore, #tpu.memory_space<semaphore_mem>>) src(%dma_wait3A_83 : memref<10000x128xf32, #tpu.memory_space<hbm>>) dst(%arg9 : memref<80x128xf32, #tpu.memory_space<vmem>>)
    %dma_start3A_84 = arith.constant 124 : i32
    %dma_start3A_85 = arith.constant 0 : i32
    %dma_start3A_86 = tpu.memref_slice %arg7[%dma_start3A_84, %dma_start3A_85] : memref<125x80xi32, #tpu.memory_space<vmem>> -> memref<1x80xi32, #tpu.memory_space<vmem>>
    %dma_start3A_87 = tpu.memref_squeeze %dma_start3A_86 : memref<1x80xi32, #tpu.memory_space<vmem>> -> memref<80xi32, #tpu.memory_space<vmem>>
    %dma_start3A_88 = arith.constant 0 : i32
    %dma_start3A_89 = arith.constant 0 : i32
    %dma_start3A_90 = tpu.memref_slice %arg17[%dma_start3A_88, %dma_start3A_89] : memref<10000x128xf32, #tpu.memory_space<vmem_shared>> -> memref<10000x128xf32, #tpu.memory_space<vmem_shared>>
    tpu.enqueue_indirect_dma source(%arg9 : memref<80x128xf32, #tpu.memory_space<vmem>>) target(%dma_start3A_90 : memref<10000x128xf32, #tpu.memory_space<vmem_shared>>) offsets(%dma_start3A_87 : memref<80xi32, #tpu.memory_space<vmem>>) semaphore(%arg15 : memref<!tpu.dma_semaphore, #tpu.memory_space<semaphore_mem>>) {add = true}
    %dma_wait3A_91 = arith.constant 0 : i32
    %dma_wait3A_92 = arith.constant 0 : i32
    %dma_wait3A_93 = tpu.memref_slice %arg7[%dma_wait3A_91, %dma_wait3A_92] : memref<125x80xi32, #tpu.memory_space<vmem>> -> memref<1x80xi32, #tpu.memory_space<vmem>>
    %dma_wait3A_94 = tpu.memref_squeeze %dma_wait3A_93 : memref<1x80xi32, #tpu.memory_space<vmem>> -> memref<80xi32, #tpu.memory_space<vmem>>
    %dma_wait3A_95 = arith.constant 0 : i32
    %dma_wait3A_96 = arith.constant 0 : i32
    %dma_wait3A_97 = tpu.memref_slice %arg17[%dma_wait3A_95, %dma_wait3A_96] : memref<10000x128xf32, #tpu.memory_space<vmem_shared>> -> memref<10000x128xf32, #tpu.memory_space<vmem_shared>>
    tpu.wait_indirect_dma semaphore(%arg16 : memref<!tpu.dma_semaphore, #tpu.memory_space<semaphore_mem>>) src(%arg10 : memref<80x128xf32, #tpu.memory_space<vmem>>) dst(%dma_wait3A_97 : memref<10000x128xf32, #tpu.memory_space<vmem_shared>>)
    %dma_wait3A_98 = arith.constant 0 : i32
    %dma_wait3A_99 = arith.constant 0 : i32
    %dma_wait3A_100 = tpu.memref_slice %arg7[%dma_wait3A_98, %dma_wait3A_99] : memref<125x80xi32, #tpu.memory_space<vmem>> -> memref<1x80xi32, #tpu.memory_space<vmem>>
    %dma_wait3A_101 = tpu.memref_squeeze %dma_wait3A_100 : memref<1x80xi32, #tpu.memory_space<vmem>> -> memref<80xi32, #tpu.memory_space<vmem>>
    %dma_wait3A_102 = arith.constant 0 : i32
    %dma_wait3A_103 = arith.constant 0 : i32
    %dma_wait3A_104 = tpu.memref_slice %arg17[%dma_wait3A_102, %dma_wait3A_103] : memref<10000x128xf32, #tpu.memory_space<vmem_shared>> -> memref<10000x128xf32, #tpu.memory_space<vmem_shared>>
    tpu.wait_indirect_dma semaphore(%arg14 : memref<!tpu.dma_semaphore, #tpu.memory_space<semaphore_mem>>) src(%arg8 : memref<80x128xf32, #tpu.memory_space<vmem>>) dst(%dma_wait3A_104 : memref<10000x128xf32, #tpu.memory_space<vmem_shared>>)
    %dma_wait3A_105 = arith.constant 0 : i32
    %dma_wait3A_106 = arith.constant 0 : i32
    %dma_wait3A_107 = tpu.memref_slice %arg7[%dma_wait3A_105, %dma_wait3A_106] : memref<125x80xi32, #tpu.memory_space<vmem>> -> memref<1x80xi32, #tpu.memory_space<vmem>>
    %dma_wait3A_108 = tpu.memref_squeeze %dma_wait3A_107 : memref<1x80xi32, #tpu.memory_space<vmem>> -> memref<80xi32, #tpu.memory_space<vmem>>
    %dma_wait3A_109 = arith.constant 0 : i32
    %dma_wait3A_110 = arith.constant 0 : i32
    %dma_wait3A_111 = tpu.memref_slice %arg17[%dma_wait3A_109, %dma_wait3A_110] : memref<10000x128xf32, #tpu.memory_space<vmem_shared>> -> memref<10000x128xf32, #tpu.memory_space<vmem_shared>>
    tpu.wait_indirect_dma semaphore(%arg15 : memref<!tpu.dma_semaphore, #tpu.memory_space<semaphore_mem>>) src(%arg9 : memref<80x128xf32, #tpu.memory_space<vmem>>) dst(%dma_wait3A_111 : memref<10000x128xf32, #tpu.memory_space<vmem_shared>>)
    %barrier3A_112 = arith.constant 0 : index
    tpu.barrier barrier_id(%barrier3A_112)
    "tpu.region"() ({
      %run_scoped3A = tpu.sem_alloc : memref<!tpu.dma_semaphore, #tpu.memory_space<semaphore_mem>>
      %dma_start3A_113 = arith.constant 0 : i32
      %dma_start3A_114 = tpu.memref_slice %arg5[%arg0, %mul3A_2, %dma_start3A_113] : memref<2x10000x128xf32, #tpu.memory_space<hbm>> -> memref<1x625x128xf32, #tpu.memory_space<hbm>>
      %dma_start3A_115 = tpu.memref_squeeze %dma_start3A_114 : memref<1x625x128xf32, #tpu.memory_space<hbm>> -> memref<625x128xf32, #tpu.memory_space<hbm>>
      %dma_start3A_116 = arith.constant 0 : i32
      %dma_start3A_117 = tpu.memref_slice %arg17[%mul3A_2, %dma_start3A_116] : memref<10000x128xf32, #tpu.memory_space<vmem_shared>> -> memref<625x128xf32, #tpu.memory_space<vmem_shared>>
      tpu.enqueue_dma source(%dma_start3A_117 : memref<625x128xf32, #tpu.memory_space<vmem_shared>>) target(%dma_start3A_115 : memref<625x128xf32, #tpu.memory_space<hbm>>) target_semaphore(%run_scoped3A : memref<!tpu.dma_semaphore, #tpu.memory_space<semaphore_mem>>)
      %dma_wait3A_118 = arith.constant 0 : i32
      %dma_wait3A_119 = tpu.memref_slice %arg5[%arg0, %mul3A_2, %dma_wait3A_118] : memref<2x10000x128xf32, #tpu.memory_space<hbm>> -> memref<1x625x128xf32, #tpu.memory_space<hbm>>
      %dma_wait3A_120 = tpu.memref_squeeze %dma_wait3A_119 : memref<1x625x128xf32, #tpu.memory_space<hbm>> -> memref<625x128xf32, #tpu.memory_space<hbm>>
      %dma_wait3A_121 = arith.constant 0 : i32
      %dma_wait3A_122 = tpu.memref_slice %arg17[%mul3A_2, %dma_wait3A_121] : memref<10000x128xf32, #tpu.memory_space<vmem_shared>> -> memref<625x128xf32, #tpu.memory_space<vmem_shared>>
      tpu.wait_dma2 semaphore(%run_scoped3A : memref<!tpu.dma_semaphore, #tpu.memory_space<semaphore_mem>>) src(%dma_wait3A_122 : memref<625x128xf32, #tpu.memory_space<vmem_shared>>) dst(%dma_wait3A_120 : memref<625x128xf32, #tpu.memory_space<hbm>>)
      tpu.yield
    }) : () -> ()
    return
  }
}

#map = affine_map<(d0, d1) -> (0, 0)>
#map1 = affine_map<(d0, d1) -> (0, 0, 0)>
module attributes {stable_mosaic.version = 14 : i64} {
  func.func @agg_kernel(%arg0: i32, %arg1: i32, %arg2: memref<10000x128xf32, #tpu.memory_space<hbm>>, %arg3: memref<10000x128xf32, #tpu.memory_space<hbm>>, %arg4: memref<2x4000x80xi32, #tpu.memory_space<hbm>>, %arg5: memref<2x10000x128xf32, #tpu.memory_space<hbm>>, %arg6: memref<125x80xi32, #tpu.memory_space<vmem>>, %arg7: memref<125x80xi32, #tpu.memory_space<vmem>>, %arg8: memref<80x128xf32, #tpu.memory_space<vmem>>, %arg9: memref<80x128xf32, #tpu.memory_space<vmem>>, %arg10: memref<80x128xf32, #tpu.memory_space<vmem>>, %arg11: memref<!tpu.dma_semaphore, #tpu.memory_space<semaphore_mem>>, %arg12: memref<!tpu.dma_semaphore, #tpu.memory_space<semaphore_mem>>, %arg13: memref<!tpu.dma_semaphore, #tpu.memory_space<semaphore_mem>>, %arg14: memref<!tpu.dma_semaphore, #tpu.memory_space<semaphore_mem>>, %arg15: memref<!tpu.dma_semaphore, #tpu.memory_space<semaphore_mem>>, %arg16: memref<!tpu.dma_semaphore, #tpu.memory_space<semaphore_mem>>, %arg17: memref<10000x128xf32, #tpu.memory_space<vmem_shared>>) attributes {dimension_semantics = [#tpu.dimension_semantics<core_parallel>, #tpu.dimension_semantics<subcore_parallel>], iteration_bounds = array<i64: 2, 16>, scalar_prefetch = 0 : i64, scratch_operands = 12 : i64, tpu.core_type = #tpu.core_type<sc_vector_subcore>, window_params = [{transform_indices = #map}, {transform_indices = #map}, {transform_indices = #map1}, {transform_indices = #map1}]} {
    %mul3A = arith.constant 2 : i32
    %mul3A_0 = arith.muli %arg1, %mul3A : i32
    %add3A = arith.addi %mul3A_0, %arg0 : i32
    %mul3A_1 = arith.constant 625 : i32
    %mul3A_2 = arith.muli %arg1, %mul3A_1 : i32
    %mul3A_3 = arith.constant 125 : i32
    %mul3A_4 = arith.muli %add3A, %mul3A_3 : i32
    %dma_start3A = arith.constant 0 : i32
    %dma_start3A_5 = arith.constant 0 : i32
    %dma_start3A_6 = tpu.memref_slice %arg4[%dma_start3A, %mul3A_4, %dma_start3A_5] : memref<2x4000x80xi32, #tpu.memory_space<hbm>> -> memref<1x125x80xi32, #tpu.memory_space<hbm>>
    %dma_start3A_7 = tpu.memref_squeeze %dma_start3A_6 : memref<1x125x80xi32, #tpu.memory_space<hbm>> -> memref<125x80xi32, #tpu.memory_space<hbm>>
    %dma_start3A_8 = arith.constant 0 : i32
    %dma_start3A_9 = tpu.memref_slice %arg4[%dma_start3A, %mul3A_4, %dma_start3A_8] : memref<2x4000x80xi32, #tpu.memory_space<hbm>> -> memref<1x125x80xi32, #tpu.memory_space<hbm>>
    %dma_start3A_10 = tpu.memref_squeeze %dma_start3A_9 : memref<1x125x80xi32, #tpu.memory_space<hbm>> -> memref<125x80xi32, #tpu.memory_space<hbm>>
    tpu.enqueue_dma source(%dma_start3A_10 : memref<125x80xi32, #tpu.memory_space<hbm>>) target(%arg6 : memref<125x80xi32, #tpu.memory_space<vmem>>) target_semaphore(%arg11 : memref<!tpu.dma_semaphore, #tpu.memory_space<semaphore_mem>>)
    %mul3A_11 = arith.constant 125 : i32
    %mul3A_12 = arith.muli %add3A, %mul3A_11 : i32
    %dma_start3A_13 = arith.constant 1 : i32
    %dma_start3A_14 = arith.constant 0 : i32
    %dma_start3A_15 = tpu.memref_slice %arg4[%dma_start3A_13, %mul3A_12, %dma_start3A_14] : memref<2x4000x80xi32, #tpu.memory_space<hbm>> -> memref<1x125x80xi32, #tpu.memory_space<hbm>>
    %dma_start3A_16 = tpu.memref_squeeze %dma_start3A_15 : memref<1x125x80xi32, #tpu.memory_space<hbm>> -> memref<125x80xi32, #tpu.memory_space<hbm>>
    %dma_start3A_17 = arith.constant 0 : i32
    %dma_start3A_18 = tpu.memref_slice %arg4[%dma_start3A_13, %mul3A_12, %dma_start3A_17] : memref<2x4000x80xi32, #tpu.memory_space<hbm>> -> memref<1x125x80xi32, #tpu.memory_space<hbm>>
    %dma_start3A_19 = tpu.memref_squeeze %dma_start3A_18 : memref<1x125x80xi32, #tpu.memory_space<hbm>> -> memref<125x80xi32, #tpu.memory_space<hbm>>
    tpu.enqueue_dma source(%dma_start3A_19 : memref<125x80xi32, #tpu.memory_space<hbm>>) target(%arg7 : memref<125x80xi32, #tpu.memory_space<vmem>>) target_semaphore(%arg12 : memref<!tpu.dma_semaphore, #tpu.memory_space<semaphore_mem>>)
    %eq3A = arith.constant 0 : i32
    %eq3A_20 = arith.cmpi eq, %arg0, %eq3A : i32
    %convert_element_type3A = arith.extui %eq3A_20 : i1 to i32
    %cond3A = arith.constant 0 : i32
    %cond3A_21 = arith.cmpi ne, %convert_element_type3A, %cond3A : i32
    scf.if %cond3A_21 {
      "tpu.region"() ({
        %run_scoped3A = tpu.sem_alloc : memref<!tpu.dma_semaphore, #tpu.memory_space<semaphore_mem>>
        %dma_start3A_113 = arith.constant 0 : i32
        %dma_start3A_114 = tpu.memref_slice %arg17[%mul3A_2, %dma_start3A_113] : memref<10000x128xf32, #tpu.memory_space<vmem_shared>> -> memref<625x128xf32, #tpu.memory_space<vmem_shared>>
        %dma_start3A_115 = arith.constant 0 : i32
        %dma_start3A_116 = tpu.memref_slice %arg2[%mul3A_2, %dma_start3A_115] : memref<10000x128xf32, #tpu.memory_space<hbm>> -> memref<625x128xf32, #tpu.memory_space<hbm>>
        tpu.enqueue_dma source(%dma_start3A_116 : memref<625x128xf32, #tpu.memory_space<hbm>>) target(%dma_start3A_114 : memref<625x128xf32, #tpu.memory_space<vmem_shared>>) target_semaphore(%run_scoped3A : memref<!tpu.dma_semaphore, #tpu.memory_space<semaphore_mem>>)
        %dma_wait3A_117 = arith.constant 0 : i32
        %dma_wait3A_118 = tpu.memref_slice %arg17[%mul3A_2, %dma_wait3A_117] : memref<10000x128xf32, #tpu.memory_space<vmem_shared>> -> memref<625x128xf32, #tpu.memory_space<vmem_shared>>
        %dma_wait3A_119 = arith.constant 0 : i32
        %dma_wait3A_120 = tpu.memref_slice %arg2[%mul3A_2, %dma_wait3A_119] : memref<10000x128xf32, #tpu.memory_space<hbm>> -> memref<625x128xf32, #tpu.memory_space<hbm>>
        tpu.wait_dma2 semaphore(%run_scoped3A : memref<!tpu.dma_semaphore, #tpu.memory_space<semaphore_mem>>) src(%dma_wait3A_120 : memref<625x128xf32, #tpu.memory_space<hbm>>) dst(%dma_wait3A_118 : memref<625x128xf32, #tpu.memory_space<vmem_shared>>)
        tpu.yield
      }) : () -> ()
    } else {
    }
    %eq3A_22 = arith.constant 1 : i32
    %eq3A_23 = arith.cmpi eq, %arg0, %eq3A_22 : i32
    %convert_element_type3A_24 = arith.extui %eq3A_23 : i1 to i32
    %cond3A_25 = arith.constant 0 : i32
    %cond3A_26 = arith.cmpi ne, %convert_element_type3A_24, %cond3A_25 : i32
    scf.if %cond3A_26 {
      "tpu.region"() ({
        %run_scoped3A = tpu.sem_alloc : memref<!tpu.dma_semaphore, #tpu.memory_space<semaphore_mem>>
        %dma_start3A_113 = arith.constant 0 : i32
        %dma_start3A_114 = tpu.memref_slice %arg17[%mul3A_2, %dma_start3A_113] : memref<10000x128xf32, #tpu.memory_space<vmem_shared>> -> memref<625x128xf32, #tpu.memory_space<vmem_shared>>
        %dma_start3A_115 = arith.constant 0 : i32
        %dma_start3A_116 = tpu.memref_slice %arg3[%mul3A_2, %dma_start3A_115] : memref<10000x128xf32, #tpu.memory_space<hbm>> -> memref<625x128xf32, #tpu.memory_space<hbm>>
        tpu.enqueue_dma source(%dma_start3A_116 : memref<625x128xf32, #tpu.memory_space<hbm>>) target(%dma_start3A_114 : memref<625x128xf32, #tpu.memory_space<vmem_shared>>) target_semaphore(%run_scoped3A : memref<!tpu.dma_semaphore, #tpu.memory_space<semaphore_mem>>)
        %dma_wait3A_117 = arith.constant 0 : i32
        %dma_wait3A_118 = tpu.memref_slice %arg17[%mul3A_2, %dma_wait3A_117] : memref<10000x128xf32, #tpu.memory_space<vmem_shared>> -> memref<625x128xf32, #tpu.memory_space<vmem_shared>>
        %dma_wait3A_119 = arith.constant 0 : i32
        %dma_wait3A_120 = tpu.memref_slice %arg3[%mul3A_2, %dma_wait3A_119] : memref<10000x128xf32, #tpu.memory_space<hbm>> -> memref<625x128xf32, #tpu.memory_space<hbm>>
        tpu.wait_dma2 semaphore(%run_scoped3A : memref<!tpu.dma_semaphore, #tpu.memory_space<semaphore_mem>>) src(%dma_wait3A_120 : memref<625x128xf32, #tpu.memory_space<hbm>>) dst(%dma_wait3A_118 : memref<625x128xf32, #tpu.memory_space<vmem_shared>>)
        tpu.yield
      }) : () -> ()
    } else {
    }
    %mul3A_27 = arith.constant 125 : i32
    %mul3A_28 = arith.muli %add3A, %mul3A_27 : i32
    %dma_wait3A = arith.constant 0 : i32
    %dma_wait3A_29 = arith.constant 0 : i32
    %dma_wait3A_30 = tpu.memref_slice %arg4[%dma_wait3A, %mul3A_28, %dma_wait3A_29] : memref<2x4000x80xi32, #tpu.memory_space<hbm>> -> memref<1x125x80xi32, #tpu.memory_space<hbm>>
    %dma_wait3A_31 = tpu.memref_squeeze %dma_wait3A_30 : memref<1x125x80xi32, #tpu.memory_space<hbm>> -> memref<125x80xi32, #tpu.memory_space<hbm>>
    %dma_wait3A_32 = arith.constant 0 : i32
    %dma_wait3A_33 = tpu.memref_slice %arg4[%dma_wait3A, %mul3A_28, %dma_wait3A_32] : memref<2x4000x80xi32, #tpu.memory_space<hbm>> -> memref<1x125x80xi32, #tpu.memory_space<hbm>>
    %dma_wait3A_34 = tpu.memref_squeeze %dma_wait3A_33 : memref<1x125x80xi32, #tpu.memory_space<hbm>> -> memref<125x80xi32, #tpu.memory_space<hbm>>
    tpu.wait_dma2 semaphore(%arg11 : memref<!tpu.dma_semaphore, #tpu.memory_space<semaphore_mem>>) src(%dma_wait3A_34 : memref<125x80xi32, #tpu.memory_space<hbm>>) dst(%arg6 : memref<125x80xi32, #tpu.memory_space<vmem>>)
    %mul3A_35 = arith.constant 125 : i32
    %mul3A_36 = arith.muli %add3A, %mul3A_35 : i32
    %dma_wait3A_37 = arith.constant 1 : i32
    %dma_wait3A_38 = arith.constant 0 : i32
    %dma_wait3A_39 = tpu.memref_slice %arg4[%dma_wait3A_37, %mul3A_36, %dma_wait3A_38] : memref<2x4000x80xi32, #tpu.memory_space<hbm>> -> memref<1x125x80xi32, #tpu.memory_space<hbm>>
    %dma_wait3A_40 = tpu.memref_squeeze %dma_wait3A_39 : memref<1x125x80xi32, #tpu.memory_space<hbm>> -> memref<125x80xi32, #tpu.memory_space<hbm>>
    %dma_wait3A_41 = arith.constant 0 : i32
    %dma_wait3A_42 = tpu.memref_slice %arg4[%dma_wait3A_37, %mul3A_36, %dma_wait3A_41] : memref<2x4000x80xi32, #tpu.memory_space<hbm>> -> memref<1x125x80xi32, #tpu.memory_space<hbm>>
    %dma_wait3A_43 = tpu.memref_squeeze %dma_wait3A_42 : memref<1x125x80xi32, #tpu.memory_space<hbm>> -> memref<125x80xi32, #tpu.memory_space<hbm>>
    tpu.wait_dma2 semaphore(%arg12 : memref<!tpu.dma_semaphore, #tpu.memory_space<semaphore_mem>>) src(%dma_wait3A_43 : memref<125x80xi32, #tpu.memory_space<hbm>>) dst(%arg7 : memref<125x80xi32, #tpu.memory_space<vmem>>)
    %dma_start3A_44 = arith.constant 0 : i32
    %dma_start3A_45 = arith.constant 0 : i32
    %dma_start3A_46 = tpu.memref_slice %arg6[%dma_start3A_44, %dma_start3A_45] : memref<125x80xi32, #tpu.memory_space<vmem>> -> memref<1x80xi32, #tpu.memory_space<vmem>>
    %dma_start3A_47 = tpu.memref_squeeze %dma_start3A_46 : memref<1x80xi32, #tpu.memory_space<vmem>> -> memref<80xi32, #tpu.memory_space<vmem>>
    %dma_start3A_48 = arith.constant 0 : i32
    %dma_start3A_49 = arith.constant 0 : i32
    %dma_start3A_50 = tpu.memref_slice %arg2[%dma_start3A_48, %dma_start3A_49] : memref<10000x128xf32, #tpu.memory_space<hbm>> -> memref<10000x128xf32, #tpu.memory_space<hbm>>
    tpu.enqueue_indirect_dma source(%dma_start3A_50 : memref<10000x128xf32, #tpu.memory_space<hbm>>) target(%arg8 : memref<80x128xf32, #tpu.memory_space<vmem>>) offsets(%dma_start3A_47 : memref<80xi32, #tpu.memory_space<vmem>>) semaphore(%arg11 : memref<!tpu.dma_semaphore, #tpu.memory_space<semaphore_mem>>)
    %dma_start3A_51 = arith.constant 1 : i32
    %dma_start3A_52 = arith.constant 0 : i32
    %dma_start3A_53 = tpu.memref_slice %arg6[%dma_start3A_51, %dma_start3A_52] : memref<125x80xi32, #tpu.memory_space<vmem>> -> memref<1x80xi32, #tpu.memory_space<vmem>>
    %dma_start3A_54 = tpu.memref_squeeze %dma_start3A_53 : memref<1x80xi32, #tpu.memory_space<vmem>> -> memref<80xi32, #tpu.memory_space<vmem>>
    %dma_start3A_55 = arith.constant 0 : i32
    %dma_start3A_56 = arith.constant 0 : i32
    %dma_start3A_57 = tpu.memref_slice %arg2[%dma_start3A_55, %dma_start3A_56] : memref<10000x128xf32, #tpu.memory_space<hbm>> -> memref<10000x128xf32, #tpu.memory_space<hbm>>
    tpu.enqueue_indirect_dma source(%dma_start3A_57 : memref<10000x128xf32, #tpu.memory_space<hbm>>) target(%arg9 : memref<80x128xf32, #tpu.memory_space<vmem>>) offsets(%dma_start3A_54 : memref<80xi32, #tpu.memory_space<vmem>>) semaphore(%arg12 : memref<!tpu.dma_semaphore, #tpu.memory_space<semaphore_mem>>)
    %barrier3A = arith.constant 0 : index
    tpu.barrier barrier_id(%barrier3A)
    %scan3A = arith.constant 0 : i32
    %scan3A_58 = arith.constant 0 : i32
    %scan3A_59 = arith.constant 41 : i32
    %scan3A_60 = arith.addi %scan3A_58, %scan3A_59 : i32
    %scan3A_61 = arith.constant 1 : i32
    scf.for %scan3A_113 = %scan3A_58 to %scan3A_60 step %scan3A_61  : i32 {
      %mul3A_114 = arith.constant 3 : i32
      %mul3A_115 = arith.muli %mul3A_114, %scan3A_113 : i32
      %add3A_116 = arith.constant 2 : i32
      %add3A_117 = arith.addi %mul3A_115, %add3A_116 : i32
      %ge3A = arith.constant 1 : i32
      %ge3A_118 = arith.cmpi sge, %scan3A_113, %ge3A : i32
      %convert_element_type3A_119 = arith.extui %ge3A_118 : i1 to i32
      %cond3A_120 = arith.constant 0 : i32
      %cond3A_121 = arith.cmpi ne, %convert_element_type3A_119, %cond3A_120 : i32
      scf.if %cond3A_121 {
        %dma_wait3A_205 = arith.constant 0 : i32
        %dma_wait3A_206 = arith.constant 0 : i32
        %dma_wait3A_207 = tpu.memref_slice %arg7[%dma_wait3A_205, %dma_wait3A_206] : memref<125x80xi32, #tpu.memory_space<vmem>> -> memref<1x80xi32, #tpu.memory_space<vmem>>
        %dma_wait3A_208 = tpu.memref_squeeze %dma_wait3A_207 : memref<1x80xi32, #tpu.memory_space<vmem>> -> memref<80xi32, #tpu.memory_space<vmem>>
        %dma_wait3A_209 = arith.constant 0 : i32
        %dma_wait3A_210 = arith.constant 0 : i32
        %dma_wait3A_211 = tpu.memref_slice %arg17[%dma_wait3A_209, %dma_wait3A_210] : memref<10000x128xf32, #tpu.memory_space<vmem_shared>> -> memref<10000x128xf32, #tpu.memory_space<vmem_shared>>
        tpu.wait_indirect_dma semaphore(%arg16 : memref<!tpu.dma_semaphore, #tpu.memory_space<semaphore_mem>>) src(%arg10 : memref<80x128xf32, #tpu.memory_space<vmem>>) dst(%dma_wait3A_211 : memref<10000x128xf32, #tpu.memory_space<vmem_shared>>)
      } else {
      }
      %dma_start3A_122 = arith.constant 0 : i32
      %dma_start3A_123 = tpu.memref_slice %arg6[%add3A_117, %dma_start3A_122] : memref<125x80xi32, #tpu.memory_space<vmem>> -> memref<1x80xi32, #tpu.memory_space<vmem>>
      %dma_start3A_124 = tpu.memref_squeeze %dma_start3A_123 : memref<1x80xi32, #tpu.memory_space<vmem>> -> memref<80xi32, #tpu.memory_space<vmem>>
      %dma_start3A_125 = arith.constant 0 : i32
      %dma_start3A_126 = arith.constant 0 : i32
      %dma_start3A_127 = tpu.memref_slice %arg2[%dma_start3A_125, %dma_start3A_126] : memref<10000x128xf32, #tpu.memory_space<hbm>> -> memref<10000x128xf32, #tpu.memory_space<hbm>>
      tpu.enqueue_indirect_dma source(%dma_start3A_127 : memref<10000x128xf32, #tpu.memory_space<hbm>>) target(%arg10 : memref<80x128xf32, #tpu.memory_space<vmem>>) offsets(%dma_start3A_124 : memref<80xi32, #tpu.memory_space<vmem>>) semaphore(%arg13 : memref<!tpu.dma_semaphore, #tpu.memory_space<semaphore_mem>>)
      %sub3A = arith.constant 2 : i32
      %sub3A_128 = arith.subi %add3A_117, %sub3A : i32
      %dma_wait3A_129 = arith.constant 0 : i32
      %dma_wait3A_130 = tpu.memref_slice %arg6[%sub3A_128, %dma_wait3A_129] : memref<125x80xi32, #tpu.memory_space<vmem>> -> memref<1x80xi32, #tpu.memory_space<vmem>>
      %dma_wait3A_131 = tpu.memref_squeeze %dma_wait3A_130 : memref<1x80xi32, #tpu.memory_space<vmem>> -> memref<80xi32, #tpu.memory_space<vmem>>
      %dma_wait3A_132 = arith.constant 0 : i32
      %dma_wait3A_133 = arith.constant 0 : i32
      %dma_wait3A_134 = tpu.memref_slice %arg2[%dma_wait3A_132, %dma_wait3A_133] : memref<10000x128xf32, #tpu.memory_space<hbm>> -> memref<10000x128xf32, #tpu.memory_space<hbm>>
      tpu.wait_indirect_dma semaphore(%arg11 : memref<!tpu.dma_semaphore, #tpu.memory_space<semaphore_mem>>) src(%dma_wait3A_134 : memref<10000x128xf32, #tpu.memory_space<hbm>>) dst(%arg8 : memref<80x128xf32, #tpu.memory_space<vmem>>)
      %sub3A_135 = arith.constant 2 : i32
      %sub3A_136 = arith.subi %add3A_117, %sub3A_135 : i32
      %dma_start3A_137 = arith.constant 0 : i32
      %dma_start3A_138 = tpu.memref_slice %arg7[%sub3A_136, %dma_start3A_137] : memref<125x80xi32, #tpu.memory_space<vmem>> -> memref<1x80xi32, #tpu.memory_space<vmem>>
      %dma_start3A_139 = tpu.memref_squeeze %dma_start3A_138 : memref<1x80xi32, #tpu.memory_space<vmem>> -> memref<80xi32, #tpu.memory_space<vmem>>
      %dma_start3A_140 = arith.constant 0 : i32
      %dma_start3A_141 = arith.constant 0 : i32
      %dma_start3A_142 = tpu.memref_slice %arg17[%dma_start3A_140, %dma_start3A_141] : memref<10000x128xf32, #tpu.memory_space<vmem_shared>> -> memref<10000x128xf32, #tpu.memory_space<vmem_shared>>
      tpu.enqueue_indirect_dma source(%arg8 : memref<80x128xf32, #tpu.memory_space<vmem>>) target(%dma_start3A_142 : memref<10000x128xf32, #tpu.memory_space<vmem_shared>>) offsets(%dma_start3A_139 : memref<80xi32, #tpu.memory_space<vmem>>) semaphore(%arg14 : memref<!tpu.dma_semaphore, #tpu.memory_space<semaphore_mem>>) {add = true}
      %add3A_143 = arith.constant 1 : i32
      %add3A_144 = arith.addi %add3A_117, %add3A_143 : i32
      %dma_wait3A_145 = arith.constant 0 : i32
      %dma_wait3A_146 = arith.constant 0 : i32
      %dma_wait3A_147 = tpu.memref_slice %arg7[%dma_wait3A_145, %dma_wait3A_146] : memref<125x80xi32, #tpu.memory_space<vmem>> -> memref<1x80xi32, #tpu.memory_space<vmem>>
      %dma_wait3A_148 = tpu.memref_squeeze %dma_wait3A_147 : memref<1x80xi32, #tpu.memory_space<vmem>> -> memref<80xi32, #tpu.memory_space<vmem>>
      %dma_wait3A_149 = arith.constant 0 : i32
      %dma_wait3A_150 = arith.constant 0 : i32
      %dma_wait3A_151 = tpu.memref_slice %arg17[%dma_wait3A_149, %dma_wait3A_150] : memref<10000x128xf32, #tpu.memory_space<vmem_shared>> -> memref<10000x128xf32, #tpu.memory_space<vmem_shared>>
      tpu.wait_indirect_dma semaphore(%arg14 : memref<!tpu.dma_semaphore, #tpu.memory_space<semaphore_mem>>) src(%arg8 : memref<80x128xf32, #tpu.memory_space<vmem>>) dst(%dma_wait3A_151 : memref<10000x128xf32, #tpu.memory_space<vmem_shared>>)
      %dma_start3A_152 = arith.constant 0 : i32
      %dma_start3A_153 = tpu.memref_slice %arg6[%add3A_144, %dma_start3A_152] : memref<125x80xi32, #tpu.memory_space<vmem>> -> memref<1x80xi32, #tpu.memory_space<vmem>>
      %dma_start3A_154 = tpu.memref_squeeze %dma_start3A_153 : memref<1x80xi32, #tpu.memory_space<vmem>> -> memref<80xi32, #tpu.memory_space<vmem>>
      %dma_start3A_155 = arith.constant 0 : i32
      %dma_start3A_156 = arith.constant 0 : i32
      %dma_start3A_157 = tpu.memref_slice %arg2[%dma_start3A_155, %dma_start3A_156] : memref<10000x128xf32, #tpu.memory_space<hbm>> -> memref<10000x128xf32, #tpu.memory_space<hbm>>
      tpu.enqueue_indirect_dma source(%dma_start3A_157 : memref<10000x128xf32, #tpu.memory_space<hbm>>) target(%arg8 : memref<80x128xf32, #tpu.memory_space<vmem>>) offsets(%dma_start3A_154 : memref<80xi32, #tpu.memory_space<vmem>>) semaphore(%arg11 : memref<!tpu.dma_semaphore, #tpu.memory_space<semaphore_mem>>)
      %sub3A_158 = arith.constant 2 : i32
      %sub3A_159 = arith.subi %add3A_144, %sub3A_158 : i32
      %dma_wait3A_160 = arith.constant 0 : i32
      %dma_wait3A_161 = tpu.memref_slice %arg6[%sub3A_159, %dma_wait3A_160] : memref<125x80xi32, #tpu.memory_space<vmem>> -> memref<1x80xi32, #tpu.memory_space<vmem>>
      %dma_wait3A_162 = tpu.memref_squeeze %dma_wait3A_161 : memref<1x80xi32, #tpu.memory_space<vmem>> -> memref<80xi32, #tpu.memory_space<vmem>>
      %dma_wait3A_163 = arith.constant 0 : i32
      %dma_wait3A_164 = arith.constant 0 : i32
      %dma_wait3A_165 = tpu.memref_slice %arg2[%dma_wait3A_163, %dma_wait3A_164] : memref<10000x128xf32, #tpu.memory_space<hbm>> -> memref<10000x128xf32, #tpu.memory_space<hbm>>
      tpu.wait_indirect_dma semaphore(%arg12 : memref<!tpu.dma_semaphore, #tpu.memory_space<semaphore_mem>>) src(%dma_wait3A_165 : memref<10000x128xf32, #tpu.memory_space<hbm>>) dst(%arg9 : memref<80x128xf32, #tpu.memory_space<vmem>>)
      %sub3A_166 = arith.constant 2 : i32
      %sub3A_167 = arith.subi %add3A_144, %sub3A_166 : i32
      %dma_start3A_168 = arith.constant 0 : i32
      %dma_start3A_169 = tpu.memref_slice %arg7[%sub3A_167, %dma_start3A_168] : memref<125x80xi32, #tpu.memory_space<vmem>> -> memref<1x80xi32, #tpu.memory_space<vmem>>
      %dma_start3A_170 = tpu.memref_squeeze %dma_start3A_169 : memref<1x80xi32, #tpu.memory_space<vmem>> -> memref<80xi32, #tpu.memory_space<vmem>>
      %dma_start3A_171 = arith.constant 0 : i32
      %dma_start3A_172 = arith.constant 0 : i32
      %dma_start3A_173 = tpu.memref_slice %arg17[%dma_start3A_171, %dma_start3A_172] : memref<10000x128xf32, #tpu.memory_space<vmem_shared>> -> memref<10000x128xf32, #tpu.memory_space<vmem_shared>>
      tpu.enqueue_indirect_dma source(%arg9 : memref<80x128xf32, #tpu.memory_space<vmem>>) target(%dma_start3A_173 : memref<10000x128xf32, #tpu.memory_space<vmem_shared>>) offsets(%dma_start3A_170 : memref<80xi32, #tpu.memory_space<vmem>>) semaphore(%arg15 : memref<!tpu.dma_semaphore, #tpu.memory_space<semaphore_mem>>) {add = true}
      %add3A_174 = arith.constant 2 : i32
      %add3A_175 = arith.addi %add3A_117, %add3A_174 : i32
      %dma_wait3A_176 = arith.constant 0 : i32
      %dma_wait3A_177 = arith.constant 0 : i32
      %dma_wait3A_178 = tpu.memref_slice %arg7[%dma_wait3A_176, %dma_wait3A_177] : memref<125x80xi32, #tpu.memory_space<vmem>> -> memref<1x80xi32, #tpu.memory_space<vmem>>
      %dma_wait3A_179 = tpu.memref_squeeze %dma_wait3A_178 : memref<1x80xi32, #tpu.memory_space<vmem>> -> memref<80xi32, #tpu.memory_space<vmem>>
      %dma_wait3A_180 = arith.constant 0 : i32
      %dma_wait3A_181 = arith.constant 0 : i32
      %dma_wait3A_182 = tpu.memref_slice %arg17[%dma_wait3A_180, %dma_wait3A_181] : memref<10000x128xf32, #tpu.memory_space<vmem_shared>> -> memref<10000x128xf32, #tpu.memory_space<vmem_shared>>
      tpu.wait_indirect_dma semaphore(%arg15 : memref<!tpu.dma_semaphore, #tpu.memory_space<semaphore_mem>>) src(%arg9 : memref<80x128xf32, #tpu.memory_space<vmem>>) dst(%dma_wait3A_182 : memref<10000x128xf32, #tpu.memory_space<vmem_shared>>)
      %dma_start3A_183 = arith.constant 0 : i32
      %dma_start3A_184 = tpu.memref_slice %arg6[%add3A_175, %dma_start3A_183] : memref<125x80xi32, #tpu.memory_space<vmem>> -> memref<1x80xi32, #tpu.memory_space<vmem>>
      %dma_start3A_185 = tpu.memref_squeeze %dma_start3A_184 : memref<1x80xi32, #tpu.memory_space<vmem>> -> memref<80xi32, #tpu.memory_space<vmem>>
      %dma_start3A_186 = arith.constant 0 : i32
      %dma_start3A_187 = arith.constant 0 : i32
      %dma_start3A_188 = tpu.memref_slice %arg2[%dma_start3A_186, %dma_start3A_187] : memref<10000x128xf32, #tpu.memory_space<hbm>> -> memref<10000x128xf32, #tpu.memory_space<hbm>>
      tpu.enqueue_indirect_dma source(%dma_start3A_188 : memref<10000x128xf32, #tpu.memory_space<hbm>>) target(%arg9 : memref<80x128xf32, #tpu.memory_space<vmem>>) offsets(%dma_start3A_185 : memref<80xi32, #tpu.memory_space<vmem>>) semaphore(%arg12 : memref<!tpu.dma_semaphore, #tpu.memory_space<semaphore_mem>>)
      %sub3A_189 = arith.constant 2 : i32
      %sub3A_190 = arith.subi %add3A_175, %sub3A_189 : i32
      %dma_wait3A_191 = arith.constant 0 : i32
      %dma_wait3A_192 = tpu.memref_slice %arg6[%sub3A_190, %dma_wait3A_191] : memref<125x80xi32, #tpu.memory_space<vmem>> -> memref<1x80xi32, #tpu.memory_space<vmem>>
      %dma_wait3A_193 = tpu.memref_squeeze %dma_wait3A_192 : memref<1x80xi32, #tpu.memory_space<vmem>> -> memref<80xi32, #tpu.memory_space<vmem>>
      %dma_wait3A_194 = arith.constant 0 : i32
      %dma_wait3A_195 = arith.constant 0 : i32
      %dma_wait3A_196 = tpu.memref_slice %arg2[%dma_wait3A_194, %dma_wait3A_195] : memref<10000x128xf32, #tpu.memory_space<hbm>> -> memref<10000x128xf32, #tpu.memory_space<hbm>>
      tpu.wait_indirect_dma semaphore(%arg13 : memref<!tpu.dma_semaphore, #tpu.memory_space<semaphore_mem>>) src(%dma_wait3A_196 : memref<10000x128xf32, #tpu.memory_space<hbm>>) dst(%arg10 : memref<80x128xf32, #tpu.memory_space<vmem>>)
      %sub3A_197 = arith.constant 2 : i32
      %sub3A_198 = arith.subi %add3A_175, %sub3A_197 : i32
      %dma_start3A_199 = arith.constant 0 : i32
      %dma_start3A_200 = tpu.memref_slice %arg7[%sub3A_198, %dma_start3A_199] : memref<125x80xi32, #tpu.memory_space<vmem>> -> memref<1x80xi32, #tpu.memory_space<vmem>>
      %dma_start3A_201 = tpu.memref_squeeze %dma_start3A_200 : memref<1x80xi32, #tpu.memory_space<vmem>> -> memref<80xi32, #tpu.memory_space<vmem>>
      %dma_start3A_202 = arith.constant 0 : i32
      %dma_start3A_203 = arith.constant 0 : i32
      %dma_start3A_204 = tpu.memref_slice %arg17[%dma_start3A_202, %dma_start3A_203] : memref<10000x128xf32, #tpu.memory_space<vmem_shared>> -> memref<10000x128xf32, #tpu.memory_space<vmem_shared>>
      tpu.enqueue_indirect_dma source(%arg10 : memref<80x128xf32, #tpu.memory_space<vmem>>) target(%dma_start3A_204 : memref<10000x128xf32, #tpu.memory_space<vmem_shared>>) offsets(%dma_start3A_201 : memref<80xi32, #tpu.memory_space<vmem>>) semaphore(%arg16 : memref<!tpu.dma_semaphore, #tpu.memory_space<semaphore_mem>>) {add = true}
    }
    %scan3A_62 = arith.constant 41 : i32
    %dma_wait3A_63 = arith.constant 123 : i32
    %dma_wait3A_64 = arith.constant 0 : i32
    %dma_wait3A_65 = tpu.memref_slice %arg6[%dma_wait3A_63, %dma_wait3A_64] : memref<125x80xi32, #tpu.memory_space<vmem>> -> memref<1x80xi32, #tpu.memory_space<vmem>>
    %dma_wait3A_66 = tpu.memref_squeeze %dma_wait3A_65 : memref<1x80xi32, #tpu.memory_space<vmem>> -> memref<80xi32, #tpu.memory_space<vmem>>
    %dma_wait3A_67 = arith.constant 0 : i32
    %dma_wait3A_68 = arith.constant 0 : i32
    %dma_wait3A_69 = tpu.memref_slice %arg2[%dma_wait3A_67, %dma_wait3A_68] : memref<10000x128xf32, #tpu.memory_space<hbm>> -> memref<10000x128xf32, #tpu.memory_space<hbm>>
    tpu.wait_indirect_dma semaphore(%arg11 : memref<!tpu.dma_semaphore, #tpu.memory_space<semaphore_mem>>) src(%dma_wait3A_69 : memref<10000x128xf32, #tpu.memory_space<hbm>>) dst(%arg8 : memref<80x128xf32, #tpu.memory_space<vmem>>)
    %dma_start3A_70 = arith.constant 123 : i32
    %dma_start3A_71 = arith.constant 0 : i32
    %dma_start3A_72 = tpu.memref_slice %arg7[%dma_start3A_70, %dma_start3A_71] : memref<125x80xi32, #tpu.memory_space<vmem>> -> memref<1x80xi32, #tpu.memory_space<vmem>>
    %dma_start3A_73 = tpu.memref_squeeze %dma_start3A_72 : memref<1x80xi32, #tpu.memory_space<vmem>> -> memref<80xi32, #tpu.memory_space<vmem>>
    %dma_start3A_74 = arith.constant 0 : i32
    %dma_start3A_75 = arith.constant 0 : i32
    %dma_start3A_76 = tpu.memref_slice %arg17[%dma_start3A_74, %dma_start3A_75] : memref<10000x128xf32, #tpu.memory_space<vmem_shared>> -> memref<10000x128xf32, #tpu.memory_space<vmem_shared>>
    tpu.enqueue_indirect_dma source(%arg8 : memref<80x128xf32, #tpu.memory_space<vmem>>) target(%dma_start3A_76 : memref<10000x128xf32, #tpu.memory_space<vmem_shared>>) offsets(%dma_start3A_73 : memref<80xi32, #tpu.memory_space<vmem>>) semaphore(%arg14 : memref<!tpu.dma_semaphore, #tpu.memory_space<semaphore_mem>>) {add = true}
    %dma_wait3A_77 = arith.constant 124 : i32
    %dma_wait3A_78 = arith.constant 0 : i32
    %dma_wait3A_79 = tpu.memref_slice %arg6[%dma_wait3A_77, %dma_wait3A_78] : memref<125x80xi32, #tpu.memory_space<vmem>> -> memref<1x80xi32, #tpu.memory_space<vmem>>
    %dma_wait3A_80 = tpu.memref_squeeze %dma_wait3A_79 : memref<1x80xi32, #tpu.memory_space<vmem>> -> memref<80xi32, #tpu.memory_space<vmem>>
    %dma_wait3A_81 = arith.constant 0 : i32
    %dma_wait3A_82 = arith.constant 0 : i32
    %dma_wait3A_83 = tpu.memref_slice %arg2[%dma_wait3A_81, %dma_wait3A_82] : memref<10000x128xf32, #tpu.memory_space<hbm>> -> memref<10000x128xf32, #tpu.memory_space<hbm>>
    tpu.wait_indirect_dma semaphore(%arg12 : memref<!tpu.dma_semaphore, #tpu.memory_space<semaphore_mem>>) src(%dma_wait3A_83 : memref<10000x128xf32, #tpu.memory_space<hbm>>) dst(%arg9 : memref<80x128xf32, #tpu.memory_space<vmem>>)
    %dma_start3A_84 = arith.constant 124 : i32
    %dma_start3A_85 = arith.constant 0 : i32
    %dma_start3A_86 = tpu.memref_slice %arg7[%dma_start3A_84, %dma_start3A_85] : memref<125x80xi32, #tpu.memory_space<vmem>> -> memref<1x80xi32, #tpu.memory_space<vmem>>
    %dma_start3A_87 = tpu.memref_squeeze %dma_start3A_86 : memref<1x80xi32, #tpu.memory_space<vmem>> -> memref<80xi32, #tpu.memory_space<vmem>>
    %dma_start3A_88 = arith.constant 0 : i32
    %dma_start3A_89 = arith.constant 0 : i32
    %dma_start3A_90 = tpu.memref_slice %arg17[%dma_start3A_88, %dma_start3A_89] : memref<10000x128xf32, #tpu.memory_space<vmem_shared>> -> memref<10000x128xf32, #tpu.memory_space<vmem_shared>>
    tpu.enqueue_indirect_dma source(%arg9 : memref<80x128xf32, #tpu.memory_space<vmem>>) target(%dma_start3A_90 : memref<10000x128xf32, #tpu.memory_space<vmem_shared>>) offsets(%dma_start3A_87 : memref<80xi32, #tpu.memory_space<vmem>>) semaphore(%arg15 : memref<!tpu.dma_semaphore, #tpu.memory_space<semaphore_mem>>) {add = true}
    %dma_wait3A_91 = arith.constant 0 : i32
    %dma_wait3A_92 = arith.constant 0 : i32
    %dma_wait3A_93 = tpu.memref_slice %arg7[%dma_wait3A_91, %dma_wait3A_92] : memref<125x80xi32, #tpu.memory_space<vmem>> -> memref<1x80xi32, #tpu.memory_space<vmem>>
    %dma_wait3A_94 = tpu.memref_squeeze %dma_wait3A_93 : memref<1x80xi32, #tpu.memory_space<vmem>> -> memref<80xi32, #tpu.memory_space<vmem>>
    %dma_wait3A_95 = arith.constant 0 : i32
    %dma_wait3A_96 = arith.constant 0 : i32
    %dma_wait3A_97 = tpu.memref_slice %arg17[%dma_wait3A_95, %dma_wait3A_96] : memref<10000x128xf32, #tpu.memory_space<vmem_shared>> -> memref<10000x128xf32, #tpu.memory_space<vmem_shared>>
    tpu.wait_indirect_dma semaphore(%arg16 : memref<!tpu.dma_semaphore, #tpu.memory_space<semaphore_mem>>) src(%arg10 : memref<80x128xf32, #tpu.memory_space<vmem>>) dst(%dma_wait3A_97 : memref<10000x128xf32, #tpu.memory_space<vmem_shared>>)
    %dma_wait3A_98 = arith.constant 0 : i32
    %dma_wait3A_99 = arith.constant 0 : i32
    %dma_wait3A_100 = tpu.memref_slice %arg7[%dma_wait3A_98, %dma_wait3A_99] : memref<125x80xi32, #tpu.memory_space<vmem>> -> memref<1x80xi32, #tpu.memory_space<vmem>>
    %dma_wait3A_101 = tpu.memref_squeeze %dma_wait3A_100 : memref<1x80xi32, #tpu.memory_space<vmem>> -> memref<80xi32, #tpu.memory_space<vmem>>
    %dma_wait3A_102 = arith.constant 0 : i32
    %dma_wait3A_103 = arith.constant 0 : i32
    %dma_wait3A_104 = tpu.memref_slice %arg17[%dma_wait3A_102, %dma_wait3A_103] : memref<10000x128xf32, #tpu.memory_space<vmem_shared>> -> memref<10000x128xf32, #tpu.memory_space<vmem_shared>>
    tpu.wait_indirect_dma semaphore(%arg14 : memref<!tpu.dma_semaphore, #tpu.memory_space<semaphore_mem>>) src(%arg8 : memref<80x128xf32, #tpu.memory_space<vmem>>) dst(%dma_wait3A_104 : memref<10000x128xf32, #tpu.memory_space<vmem_shared>>)
    %dma_wait3A_105 = arith.constant 0 : i32
    %dma_wait3A_106 = arith.constant 0 : i32
    %dma_wait3A_107 = tpu.memref_slice %arg7[%dma_wait3A_105, %dma_wait3A_106] : memref<125x80xi32, #tpu.memory_space<vmem>> -> memref<1x80xi32, #tpu.memory_space<vmem>>
    %dma_wait3A_108 = tpu.memref_squeeze %dma_wait3A_107 : memref<1x80xi32, #tpu.memory_space<vmem>> -> memref<80xi32, #tpu.memory_space<vmem>>
    %dma_wait3A_109 = arith.constant 0 : i32
    %dma_wait3A_110 = arith.constant 0 : i32
    %dma_wait3A_111 = tpu.memref_slice %arg17[%dma_wait3A_109, %dma_wait3A_110] : memref<10000x128xf32, #tpu.memory_space<vmem_shared>> -> memref<10000x128xf32, #tpu.memory_space<vmem_shared>>
    tpu.wait_indirect_dma semaphore(%arg15 : memref<!tpu.dma_semaphore, #tpu.memory_space<semaphore_mem>>) src(%arg9 : memref<80x128xf32, #tpu.memory_space<vmem>>) dst(%dma_wait3A_111 : memref<10000x128xf32, #tpu.memory_space<vmem_shared>>)
    %barrier3A_112 = arith.constant 0 : index
    tpu.barrier barrier_id(%barrier3A_112)
    "tpu.region"() ({
      %run_scoped3A = tpu.sem_alloc : memref<!tpu.dma_semaphore, #tpu.memory_space<semaphore_mem>>
      %dma_start3A_113 = arith.constant 0 : i32
      %dma_start3A_114 = tpu.memref_slice %arg5[%arg0, %mul3A_2, %dma_start3A_113] : memref<2x10000x128xf32, #tpu.memory_space<hbm>> -> memref<1x625x128xf32, #tpu.memory_space<hbm>>
      %dma_start3A_115 = tpu.memref_squeeze %dma_start3A_114 : memref<1x625x128xf32, #tpu.memory_space<hbm>> -> memref<625x128xf32, #tpu.memory_space<hbm>>
      %dma_start3A_116 = arith.constant 0 : i32
      %dma_start3A_117 = tpu.memref_slice %arg17[%mul3A_2, %dma_start3A_116] : memref<10000x128xf32, #tpu.memory_space<vmem_shared>> -> memref<625x128xf32, #tpu.memory_space<vmem_shared>>
      tpu.enqueue_dma source(%dma_start3A_117 : memref<625x128xf32, #tpu.memory_space<vmem_shared>>) target(%dma_start3A_115 : memref<625x128xf32, #tpu.memory_space<hbm>>) target_semaphore(%run_scoped3A : memref<!tpu.dma_semaphore, #tpu.memory_space<semaphore_mem>>)
      %dma_wait3A_118 = arith.constant 0 : i32
      %dma_wait3A_119 = tpu.memref_slice %arg5[%arg0, %mul3A_2, %dma_wait3A_118] : memref<2x10000x128xf32, #tpu.memory_space<hbm>> -> memref<1x625x128xf32, #tpu.memory_space<hbm>>
      %dma_wait3A_120 = tpu.memref_squeeze %dma_wait3A_119 : memref<1x625x128xf32, #tpu.memory_space<hbm>> -> memref<625x128xf32, #tpu.memory_space<hbm>>
      %dma_wait3A_121 = arith.constant 0 : i32
      %dma_wait3A_122 = tpu.memref_slice %arg17[%mul3A_2, %dma_wait3A_121] : memref<10000x128xf32, #tpu.memory_space<vmem_shared>> -> memref<625x128xf32, #tpu.memory_space<vmem_shared>>
      tpu.wait_dma2 semaphore(%run_scoped3A : memref<!tpu.dma_semaphore, #tpu.memory_space<semaphore_mem>>) src(%dma_wait3A_122 : memref<625x128xf32, #tpu.memory_space<vmem_shared>>) dst(%dma_wait3A_120 : memref<625x128xf32, #tpu.memory_space<hbm>>)
      tpu.yield
    }) : () -> ()
    return
  }
}

module attributes {stable_mosaic.version = 14 : i64} {
  func.func @body(%arg0: memref<2x10000x128xf32, #tpu.memory_space<vmem>>, %arg1: memref<10000x1xf32, #tpu.memory_space<vmem>>, %arg2: memref<1x128xf32, #tpu.memory_space<vmem>>, %arg3: memref<1x128xf32, #tpu.memory_space<vmem>>, %arg4: memref<1x128xf32, #tpu.memory_space<vmem>>, %arg5: memref<128x128xf32, #tpu.memory_space<vmem>>, %arg6: memref<10000x128xf32, #tpu.memory_space<vmem>>) attributes {dimension_semantics = [], scalar_prefetch = 0 : i64, scratch_operands = 0 : i64, tpu.core_type = #tpu.core_type<tc>} {
    %get3A = arith.constant 0 : index
    %get3A_0 = arith.constant 0 : index
    %get3A_1 = vector.load %arg1[%get3A, %get3A_0] : memref<10000x1xf32, #tpu.memory_space<vmem>>, vector<10000x1xf32>
    %get3A_2 = arith.constant 0 : index
    %get3A_3 = arith.constant 0 : index
    %get3A_4 = arith.constant 0 : index
    %get3A_5 = vector.load %arg0[%get3A_2, %get3A_3, %get3A_4] : memref<2x10000x128xf32, #tpu.memory_space<vmem>>, vector<1x10000x128xf32>
    %get3A_6 = vector.shape_cast %get3A_5 : vector<1x10000x128xf32> to vector<10000x128xf32>
    %get3A_7 = arith.constant 1 : index
    %get3A_8 = arith.constant 0 : index
    %get3A_9 = arith.constant 0 : index
    %get3A_10 = vector.load %arg0[%get3A_7, %get3A_8, %get3A_9] : memref<2x10000x128xf32, #tpu.memory_space<vmem>>, vector<1x10000x128xf32>
    %get3A_11 = vector.shape_cast %get3A_10 : vector<1x10000x128xf32> to vector<10000x128xf32>
    %add3A = arith.addf %get3A_6, %get3A_11 : vector<10000x128xf32>
    %mul3A = vector.broadcast %get3A_1 : vector<10000x1xf32> to vector<10000x128xf32>
    %mul3A_12 = arith.mulf %mul3A, %add3A : vector<10000x128xf32>
    %get3A_13 = arith.constant 0 : index
    %get3A_14 = arith.constant 0 : index
    %get3A_15 = vector.load %arg2[%get3A_13, %get3A_14] : memref<1x128xf32, #tpu.memory_space<vmem>>, vector<1x128xf32>
    %add3A_16 = vector.broadcast %get3A_15 : vector<1x128xf32> to vector<10000x128xf32>
    %add3A_17 = arith.addf %mul3A_12, %add3A_16 : vector<10000x128xf32>
    %reduce_sum3A = arith.constant dense<0.000000e+00> : vector<128xf32>
    %reduce_sum3A_18 = vector.multi_reduction <add>, %add3A_17, %reduce_sum3A [0] : vector<10000x128xf32> to vector<128xf32>
    %broadcast_in_dim3A = vector.shape_cast %reduce_sum3A_18 : vector<128xf32> to vector<1x128xf32>
    %div3A = arith.constant 1.000000e+04 : f32
    %div3A_19 = vector.broadcast %div3A : f32 to vector<1x128xf32>
    %div3A_20 = arith.divf %broadcast_in_dim3A, %div3A_19 : vector<1x128xf32>
    %sub3A = vector.broadcast %div3A_20 : vector<1x128xf32> to vector<10000x128xf32>
    %sub3A_21 = arith.subf %add3A_17, %sub3A : vector<10000x128xf32>
    %mul3A_22 = arith.mulf %sub3A_21, %sub3A_21 : vector<10000x128xf32>
    %reduce_sum3A_23 = arith.constant dense<0.000000e+00> : vector<128xf32>
    %reduce_sum3A_24 = vector.multi_reduction <add>, %mul3A_22, %reduce_sum3A_23 [0] : vector<10000x128xf32> to vector<128xf32>
    %broadcast_in_dim3A_25 = vector.shape_cast %reduce_sum3A_24 : vector<128xf32> to vector<1x128xf32>
    %div3A_26 = arith.constant 1.000000e+04 : f32
    %div3A_27 = vector.broadcast %div3A_26 : f32 to vector<1x128xf32>
    %div3A_28 = arith.divf %broadcast_in_dim3A_25, %div3A_27 : vector<1x128xf32>
    %add3A_29 = arith.constant 9.99999974E-6 : f32
    %add3A_30 = vector.broadcast %add3A_29 : f32 to vector<1x128xf32>
    %add3A_31 = arith.addf %div3A_28, %add3A_30 : vector<1x128xf32>
    %rsqrt3A = math.rsqrt %add3A_31 : vector<1x128xf32>
    %mul3A_32 = vector.broadcast %rsqrt3A : vector<1x128xf32> to vector<10000x128xf32>
    %mul3A_33 = arith.mulf %sub3A_21, %mul3A_32 : vector<10000x128xf32>
    %get3A_34 = arith.constant 0 : index
    %get3A_35 = arith.constant 0 : index
    %get3A_36 = vector.load %arg3[%get3A_34, %get3A_35] : memref<1x128xf32, #tpu.memory_space<vmem>>, vector<1x128xf32>
    %mul3A_37 = vector.broadcast %get3A_36 : vector<1x128xf32> to vector<10000x128xf32>
    %mul3A_38 = arith.mulf %mul3A_33, %mul3A_37 : vector<10000x128xf32>
    %get3A_39 = arith.constant 0 : index
    %get3A_40 = arith.constant 0 : index
    %get3A_41 = vector.load %arg4[%get3A_39, %get3A_40] : memref<1x128xf32, #tpu.memory_space<vmem>>, vector<1x128xf32>
    %add3A_42 = vector.broadcast %get3A_41 : vector<1x128xf32> to vector<10000x128xf32>
    %add3A_43 = arith.addf %mul3A_38, %add3A_42 : vector<10000x128xf32>
    %ge3A = arith.constant 0.000000e+00 : f32
    %ge3A_44 = vector.broadcast %ge3A : f32 to vector<10000x128xf32>
    %ge3A_45 = arith.cmpf oge, %add3A_43, %ge3A_44 : vector<10000x128xf32>
    %mul3A_46 = arith.constant 0.00999999977 : f32
    %mul3A_47 = vector.broadcast %mul3A_46 : f32 to vector<10000x128xf32>
    %mul3A_48 = arith.mulf %mul3A_47, %add3A_43 : vector<10000x128xf32>
    %select_n3A = arith.select %ge3A_45, %add3A_43, %mul3A_48 : vector<10000x128xi1>, vector<10000x128xf32>
    %get3A_49 = arith.constant 0 : index
    %get3A_50 = arith.constant 0 : index
    %get3A_51 = vector.load %arg5[%get3A_49, %get3A_50] : memref<128x128xf32, #tpu.memory_space<vmem>>, vector<128x128xf32>
    %dot_general3A = arith.constant dense<0.000000e+00> : vector<10000x128xf32>
    %dot_general3A_52 = tpu.matmul %select_n3A, %get3A_51, %dot_general3A {dimension_numbers = #tpu.dot_dimension_numbers<[1], [0], [0], [1], [0, 0, 1, 1], [], []>, transpose_lhs_hint = false} : vector<10000x128xf32>, vector<128x128xf32>, vector<10000x128xf32> -> vector<10000x128xf32>
    %mul3A_53 = vector.broadcast %get3A_1 : vector<10000x1xf32> to vector<10000x128xf32>
    %mul3A_54 = arith.mulf %dot_general3A_52, %mul3A_53 : vector<10000x128xf32>
    %swap3A = arith.constant 0 : index
    %swap3A_55 = arith.constant 0 : index
    %swap3A_56 = vector.load %arg6[%swap3A, %swap3A_55] : memref<10000x128xf32, #tpu.memory_space<vmem>>, vector<10000x128xf32>
    tpu.vector_store %arg6[%swap3A, %swap3A_55], %mul3A_54 {strides = array<i32>} : memref<10000x128xf32, #tpu.memory_space<vmem>>, vector<10000x128xf32>,
    return
  }
}

module attributes {stable_mosaic.version = 14 : i64} {
  func.func @body(%arg0: memref<32x10000xf32, #tpu.memory_space<vmem>>, %arg1: memref<10000x128xf32, #tpu.memory_space<vmem>>, %arg2: memref<128x128xf32, #tpu.memory_space<vmem>>, %arg3: memref<10000x128xf32, #tpu.memory_space<vmem>>, %arg4: memref<10000x1xf32, #tpu.memory_space<vmem>>) attributes {dimension_semantics = [], scalar_prefetch = 0 : i64, scratch_operands = 0 : i64, tpu.core_type = #tpu.core_type<tc>} {
    %get3A = arith.constant 0 : index
    %get3A_0 = arith.constant 0 : index
    %get3A_1 = vector.load %arg0[%get3A, %get3A_0] : memref<32x10000xf32, #tpu.memory_space<vmem>>, vector<32x10000xf32>
    %reduce_sum3A = arith.constant dense<0.000000e+00> : vector<10000xf32>
    %reduce_sum3A_2 = vector.multi_reduction <add>, %get3A_1, %reduce_sum3A [0] : vector<32x10000xf32> to vector<10000xf32>
    %add3A = arith.constant 1.000000e+00 : f32
    %add3A_3 = vector.broadcast %add3A : f32 to vector<10000xf32>
    %add3A_4 = arith.addf %reduce_sum3A_2, %add3A_3 : vector<10000xf32>
    %rsqrt3A = math.rsqrt %add3A_4 : vector<10000xf32>
    %broadcast_in_dim3A = vector.shape_cast %rsqrt3A : vector<10000xf32> to vector<10000x1xf32>
    %swap3A = arith.constant 0 : index
    %swap3A_5 = arith.constant 0 : index
    %swap3A_6 = vector.load %arg4[%swap3A, %swap3A_5] : memref<10000x1xf32, #tpu.memory_space<vmem>>, vector<10000x1xf32>
    tpu.vector_store %arg4[%swap3A, %swap3A_5], %broadcast_in_dim3A {strides = array<i32>} : memref<10000x1xf32, #tpu.memory_space<vmem>>, vector<10000x1xf32>,
    %get3A_7 = arith.constant 0 : index
    %get3A_8 = arith.constant 0 : index
    %get3A_9 = vector.load %arg1[%get3A_7, %get3A_8] : memref<10000x128xf32, #tpu.memory_space<vmem>>, vector<10000x128xf32>
    %get3A_10 = arith.constant 0 : index
    %get3A_11 = arith.constant 0 : index
    %get3A_12 = vector.load %arg2[%get3A_10, %get3A_11] : memref<128x128xf32, #tpu.memory_space<vmem>>, vector<128x128xf32>
    %dot_general3A = arith.constant dense<0.000000e+00> : vector<10000x128xf32>
    %dot_general3A_13 = tpu.matmul %get3A_9, %get3A_12, %dot_general3A {dimension_numbers = #tpu.dot_dimension_numbers<[1], [0], [0], [1], [0, 0, 1, 1], [], []>, transpose_lhs_hint = false} : vector<10000x128xf32>, vector<128x128xf32>, vector<10000x128xf32> -> vector<10000x128xf32>
    %mul3A = vector.broadcast %broadcast_in_dim3A : vector<10000x1xf32> to vector<10000x128xf32>
    %mul3A_14 = arith.mulf %dot_general3A_13, %mul3A : vector<10000x128xf32>
    %swap3A_15 = arith.constant 0 : index
    %swap3A_16 = arith.constant 0 : index
    %swap3A_17 = vector.load %arg3[%swap3A_15, %swap3A_16] : memref<10000x128xf32, #tpu.memory_space<vmem>>, vector<10000x128xf32>
    tpu.vector_store %arg3[%swap3A_15, %swap3A_16], %mul3A_14 {strides = array<i32>} : memref<10000x128xf32, #tpu.memory_space<vmem>>, vector<10000x128xf32>,
    return
  }
}

module attributes {stable_mosaic.version = 14 : i64} {
  func.func @body(%arg0: memref<2x10000x128xf32, #tpu.memory_space<vmem>>, %arg1: memref<10000x1xf32, #tpu.memory_space<vmem>>, %arg2: memref<1x128xf32, #tpu.memory_space<vmem>>, %arg3: memref<1x128xf32, #tpu.memory_space<vmem>>, %arg4: memref<1x128xf32, #tpu.memory_space<vmem>>, %arg5: memref<10000x128xf32, #tpu.memory_space<vmem>>) attributes {dimension_semantics = [], scalar_prefetch = 0 : i64, scratch_operands = 0 : i64, tpu.core_type = #tpu.core_type<tc>} {
    %get3A = arith.constant 0 : index
    %get3A_0 = arith.constant 0 : index
    %get3A_1 = arith.constant 0 : index
    %get3A_2 = vector.load %arg0[%get3A, %get3A_0, %get3A_1] : memref<2x10000x128xf32, #tpu.memory_space<vmem>>, vector<1x10000x128xf32>
    %get3A_3 = vector.shape_cast %get3A_2 : vector<1x10000x128xf32> to vector<10000x128xf32>
    %get3A_4 = arith.constant 1 : index
    %get3A_5 = arith.constant 0 : index
    %get3A_6 = arith.constant 0 : index
    %get3A_7 = vector.load %arg0[%get3A_4, %get3A_5, %get3A_6] : memref<2x10000x128xf32, #tpu.memory_space<vmem>>, vector<1x10000x128xf32>
    %get3A_8 = vector.shape_cast %get3A_7 : vector<1x10000x128xf32> to vector<10000x128xf32>
    %add3A = arith.addf %get3A_3, %get3A_8 : vector<10000x128xf32>
    %get3A_9 = arith.constant 0 : index
    %get3A_10 = arith.constant 0 : index
    %get3A_11 = vector.load %arg1[%get3A_9, %get3A_10] : memref<10000x1xf32, #tpu.memory_space<vmem>>, vector<10000x1xf32>
    %mul3A = vector.broadcast %get3A_11 : vector<10000x1xf32> to vector<10000x128xf32>
    %mul3A_12 = arith.mulf %mul3A, %add3A : vector<10000x128xf32>
    %get3A_13 = arith.constant 0 : index
    %get3A_14 = arith.constant 0 : index
    %get3A_15 = vector.load %arg2[%get3A_13, %get3A_14] : memref<1x128xf32, #tpu.memory_space<vmem>>, vector<1x128xf32>
    %add3A_16 = vector.broadcast %get3A_15 : vector<1x128xf32> to vector<10000x128xf32>
    %add3A_17 = arith.addf %mul3A_12, %add3A_16 : vector<10000x128xf32>
    %reduce_sum3A = arith.constant dense<0.000000e+00> : vector<128xf32>
    %reduce_sum3A_18 = vector.multi_reduction <add>, %add3A_17, %reduce_sum3A [0] : vector<10000x128xf32> to vector<128xf32>
    %broadcast_in_dim3A = vector.shape_cast %reduce_sum3A_18 : vector<128xf32> to vector<1x128xf32>
    %div3A = arith.constant 1.000000e+04 : f32
    %div3A_19 = vector.broadcast %div3A : f32 to vector<1x128xf32>
    %div3A_20 = arith.divf %broadcast_in_dim3A, %div3A_19 : vector<1x128xf32>
    %sub3A = vector.broadcast %div3A_20 : vector<1x128xf32> to vector<10000x128xf32>
    %sub3A_21 = arith.subf %add3A_17, %sub3A : vector<10000x128xf32>
    %mul3A_22 = arith.mulf %sub3A_21, %sub3A_21 : vector<10000x128xf32>
    %reduce_sum3A_23 = arith.constant dense<0.000000e+00> : vector<128xf32>
    %reduce_sum3A_24 = vector.multi_reduction <add>, %mul3A_22, %reduce_sum3A_23 [0] : vector<10000x128xf32> to vector<128xf32>
    %broadcast_in_dim3A_25 = vector.shape_cast %reduce_sum3A_24 : vector<128xf32> to vector<1x128xf32>
    %div3A_26 = arith.constant 1.000000e+04 : f32
    %div3A_27 = vector.broadcast %div3A_26 : f32 to vector<1x128xf32>
    %div3A_28 = arith.divf %broadcast_in_dim3A_25, %div3A_27 : vector<1x128xf32>
    %add3A_29 = arith.constant 9.99999974E-6 : f32
    %add3A_30 = vector.broadcast %add3A_29 : f32 to vector<1x128xf32>
    %add3A_31 = arith.addf %div3A_28, %add3A_30 : vector<1x128xf32>
    %rsqrt3A = math.rsqrt %add3A_31 : vector<1x128xf32>
    %mul3A_32 = vector.broadcast %rsqrt3A : vector<1x128xf32> to vector<10000x128xf32>
    %mul3A_33 = arith.mulf %sub3A_21, %mul3A_32 : vector<10000x128xf32>
    %get3A_34 = arith.constant 0 : index
    %get3A_35 = arith.constant 0 : index
    %get3A_36 = vector.load %arg3[%get3A_34, %get3A_35] : memref<1x128xf32, #tpu.memory_space<vmem>>, vector<1x128xf32>
    %mul3A_37 = vector.broadcast %get3A_36 : vector<1x128xf32> to vector<10000x128xf32>
    %mul3A_38 = arith.mulf %mul3A_33, %mul3A_37 : vector<10000x128xf32>
    %get3A_39 = arith.constant 0 : index
    %get3A_40 = arith.constant 0 : index
    %get3A_41 = vector.load %arg4[%get3A_39, %get3A_40] : memref<1x128xf32, #tpu.memory_space<vmem>>, vector<1x128xf32>
    %add3A_42 = vector.broadcast %get3A_41 : vector<1x128xf32> to vector<10000x128xf32>
    %add3A_43 = arith.addf %mul3A_38, %add3A_42 : vector<10000x128xf32>
    %swap3A = arith.constant 0 : index
    %swap3A_44 = arith.constant 0 : index
    %swap3A_45 = vector.load %arg5[%swap3A, %swap3A_44] : memref<10000x128xf32, #tpu.memory_space<vmem>>, vector<10000x128xf32>
    tpu.vector_store %arg5[%swap3A, %swap3A_44], %add3A_43 {strides = array<i32>} : memref<10000x128xf32, #tpu.memory_space<vmem>>, vector<10000x128xf32>,
    return
  }
}

</mosaic_0001>

<sc_bundles>
// kernel: kernel.10.cloned.1.call-start
scs
__scs_entry_jumppad:
0x0: {  	(pc) =	sbr.rel $0x88, $3  }
0x1: {  	(tag) =	ssettag $0x0;
	lr =	simm.s32 $0x1  }
0x2: {  	[smem:$0x3F93] =	sst lr;
	_ =	strace $0xD0000000  }
0x3: {  	_ = 	snop  }
0x4: {  	_ = 	snop  }
0x5: {  	_ = 	snop  }
0x6: {  	_ = 	snop  }
0x7: {  	_ = 	snop  }
__scs_overlays_trampoline_lowered:
0x8: {  	[smem:$0x3FA2] =	sst s0  }
0x9: {  	[smem:$0x3FA3] =	sst s1  }
0xa: {  	[smem:$0x3FA4] =	sst s2  }
0xb: {  	[smem:$0x3FA5] =	sst s3  }
0xc: {  	[smem:$0x3FA6] =	sst s4  }
0xd: {  	[smem:$0x3FA7] =	sst s5  }
0xe: {  	[smem:$0x3FA8] =	sst s6  }
0xf: {  	[smem:$0x3FA9] =	sst s7  }
0x10: {  	[smem:$0x3FAA] =	sst s8  }
0x11: {  	[smem:$0x3FAB] =	sst s9;
	s0 =	simm.s32 @!p0 $0x0  }
0x12: {  	s1 =	sld [smem:$0x3F91];
	s0 =	simm.s32 @p0 $0x1  }
0x13: {  	[smem:$0x3FAC] =	sst s0;
	s0 =	simm.s32 @!p1 $0x0  }
0x14: {  	s2 =	sld [smem:$0x3F90];
	s0 =	simm.s32 @p1 $0x1  }
0x15: {  	[smem:$0x3FAD] =	sst s0;
	s0 =	simm.s32 @!p2 $0x0  }
0x16: {  	s3 =	sld [smem:$0x3FDB];
	s0 =	simm.s32 @p2 $0x1  }
0x17: {  	s4 =	simm.s32 $0x1BF5;
	[smem:$0x3FAF] =	sst s0  }
0x18: {  	s0 =	sld [smem:$0x3F92];
	_ =	swait.ge [sflag:s4], $0x0  }
0x19: {  	s7 =	sld [smem:$0x3F93]  }
0x1a: {  	s8 =	sadd.s32 $0xFFFFE003, lr  }
0x1b: {  	s9 =	sadd.s32 $0xFFFFFEF7, lr;
	s5 =	simm.s32 $0xFFFFFFFF;
	p2 =	slt.u32 s8, $0xFFFFF086  }
0x1c: {  	p1 =	slt.u32 s9, $0xF7A;
	s5 =	simm.s32 @!p2 $0x0  }
0x1d: {  	s5 =	simm.s32 @p1 $0x1;
	p0 =	seq.s32 s7, s2  }
0x1e: {  	s7 =	smul.u32 @!p0 $0xF7A, s2;
	p2 =	seq.s32 @!p0 s5, $0x0  }
0x1f: {  	s9 =	smul.u32 $0xF7A, s1;
	s8 =	simm.s32 @!p0 $0x1BF5;
	p2 =	por !p2, p0  }
0x20: {  	[sflag:s8] =	ssyncset.s32 @!p0 $0xFFFFF086;
	s6 =	sadd.s32 @!p0 s3, s7;
	s7 =	simm.s32 @!p0 $0x108  }
0x21: {  	s3 =	sadd.s32 s3, s9;
	s6 =	sadd.s32 @!p0 $0x88, s6;
	s7 =	simm.s32 @p2 $0x1082  }
0x22: {  	[simem:s7], [sflag:s8] =	dma.local @!p0 [hbm:s6], $0xF7A  }
0x23: {  	s9 =	sor.u32 $0xD0000000, s2;
	s6 =	simm.s32 $0x108;
	_ =	swait.ge @!p0 [sflag:s8], $0x0  }
0x24: {  	s3 =	sadd.s32 $0x88, s3;
	s6 =	simm.s32 @!p1 $0x1082;
	[sflag:s4] =	ssyncset.s32 $0xFFFFF086  }
0x25: {  	[simem:s6], [sflag:s4] =	dma.local [hbm:s3], $0xF7A  }
0x26: {  	[smem:$0x3F93] =	sst s1;
	(tag) =	ssettag s2;
	_ =	strace s9  }
0x27: {  	s1 =	sld [smem:$0x3FA3]  }
0x28: {  	s2 =	sld [smem:$0x3FA4]  }
0x29: {  	s4 =	sld [smem:$0x3FA6]  }
0x2a: {  	p0 =	seq.s32 s5, $0x0;
	s5 =	sld [smem:$0x3FA7]  }
0x2b: {  	s6 =	sld [smem:$0x3FA8]  }
0x2c: {  	s7 =	sld [smem:$0x3FA9]  }
0x2d: {  	s3 =	simm.s32 $0x108;
	s8 =	sld [smem:$0x3FAA]  }
0x2e: {  	s3 =	simm.s32 @!p0 $0x1082;
	s9 =	sld [smem:$0x3FAB]  }
0x2f: {  	lr =	sadd.s32 s0, s3;
	s0 =	sld [smem:$0x3FA2]  }
0x30: {  	s3 =	sld [smem:$0x3FA5]  }
0x31: {  	[smem:$0x3FAE] =	sst s10  }
0x32: {  	s10 =	sld [smem:$0x3FAC];
	_ =	sdelay $0x3  }
0x33: {  	p0 =	seq.s32 s10, $0x1;
	s10 =	sld [smem:$0x3FAE];
	_ =	sdelay $0x3  }
0x34: {  	[smem:$0x3FAE] =	sst s10  }
0x35: {  	s10 =	sld [smem:$0x3FAD];
	_ =	sdelay $0x3  }
0x36: {  	p1 =	seq.s32 s10, $0x1;
	s10 =	sld [smem:$0x3FAE];
	_ =	sdelay $0x3  }
0x37: {  	[smem:$0x3FAE] =	sst s10  }
0x38: {  	s10 =	sld [smem:$0x3FAF]  }
0x39: {  	_ = 	snop;
	(pc) =	sbr.ind lr, $3  }
0x3a: {  	_ = 	snop  }
0x3b: {  	_ = 	snop  }
0x3c: {  	p2 =	seq.s32 s10, $0x1;
	s10 =	sld [smem:$0x3FAE]  }
0x3d: {  	_ =	shalt  }
0x3e: {  	_ =	shalt  }
0x3f: {  	_ =	shalt  }
0x40: {  	_ =	shalt  }
0x41: {  	_ =	shalt  }
0x42: {  	_ =	shalt  }
0x43: {  	_ =	shalt  }
0x44: {  	_ =	shalt  }
0x45: {  	_ =	shalt  }
0x46: {  	_ =	shalt  }
0x47: {  	_ =	shalt  }
0x48: {  	_ =	shalt  }
0x49: {  	_ =	shalt  }
0x4a: {  	_ =	shalt  }
0x4b: {  	_ =	shalt  }
0x4c: {  	_ =	shalt  }
0x4d: {  	_ =	shalt  }
0x4e: {  	_ =	shalt  }
0x4f: {  	_ =	shalt  }
0x50: {  	_ =	shalt  }
0x51: {  	_ =	shalt  }
0x52: {  	_ =	shalt  }
0x53: {  	_ =	shalt  }
0x54: {  	_ =	shalt  }
0x55: {  	_ =	shalt  }
0x56: {  	_ =	shalt  }
0x57: {  	_ =	shalt  }
0x58: {  	_ =	shalt  }
0x59: {  	_ =	shalt  }
0x5a: {  	_ =	shalt  }
0x5b: {  	_ =	shalt  }
0x5c: {  	_ =	shalt  }
0x5d: {  	_ =	shalt  }
0x5e: {  	_ =	shalt  }
0x5f: {  	_ =	shalt  }
0x60: {  	_ =	shalt  }
0x61: {  	_ =	shalt  }
0x62: {  	_ =	shalt  }
0x63: {  	_ =	shalt  }
0x64: {  	_ =	shalt  }
0x65: {  	_ =	shalt  }
0x66: {  	_ =	shalt  }
0x67: {  	_ =	shalt  }
0x68: {  	_ =	shalt  }
0x69: {  	_ =	shalt  }
0x6a: {  	_ =	shalt  }
0x6b: {  	_ =	shalt  }
0x6c: {  	_ =	shalt  }
0x6d: {  	_ =	shalt  }
0x6e: {  	_ =	shalt  }
0x6f: {  	_ =	shalt  }
0x70: {  	_ =	shalt  }
0x71: {  	_ =	shalt  }
0x72: {  	_ =	shalt  }
0x73: {  	_ =	shalt  }
0x74: {  	_ =	shalt  }
0x75: {  	_ =	shalt  }
0x76: {  	_ =	shalt  }
0x77: {  	_ =	shalt  }
0x78: {  	_ =	shalt  }
0x79: {  	_ =	shalt  }
0x7a: {  	_ =	shalt  }
0x7b: {  	_ =	shalt  }
0x7c: {  	_ =	shalt  }
0x7d: {  	_ =	shalt  }
0x7e: {  	_ =	shalt  }
0x7f: {  	_ =	shalt  }
0x80: {  	_ =	shalt  }
0x81: {  	_ =	shalt  }
0x82: {  	_ =	shalt  }
0x83: {  	_ =	shalt  }
0x84: {  	_ =	shalt  }
0x85: {  	_ =	shalt  }
0x86: {  	_ =	shalt  }
0x87: {  	_ =	shalt  }
.Lfunc_end0:
.L_simem_size_0:
called_computation_lowered:
.L_overlay_start_0:
0x88: {  	s2 =	sld [smem:$0x3FD9]  }
0x89: {  	s3 =	sld [smem:$0x3FFE];
	_ =	sdelay $0x1  }
0x8a: {  	s1 =	srdreg.scid  }
0x8b: {  	s0 =	sand.u32 $0x1, s1  }
0x8c: {  	s17 =	sshll.u32 s0, $0xA;
	s2 =	sadd.s32 s3, s2  }
0x8d: {  	s2 =	sadd.s32 s2, s17  }
0x8e: {  	[smem:$0x3FBA] =	sst s2  }
0x8f: {  	_ = 	snop  }
0x90: {  	s2 =	sld [smem:$0x3FD0];
	(tm) =	ssettm $0x1  }
0x91: {  	s18 =	sld [smem:$0x3FFB];
	_ =	sdelay $0x3  }
0x92: {  	_ =	strace s18  }
0x93: {  	s3 =	sld [smem:$0x3FFC];
	_ =	sdelay $0x3  }
0x94: {  	_ =	strace s3  }
0x95: {  	s3 =	sld [smem:$0x3FFD];
	_ =	sdelay $0x3  }
0x96: {  	_ =	strace s3  }
0x97: {  	_ =	strace $0x8FFFFFFF  }
0x98: {  	s19 =	sld [smem:$0x3FDB];
	_ =	sdelay $0x1  }
0x99: {  	s4 =	simm.s32 $_scs_section_size  }
0x9a: {  	s5 =	simm.s32 $_size__tile_overlayer_lowered;
	s6 =	simm.s32 $_tile_overlayer_lowered  }
0x9b: {  	s22 =	simm.s32 $0x1BFF;
	s21 =	sshll.u32 s6, $0x1;
	s3 =	sadd.s32 s4, s19  }
0x9c: {  	s7 =	simm.s32 $0x0;
	s20 =	sshll.u32 s5, $0x1;
	s5 =	sadd.s32 s21, s3  }
0x9d: {  	[timem:s7], [sflag:s22] =	dma.local [hbm:s5], s20  }
0x9e: {  	_ =	swait.ge [sflag:s22], s20  }
0x9f: {  	s4 =	ssub.s32 $0x0, s20;
	[sflag:s22] =	ssyncset.done $0x0  }
0xa0: {  	[sflag:s22] =	ssyncadd.s32 s4;
	_ =	sdelay $0x1  }
0xa1: {  	s23 =	simm.s32 $0x1B8B  }
0xa2: {  	_ =	swait.ge [sflag:s23], $0x1  }
0xa3: {  	[sflag:s23] =	ssyncset.done $0x0  }
0xa4: {  	s25 =	simm.s32 $0x1B8E;
	s24 =	sld [smem:$0x3FFE];
	[sflag:s23] =	ssyncadd.s32 $0xFFFFFFFF  }
0xa5: {  	s26 =	simm.s32 $execute0_lowered;
	[smem:$0x3FD2] =	sst s25  }
0xa6: {  	s5 =	sshll.u32 s26, $0x1;
	_ =	strace $0x80000046;
	[dreg:$0x1] =	wrdreg $0xFFFFFFFF  }
0xa7: {  	s28 =	simm.s32 $_size_execute0_lowered;
	s3 =	sadd.s32 s3, s5;
	[dreg:$0x0] =	wrdreg $0x0  }
0xa8: {  	s5 =	sshll.u32 s28, $0x1;
	[dreg:$0x2] =	wrdreg s3  }
0xa9: {  	[dreg:$0x3] =	wrdreg s5  }
0xaa: {  	[dreg:$0x4] =	wrdreg $0xC0  }
0xab: {  	_ =	task [dreg:s7], $0x5FFFF  }
0xac: {  	[dreg:$0x1] =	wrdreg $0xFFFFFFFF  }
0xad: {  	[dreg:$0x0] =	wrdreg $0x60  }
0xae: {  	[dreg:$0x2] =	wrdreg s24  }
0xaf: {  	[dreg:$0x3] =	wrdreg s2  }
0xb0: {  	[dreg:$0x4] =	wrdreg $0x9  }
0xb1: {  	_ =	task.clear_ibuf [dreg:s7], $0x5FFFF;
	_ =	strace $0x90000046  }
0xb2: {  	s29 =	simm.s32 $0x9;
	_ =	strace $0x80000048  }
0xb3: {  	_ =	swait.ge [sflag:s29], $0x1  }
0xb4: {  	[sflag:s29] =	ssyncadd.s32 $0xFFFFFFFF  }
0xb5: {  	_ =	strace $0x90000048  }
0xb6: {  	_ =	sfence  }
0xb7: {  	s30 =	sld [smem:$0x0];
	_ =	sdelay $0x2  }
0xb8: {  	s31 =	sshll.u32 s1, $0xD;
	s1 =	sshrl.u32 s1, $0x2  }
0xb9: {  	s3 =	sand.u32 $0x4000, s31;
	s1 =	sadd.s32 s1, s30  }
0xba: {  	s0 =	sor.u32 s3, s0;
	s1 =	sshll.u32 s1, $0x11  }
0xbb: {  	s0 =	sor.u32 s1, s0  }
0xbc: {  	s0 =	sadd.s32 $0x8F2B, s0  }
0xbd: {  	[sflag:s0] =	ssyncadd.remote.s32 $0x1  }
0xbe: {  	_ =	sfence.sel $0xFFFF  }
0xbf: {  	[dreg:$0x0] =	wrdreg $0xFFFFFFFF;
	(pc) =	sbr.abs _section_cstart, $3  }
0xc0: {  	[dreg:$0x1] =	wrdreg $0xFFFFFFFF  }
0xc1: {  	_ =	task.clear_ibuf [dreg:s7], $0x2FFFF;
	_ =	strace $0x9FFFFFFF  }
0xc2: {  	(tm) =	ssettm $0x7FFFFFFF  }
0xc3: {  	_ =	shalt  }
tec
execute0_lowered:
.L_overlay_start_1:
0x0: {  	(tag) =	ssettag $0x1  }
0x1: {  	s1 =	srdreg.scid;
	s0 =	stileid.u32  }
0x2: {  	s4 =	sand.u32 $0x1, s1;
	s31 =	sshll.u32 s0, $0x1  }
0x3: {  	s3 =	rddreg [dreg:$0x0];
	s6 =	sor.u32 s4, s31  }
0x4: {  	s5 =	rddreg [dreg:$0x1];
	s2 =	simm.s32 $0x0;
	s7 =	smul.u32 $0x2710, s6  }
0x5: {  	[smem:$0x7FF] =	sst s2;
	s4 =	ssub.s32 $0x2, s4;
	s6 =	smul.u32 $0x4E2, s6  }
0x6: {  	s1 =	rddreg [dreg:$0x2];
	_ =	strace $0x80000047;
	s8 =	sshrl.u32 s4, $0x1  }
0x7: {  	s8 =	ssub.s32 s4, s8;
	s7 =	sshrl.u32 s7, $0x3;
	s4 =	sadd.s32 s5, s6  }
0x8: {  	s5 =	smax.u32 s8, $0x1;
	s6 =	simm.s32 $0x1;
	s3 =	sadd.s32 s3, s7  }
0x9: {  	v0 =	vimm.f32 $0.0e+00;
	v1 =	vimm.f32 $1.000000000e+00;
	s8 =	simm.s32 $0x0;
	s7 =	simm.s32 $0x2710;
	s3 =	sadd.s32 $0xDA40, s3  }
.LBB2_1:
0xa: {  	[tilespmem:s2], [sflag:$0x1] =	stream.linear.gather [hbm4b:s3+s2], $0x2710, $0x38;
	[tilespmem:$0x4E20] =	vst v63  }
0xb: {  	_ =	swait.ge [sflag:s6], $0x2710  }
0xc: {  	[sflag:s6] =	ssyncset.done $0x0  }
0xd: {  	s9 =	simm.s32 $0x0;
	[sflag:s6] =	ssyncadd.s32 $0xFFFFD8F0  }
.LBB2_2:
0xe: {  	p0 =	sne.s32 s9, $0x9C00  }
.Ltmp0:
0xf: {  	_ = 	snop;
	(pc) =	sbr.rel @p0 .LBB2_2-.Ltmp0, $3  }
0x10: {  	_ =	sdelay $0x1  }
0x11: {  	s10 =	sshra.s32 s9, $0x2  }
0x12: {  	s9 =	sadd.s32 $0x40, s9;
	[tilespmem:s10+$0x2710] =	vst v0  }
0x13: {  	s9 =	simm.s32 $0x0  }
0x14: {  	s9 =	smul.u32 $0xCCCD, s9;
	_ =	sdelay $0x1  }
0x15: {  	s9 =	sshrl.u32 s9, $0x12  }
0x16: {  	s10 =	smul.u32 $0x5, s9;
	_ =	sdelay $0x1  }
0x17: {  	s9 =	smul.u32 $0x140, s9;
	s10 =	ssub.s32 $0x0, s10  }
0x18: {  	s10 =	sand.u32 $0xFFFF, s10  }
0x19: {  	s11 =	sshrl.u32 s9, $0x2;
	s10 =	sshll.u32 s10, $0x4  }
0x1a: {  	s9 =	simm.s32 $0x1;
	s12 =	sadd.s32 s10, s11  }
0x1b: {  	s11 =	smul.u32 $0xCCCD, s9;
	s10 =	simm.s32 $0x2;
	v2 =	vld [tilespmem:s12+$0x0]  }
.LBB2_4:
0x1c: {  	p0 =	sne.s32 s10, $0x270  }
0x1d: {  	s11 =	sshrl.u32 s11, $0x12  }
0x1e: {  	s12 =	smul.u32 $0x5, s11  }
0x1f: {  	s11 =	smul.u32 $0x140, s11  }
.Ltmp1:
0x20: {  	s9 =	ssub.s32 s9, s12;
	(pc) =	sbr.rel @p0 .LBB2_4-.Ltmp1, $4  }
0x21: {  	s12 =	sand.u32 $0xFFFF, s9;
	s9 =	smov.u32 s10  }
0x22: {  	s11 =	sshrl.u32 s11, $0x2;
	s12 =	sshll.u32 s12, $0x4  }
0x23: {  	s12 =	sadd.s32 s12, s11;
	[tilespmem:v2+s7+$0x0] =	vst.idx.add.f32.msk $0xffff, v1  }
0x24: {  	s10 =	sadd.s32 $0x1, s10;
	s11 =	smul.u32 $0xCCCD, s9;
	v2 =	vld [tilespmem:s12+$0x0]  }
0x25: {  	_ =	sdelay $0x1  }
0x26: {  	s10 =	sshrl.u32 s11, $0x12  }
0x27: {  	s11 =	smul.u32 $0x5, s10;
	_ =	sdelay $0x1  }
0x28: {  	s10 =	smul.u32 $0x140, s10;
	s9 =	ssub.s32 s9, s11  }
0x29: {  	s9 =	sand.u32 $0xFFFF, s9  }
0x2a: {  	s10 =	sshrl.u32 s10, $0x2;
	s9 =	sshll.u32 s9, $0x4  }
0x2b: {  	[tilespmem:v2+s7+$0x0] =	vst.idx.add.f32.msk $0xffff, v1;
	s9 =	sadd.s32 s9, s10  }
0x2c: {  	v2 =	vld [tilespmem:s9+$0x0];
	_ =	sdelay $0x5  }
0x2d: {  	s8 =	sadd.s32 $0x1, s8  }
0x2e: {  	p0 =	sne.s32 s8, s5  }
.Ltmp2:
0x2f: {  	[tilespmem:v2+s7+$0x0] =	vst.idx.add.f32.msk $0xffff, v1;
	(pc) =	sbr.rel @p0 .LBB2_1-.Ltmp2, $4  }
0x30: {  	[hbm4b:s4+s2] =	stream.linear.scatter [tilespmem:s7], [sflag:$0x1], $0x2710, $0x38;
	[tilespmem:$0x4E20] =	vst v63  }
0x31: {  	_ =	swait.ge [sflag:s6], $0x2710  }
0x32: {  	[sflag:s6] =	ssyncset.done $0x0  }
0x33: {  	[sflag:s6] =	ssyncadd.s32 $0xFFFFD8F0  }
0x34: {  	_ =	sfence.sel $0x180000  }
0x35: {  	[bflag:$0x0] =	sbarrier.arrive $0xFFFF  }
0x36: {  	p0 =	sne.s32 s0, $0x0;
	_ =	strace $0x90000047  }
0x37: {  	s0 =	sadd.s32 @!p0 $0x100000, s1;
	[bflag:$0x2] =	sbarrier.arrive $0xFFFF  }
0x38: {  	[sflag:s0] =	ssyncadd.tile.s32 @!p0 $0x1;
	_ =	shalt  }
.Lfunc_end2:
_tile_overlayer_lowered:
.L_overlay_start_2:
0x39: {  	(tag) =	ssettag $0x2  }
0x3a: {  	s0 =	rddreg [dreg:$0x0];
	s2 =	stileid.u32  }
0x3b: {  	s1 =	rddreg [dreg:$0x1];
	p0 =	sne.s32 s2, $0x0  }
0x3c: {  	s3 =	rddreg [dreg:$0x2];
	[bflag:$0x3] =	sbarrier.arrive $0xFFFF;
	s2 =	simm.s32 @!p0 $0x1C01  }
0x3d: {  	[timem:s3], [sflag:s2] =	dma.local @!p0 [hbm:s0], s1  }
0x3e: {  	s0 =	simm.s32 @!p0 $0x1  }
0x3f: {  	_ =	swait.ge @!p0 [sflag:s0], s1  }
0x40: {  	s1 =	ssub.s32 @!p0 $0x0, s1;
	[sflag:s0] =	ssyncset.done @!p0 $0x0  }
0x41: {  	[sflag:s0] =	ssyncadd.s32 @!p0 s1  }
0x42: {  	[bflag:$0x3] =	sbarrier.arrive $0xFFFF  }
0x43: {  	_ =	shalt  }

// kernel: kernel.13.cloned.1.call-start
scs
__scs_entry_jumppad:
0x0: {  	(pc) =	sbr.rel $0x88, $3  }
0x1: {  	(tag) =	ssettag $0x0;
	lr =	simm.s32 $0x1  }
0x2: {  	[smem:$0x3F93] =	sst lr;
	_ =	strace $0xD0000000  }
0x3: {  	_ = 	snop  }
0x4: {  	_ = 	snop  }
0x5: {  	_ = 	snop  }
0x6: {  	_ = 	snop  }
0x7: {  	_ = 	snop  }
__scs_overlays_trampoline_lowered:
0x8: {  	[smem:$0x3FA2] =	sst s0  }
0x9: {  	[smem:$0x3FA3] =	sst s1  }
0xa: {  	[smem:$0x3FA4] =	sst s2  }
0xb: {  	[smem:$0x3FA5] =	sst s3  }
0xc: {  	[smem:$0x3FA6] =	sst s4  }
0xd: {  	[smem:$0x3FA7] =	sst s5  }
0xe: {  	[smem:$0x3FA8] =	sst s6  }
0xf: {  	[smem:$0x3FA9] =	sst s7  }
0x10: {  	[smem:$0x3FAA] =	sst s8  }
0x11: {  	[smem:$0x3FAB] =	sst s9;
	s0 =	simm.s32 @!p0 $0x0  }
0x12: {  	s1 =	sld [smem:$0x3F91];
	s0 =	simm.s32 @p0 $0x1  }
0x13: {  	[smem:$0x3FAC] =	sst s0;
	s0 =	simm.s32 @!p1 $0x0  }
0x14: {  	s2 =	sld [smem:$0x3F90];
	s0 =	simm.s32 @p1 $0x1  }
0x15: {  	[smem:$0x3FAD] =	sst s0;
	s0 =	simm.s32 @!p2 $0x0  }
0x16: {  	s3 =	sld [smem:$0x3FDB];
	s0 =	simm.s32 @p2 $0x1  }
0x17: {  	s4 =	simm.s32 $0x1BF5;
	[smem:$0x3FAF] =	sst s0  }
0x18: {  	s0 =	sld [smem:$0x3F92];
	_ =	swait.ge [sflag:s4], $0x0  }
0x19: {  	s7 =	sld [smem:$0x3F93]  }
0x1a: {  	s8 =	sadd.s32 $0xFFFFE003, lr  }
0x1b: {  	s9 =	sadd.s32 $0xFFFFFEF7, lr;
	s5 =	simm.s32 $0xFFFFFFFF;
	p2 =	slt.u32 s8, $0xFFFFF086  }
0x1c: {  	p1 =	slt.u32 s9, $0xF7A;
	s5 =	simm.s32 @!p2 $0x0  }
0x1d: {  	s5 =	simm.s32 @p1 $0x1;
	p0 =	seq.s32 s7, s2  }
0x1e: {  	s7 =	smul.u32 @!p0 $0xF7A, s2;
	p2 =	seq.s32 @!p0 s5, $0x0  }
0x1f: {  	s9 =	smul.u32 $0xF7A, s1;
	s8 =	simm.s32 @!p0 $0x1BF5;
	p2 =	por !p2, p0  }
0x20: {  	[sflag:s8] =	ssyncset.s32 @!p0 $0xFFFFF086;
	s6 =	sadd.s32 @!p0 s3, s7;
	s7 =	simm.s32 @!p0 $0x108  }
0x21: {  	s3 =	sadd.s32 s3, s9;
	s6 =	sadd.s32 @!p0 $0x88, s6;
	s7 =	simm.s32 @p2 $0x1082  }
0x22: {  	[simem:s7], [sflag:s8] =	dma.local @!p0 [hbm:s6], $0xF7A  }
0x23: {  	s9 =	sor.u32 $0xD0000000, s2;
	s6 =	simm.s32 $0x108;
	_ =	swait.ge @!p0 [sflag:s8], $0x0  }
0x24: {  	s3 =	sadd.s32 $0x88, s3;
	s6 =	simm.s32 @!p1 $0x1082;
	[sflag:s4] =	ssyncset.s32 $0xFFFFF086  }
0x25: {  	[simem:s6], [sflag:s4] =	dma.local [hbm:s3], $0xF7A  }
0x26: {  	[smem:$0x3F93] =	sst s1;
	(tag) =	ssettag s2;
	_ =	strace s9  }
0x27: {  	s1 =	sld [smem:$0x3FA3]  }
0x28: {  	s2 =	sld [smem:$0x3FA4]  }
0x29: {  	s4 =	sld [smem:$0x3FA6]  }
0x2a: {  	p0 =	seq.s32 s5, $0x0;
	s5 =	sld [smem:$0x3FA7]  }
0x2b: {  	s6 =	sld [smem:$0x3FA8]  }
0x2c: {  	s7 =	sld [smem:$0x3FA9]  }
0x2d: {  	s3 =	simm.s32 $0x108;
	s8 =	sld [smem:$0x3FAA]  }
0x2e: {  	s3 =	simm.s32 @!p0 $0x1082;
	s9 =	sld [smem:$0x3FAB]  }
0x2f: {  	lr =	sadd.s32 s0, s3;
	s0 =	sld [smem:$0x3FA2]  }
0x30: {  	s3 =	sld [smem:$0x3FA5]  }
0x31: {  	[smem:$0x3FAE] =	sst s10  }
0x32: {  	s10 =	sld [smem:$0x3FAC];
	_ =	sdelay $0x3  }
0x33: {  	p0 =	seq.s32 s10, $0x1;
	s10 =	sld [smem:$0x3FAE];
	_ =	sdelay $0x3  }
0x34: {  	[smem:$0x3FAE] =	sst s10  }
0x35: {  	s10 =	sld [smem:$0x3FAD];
	_ =	sdelay $0x3  }
0x36: {  	p1 =	seq.s32 s10, $0x1;
	s10 =	sld [smem:$0x3FAE];
	_ =	sdelay $0x3  }
0x37: {  	[smem:$0x3FAE] =	sst s10  }
0x38: {  	s10 =	sld [smem:$0x3FAF]  }
0x39: {  	_ = 	snop;
	(pc) =	sbr.ind lr, $3  }
0x3a: {  	_ = 	snop  }
0x3b: {  	_ = 	snop  }
0x3c: {  	p2 =	seq.s32 s10, $0x1;
	s10 =	sld [smem:$0x3FAE]  }
0x3d: {  	_ =	shalt  }
0x3e: {  	_ =	shalt  }
0x3f: {  	_ =	shalt  }
0x40: {  	_ =	shalt  }
0x41: {  	_ =	shalt  }
0x42: {  	_ =	shalt  }
0x43: {  	_ =	shalt  }
0x44: {  	_ =	shalt  }
0x45: {  	_ =	shalt  }
0x46: {  	_ =	shalt  }
0x47: {  	_ =	shalt  }
0x48: {  	_ =	shalt  }
0x49: {  	_ =	shalt  }
0x4a: {  	_ =	shalt  }
0x4b: {  	_ =	shalt  }
0x4c: {  	_ =	shalt  }
0x4d: {  	_ =	shalt  }
0x4e: {  	_ =	shalt  }
0x4f: {  	_ =	shalt  }
0x50: {  	_ =	shalt  }
0x51: {  	_ =	shalt  }
0x52: {  	_ =	shalt  }
0x53: {  	_ =	shalt  }
0x54: {  	_ =	shalt  }
0x55: {  	_ =	shalt  }
0x56: {  	_ =	shalt  }
0x57: {  	_ =	shalt  }
0x58: {  	_ =	shalt  }
0x59: {  	_ =	shalt  }
0x5a: {  	_ =	shalt  }
0x5b: {  	_ =	shalt  }
0x5c: {  	_ =	shalt  }
0x5d: {  	_ =	shalt  }
0x5e: {  	_ =	shalt  }
0x5f: {  	_ =	shalt  }
0x60: {  	_ =	shalt  }
0x61: {  	_ =	shalt  }
0x62: {  	_ =	shalt  }
0x63: {  	_ =	shalt  }
0x64: {  	_ =	shalt  }
0x65: {  	_ =	shalt  }
0x66: {  	_ =	shalt  }
0x67: {  	_ =	shalt  }
0x68: {  	_ =	shalt  }
0x69: {  	_ =	shalt  }
0x6a: {  	_ =	shalt  }
0x6b: {  	_ =	shalt  }
0x6c: {  	_ =	shalt  }
0x6d: {  	_ =	shalt  }
0x6e: {  	_ =	shalt  }
0x6f: {  	_ =	shalt  }
0x70: {  	_ =	shalt  }
0x71: {  	_ =	shalt  }
0x72: {  	_ =	shalt  }
0x73: {  	_ =	shalt  }
0x74: {  	_ =	shalt  }
0x75: {  	_ =	shalt  }
0x76: {  	_ =	shalt  }
0x77: {  	_ =	shalt  }
0x78: {  	_ =	shalt  }
0x79: {  	_ =	shalt  }
0x7a: {  	_ =	shalt  }
0x7b: {  	_ =	shalt  }
0x7c: {  	_ =	shalt  }
0x7d: {  	_ =	shalt  }
0x7e: {  	_ =	shalt  }
0x7f: {  	_ =	shalt  }
0x80: {  	_ =	shalt  }
0x81: {  	_ =	shalt  }
0x82: {  	_ =	shalt  }
0x83: {  	_ =	shalt  }
0x84: {  	_ =	shalt  }
0x85: {  	_ =	shalt  }
0x86: {  	_ =	shalt  }
0x87: {  	_ =	shalt  }
.Lfunc_end0:
.L_simem_size_0:
called_computation.1_lowered:
.L_overlay_start_0:
0x88: {  	s2 =	sld [smem:$0x3FD9]  }
0x89: {  	s3 =	sld [smem:$0x3FFE];
	_ =	sdelay $0x1  }
0x8a: {  	s1 =	srdreg.scid  }
0x8b: {  	s0 =	sand.u32 $0x1, s1  }
0x8c: {  	s17 =	sshll.u32 s0, $0xA;
	s2 =	sadd.s32 s3, s2  }
0x8d: {  	s2 =	sadd.s32 s2, s17  }
0x8e: {  	[smem:$0x3FBA] =	sst s2  }
0x8f: {  	_ = 	snop  }
0x90: {  	s2 =	sld [smem:$0x3FD0];
	(tm) =	ssettm $0x1  }
0x91: {  	s18 =	sld [smem:$0x3FFB];
	_ =	sdelay $0x3  }
0x92: {  	_ =	strace s18  }
0x93: {  	s3 =	sld [smem:$0x3FFC];
	_ =	sdelay $0x3  }
0x94: {  	_ =	strace s3  }
0x95: {  	s3 =	sld [smem:$0x3FFD];
	_ =	sdelay $0x3  }
0x96: {  	_ =	strace s3  }
0x97: {  	_ =	strace $0x8FFFFFFF  }
0x98: {  	s19 =	sld [smem:$0x3FDB];
	_ =	sdelay $0x1  }
0x99: {  	s4 =	simm.s32 $_scs_section_size  }
0x9a: {  	s5 =	simm.s32 $_size__tile_overlayer_lowered;
	s6 =	simm.s32 $_tile_overlayer_lowered  }
0x9b: {  	s22 =	simm.s32 $0x1BFF;
	s21 =	sshll.u32 s6, $0x1;
	s3 =	sadd.s32 s4, s19  }
0x9c: {  	s7 =	simm.s32 $0x0;
	s20 =	sshll.u32 s5, $0x1;
	s5 =	sadd.s32 s21, s3  }
0x9d: {  	[timem:s7], [sflag:s22] =	dma.local [hbm:s5], s20  }
0x9e: {  	_ =	swait.ge [sflag:s22], s20  }
0x9f: {  	s4 =	ssub.s32 $0x0, s20;
	[sflag:s22] =	ssyncset.done $0x0  }
0xa0: {  	[sflag:s22] =	ssyncadd.s32 s4;
	_ =	sdelay $0x1  }
0xa1: {  	s23 =	simm.s32 $0x1B8B  }
0xa2: {  	_ =	swait.ge [sflag:s23], $0x1  }
0xa3: {  	[sflag:s23] =	ssyncset.done $0x0  }
0xa4: {  	s25 =	simm.s32 $0x1B8E;
	s24 =	sld [smem:$0x3FFE];
	[sflag:s23] =	ssyncadd.s32 $0xFFFFFFFF  }
0xa5: {  	s26 =	simm.s32 $execute0_lowered;
	[smem:$0x3FD2] =	sst s25  }
0xa6: {  	s5 =	sshll.u32 s26, $0x1;
	_ =	strace $0x80000049;
	[dreg:$0x1] =	wrdreg $0xFFFFFFFF  }
0xa7: {  	s28 =	simm.s32 $_size_execute0_lowered;
	s3 =	sadd.s32 s3, s5;
	[dreg:$0x0] =	wrdreg $0x0  }
0xa8: {  	s5 =	sshll.u32 s28, $0x1;
	[dreg:$0x2] =	wrdreg s3  }
0xa9: {  	[dreg:$0x3] =	wrdreg s5  }
0xaa: {  	[dreg:$0x4] =	wrdreg $0xC0  }
0xab: {  	_ =	task [dreg:s7], $0x5FFFF  }
0xac: {  	[dreg:$0x1] =	wrdreg $0xFFFFFFFF  }
0xad: {  	[dreg:$0x0] =	wrdreg $0x60  }
0xae: {  	[dreg:$0x2] =	wrdreg s2  }
0xaf: {  	[dreg:$0x3] =	wrdreg s24  }
0xb0: {  	[dreg:$0x4] =	wrdreg $0xC6200  }
0xb1: {  	[dreg:$0x5] =	wrdreg $0x9  }
0xb2: {  	_ =	task.clear_ibuf [dreg:s7], $0x6FFFF;
	_ =	strace $0x90000049  }
0xb3: {  	s29 =	simm.s32 $0x9;
	_ =	strace $0x8000004B  }
0xb4: {  	_ =	swait.ge [sflag:s29], $0x1  }
0xb5: {  	[sflag:s29] =	ssyncadd.s32 $0xFFFFFFFF  }
0xb6: {  	_ =	strace $0x9000004B  }
0xb7: {  	_ =	sfence  }
0xb8: {  	s30 =	sld [smem:$0x0];
	_ =	sdelay $0x2  }
0xb9: {  	s31 =	sshll.u32 s1, $0xD;
	s1 =	sshrl.u32 s1, $0x2  }
0xba: {  	s3 =	sand.u32 $0x4000, s31;
	s1 =	sadd.s32 s1, s30  }
0xbb: {  	s0 =	sor.u32 s3, s0;
	s1 =	sshll.u32 s1, $0x11  }
0xbc: {  	s0 =	sor.u32 s1, s0  }
0xbd: {  	s0 =	sadd.s32 $0x8F2B, s0  }
0xbe: {  	[sflag:s0] =	ssyncadd.remote.s32 $0x1  }
0xbf: {  	_ =	sfence.sel $0xFFFF  }
0xc0: {  	[dreg:$0x0] =	wrdreg $0xFFFFFFFF;
	(pc) =	sbr.abs _section_cstart, $3  }
0xc1: {  	[dreg:$0x1] =	wrdreg $0xFFFFFFFF  }
0xc2: {  	_ =	task.clear_ibuf [dreg:s7], $0x2FFFF;
	_ =	strace $0x9FFFFFFF  }
0xc3: {  	(tm) =	ssettm $0x7FFFFFFF  }
tec
execute0_lowered:
.L_overlay_start_1:
0x0: {  	(tag) =	ssettag $0x1  }
0x1: {  	s1 =	rddreg [dreg:$0x0]  }
0x2: {  	s0 =	rddreg [dreg:$0x1]  }
0x3: {  	s3 =	rddreg [dreg:$0x2]  }
0x4: {  	s2 =	srdreg.scid;
	s12 =	stileid.u32;
	s4 =	simm.s32 $0x0  }
0x5: {  	s13 =	simm.s32 $0x7;
	s14 =	simm.s32 $0x1;
	s15 =	simm.s32 $0x2  }
0x6: {  	s16 =	simm.s32 $0x50;
	s17 =	simm.s32 $0x4E20;
	s18 =	simm.s32 $0x7620  }
0x7: {  	s20 =	simm.s32 $0x9E20;
	s21 =	simm.s32 $0x4;
	s28 =	simm.s32 $0x27B0  }
0x8: {  	s29 =	simm.s32 $0x6;
	s30 =	simm.s32 $0x4D80;
	s31 =	simm.s32 $0x4DD0  }
0x9: {  	s2 =	sand.u32 $0x1, s2;
	s5 =	sshll.u32 s12, $0x1;
	s7 =	smul.u32 $0x13880, s12  }
0xa: {  	[smem:$0x7FF] =	sst s4;
	s8 =	sadd.s32 $0x17800, s0;
	s11 =	smov.u32 s1  }
0xb: {  	s26 =	sshll.u32 s12, $0x6;
	s5 =	sor.u32 s2, s5;
	s6 =	smul.u32 $0x138800, s2  }
0xc: {  	_ =	strace $0x8000004A;
	s9 =	ssub.s32 $0x2, s2;
	p0 =	seq.s32 s2, $0x1  }
0xd: {  	s5 =	smul.u32 $0x2710, s5;
	s23 =	sshrl.u32 s9, $0x1;
	s24 =	sadd.s32 s7, s3  }
0xe: {  	s25 =	sshrl.u32 s7, $0x3;
	s11 =	smov.u32 @p0 s8;
	s6 =	sadd.s32 s7, s6  }
0xf: {  	s9 =	ssub.s32 s9, s23;
	s12 =	sshrl.u32 s24, $0x3;
	s23 =	simm.s32 $0x2760  }
0x10: {  	s24 =	simm.s32 $0x5;
	s5 =	sshrl.u32 s5, $0x3;
	s6 =	sshrl.u32 s6, $0x3  }
0x11: {  	s8 =	smax.u32 s9, $0x1;
	s9 =	sadd.s32 s11, s25;
	s11 =	simm.s32 $0x2710  }
0x12: {  	s25 =	simm.s32 $0x140;
	s10 =	sadd.s32 s5, s0;
	s0 =	sadd.s32 s6, s0  }
0x13: {  	s5 =	sadd.s32 $0x3E00, s10;
	s6 =	sadd.s32 $0xDA40, s10;
	s7 =	sadd.s32 $0x3EA00, s0  }
0x14: {  	s10 =	sor.u32 $0x1C07, s26;
	s26 =	simm.s32 $0x3;
	s0 =	simm.s32 $0x0  }
.LBB2_1:
0x15: {  	[tilespmem:s4], [sflag:$0x1] =	stream.linear.gather [hbm4b:s5+s4], $0x2710, $0x38;
	[tilespmem:$0x1FEA0] =	vst v63  }
0x16: {  	_ = 	snop  }
0x17: {  	[tilespmem:s11], [sflag:$0x2] =	stream.linear.gather [hbm4b:s6+s4], $0x2710, $0x38;
	[tilespmem:$0x1FEA0] =	vst v63  }
0x18: {  	[spmem:s12], [sflag:s10] =	dma.local [hbm:s9], $0x2710  }
0x19: {  	_ =	swait.ge [sflag:s13], $0x2710  }
0x1a: {  	[sflag:s13] =	ssyncset.done $0x0  }
0x1b: {  	[sflag:s13] =	ssyncadd.s32 $0xFFFFD8F0  }
0x1c: {  	_ =	swait.ge [sflag:s14], $0x2710  }
0x1d: {  	[sflag:s14] =	ssyncset.done $0x0  }
0x1e: {  	[sflag:s14] =	ssyncadd.s32 $0xFFFFD8F0  }
0x1f: {  	_ =	swait.ge [sflag:s15], $0x2710  }
0x20: {  	[sflag:s15] =	ssyncset.done $0x0  }
0x21: {  	[sflag:s15] =	ssyncadd.s32 $0xFFFFD8F0  }
0x22: {  	[tilespmem:s17], [sflag:$0x1] =	stream.indirect.gather [hbm4b:s1+s16], $0x80, s4, s16, $0xb8;
	[tilespmem:$0x1FEA0] =	vst v63  }
0x23: {  	_ = 	snop  }
0x24: {  	[tilespmem:s18], [sflag:$0x2] =	stream.indirect.gather [hbm4b:s1+s16], $0x80, s16, s16, $0xb8;
	[tilespmem:$0x1FEA0] =	vst v63  }
0x25: {  	s2 =	simm.s32 $0xA0;
	[bflag:$0x0] =	sbarrier.arrive $0xFFFF  }
0x26: {  	[tilespmem:s20], [sflag:$0x3] =	stream.indirect.gather [hbm4b:s1+s16], $0x80, s2, s16, $0xb8;
	[tilespmem:$0x1FEA0] =	vst v63  }
0x27: {  	_ =	swait.ge [sflag:s14], $0x2800  }
0x28: {  	[sflag:s14] =	ssyncset.done $0x0  }
0x29: {  	[sflag:s14] =	ssyncadd.s32 $0xFFFFD800  }
0x2a: {  	[spmem:s3] =	stream.indirect.scatter.add.f32 [tilespmem:s17], [sflag:$0x4], $0x80, s11, s16, $0xb8;
	[tilespmem:$0x1FEA0] =	vst v63  }
0x2b: {  	_ =	swait.ge [sflag:s21], $0x2800  }
0x2c: {  	[sflag:s21] =	ssyncset.done $0x0  }
0x2d: {  	s19 =	simm.s32 $0xF0;
	[sflag:s21] =	ssyncadd.s32 $0xFFFFD800  }
0x2e: {  	[tilespmem:s17], [sflag:$0x1] =	stream.indirect.gather [hbm4b:s1+s16], $0x80, s19, s16, $0xb8;
	[tilespmem:$0x1FEA0] =	vst v63  }
0x2f: {  	_ =	swait.ge [sflag:s15], $0x2800  }
0x30: {  	[sflag:s15] =	ssyncset.done $0x0  }
0x31: {  	[sflag:s15] =	ssyncadd.s32 $0xFFFFD800  }
0x32: {  	[spmem:s3] =	stream.indirect.scatter.add.f32 [tilespmem:s18], [sflag:$0x5], $0x80, s23, s16, $0xb8;
	[tilespmem:$0x1FEA0] =	vst v63  }
0x33: {  	_ =	swait.ge [sflag:s24], $0x2800  }
0x34: {  	[sflag:s24] =	ssyncset.done $0x0  }
0x35: {  	[sflag:s24] =	ssyncadd.s32 $0xFFFFD800  }
0x36: {  	[tilespmem:s18], [sflag:$0x2] =	stream.indirect.gather [hbm4b:s1+s16], $0x80, s25, s16, $0xb8;
	[tilespmem:$0x1FEA0] =	vst v63  }
0x37: {  	_ =	swait.ge [sflag:s26], $0x2800  }
0x38: {  	[sflag:s26] =	ssyncset.done $0x0  }
0x39: {  	[sflag:s26] =	ssyncadd.s32 $0xFFFFD800  }
0x3a: {  	[spmem:s3] =	stream.indirect.scatter.add.f32 [tilespmem:s20], [sflag:$0x6], $0x80, s28, s16, $0xb8;
	[tilespmem:$0x1FEA0] =	vst v63  }
0x3b: {  	_ =	swait.ge [sflag:s29], $0x2800  }
0x3c: {  	[sflag:s29] =	ssyncset.done $0x0  }
0x3d: {  	s22 =	simm.s32 $0x190;
	[sflag:s29] =	ssyncadd.s32 $0xFFFFD800  }
0x3e: {  	[tilespmem:s20], [sflag:$0x3] =	stream.indirect.gather [hbm4b:s1+s16], $0x80, s22, s16, $0xb8;
	[tilespmem:$0x1FEA0] =	vst v63  }
0x3f: {  	_ =	swait.ge [sflag:s14], $0x2800  }
0x40: {  	[sflag:s14] =	ssyncset.done $0x0  }
0x41: {  	s19 =	simm.s32 $0x2800;
	[sflag:s14] =	ssyncadd.s32 $0xFFFFD800  }
0x42: {  	[spmem:s3] =	stream.indirect.scatter.add.f32 [tilespmem:s17], [sflag:$0x4], $0x80, s19, s16, $0xb8;
	[tilespmem:$0x1FEA0] =	vst v63  }
0x43: {  	_ =	swait.ge [sflag:s21], $0x2800  }
0x44: {  	[sflag:s21] =	ssyncset.done $0x0  }
0x45: {  	s22 =	simm.s32 $0x1E0;
	[sflag:s21] =	ssyncadd.s32 $0xFFFFD800  }
0x46: {  	[tilespmem:s17], [sflag:$0x1] =	stream.indirect.gather [hbm4b:s1+s16], $0x80, s22, s16, $0xb8;
	[tilespmem:$0x1FEA0] =	vst v63  }
0x47: {  	_ =	swait.ge [sflag:s15], $0x2800  }
0x48: {  	[sflag:s15] =	ssyncset.done $0x0  }
0x49: {  	s19 =	simm.s32 $0x2850;
	[sflag:s15] =	ssyncadd.s32 $0xFFFFD800  }
0x4a: {  	[spmem:s3] =	stream.indirect.scatter.add.f32 [tilespmem:s18], [sflag:$0x5], $0x80, s19, s16, $0xb8;
	[tilespmem:$0x1FEA0] =	vst v63  }
0x4b: {  	_ =	swait.ge [sflag:s24], $0x2800  }
0x4c: {  	[sflag:s24] =	ssyncset.done $0x0  }
0x4d: {  	s22 =	simm.s32 $0x230;
	[sflag:s24] =	ssyncadd.s32 $0xFFFFD800  }
0x4e: {  	[tilespmem:s18], [sflag:$0x2] =	stream.indirect.gather [hbm4b:s1+s16], $0x80, s22, s16, $0xb8;
	[tilespmem:$0x1FEA0] =	vst v63  }
0x4f: {  	_ =	swait.ge [sflag:s26], $0x2800  }
0x50: {  	[sflag:s26] =	ssyncset.done $0x0  }
0x51: {  	s2 =	simm.s32 $0x3C0;
	s19 =	simm.s32 $0x28A0;
	[sflag:s26] =	ssyncadd.s32 $0xFFFFD800  }
.LBB2_2:
0x52: {  	[spmem:s3] =	stream.indirect.scatter.add.f32 [tilespmem:s20], [sflag:$0x6], $0x80, s19, s16, $0xb8;
	[tilespmem:$0x1FEA0] =	vst v63  }
0x53: {  	s19 =	smov.u32 s2  }
0x54: {  	p0 =	sne.s32 s2, $0x9240;
	s2 =	sadd.s32 $0x3C0, s2;
	_ =	swait.ge [sflag:s29], $0x2800  }
0x55: {  	s19 =	sshra.s32 s19, $0x2;
	[sflag:s29] =	ssyncset.done $0x0  }
0x56: {  	s22 =	sadd.s32 $0x190, s19;
	[sflag:s29] =	ssyncadd.s32 $0xFFFFD800  }
0x57: {  	[tilespmem:s20], [sflag:$0x3] =	stream.indirect.gather [hbm4b:s1+s16], $0x80, s22, s16, $0xb8;
	[tilespmem:$0x1FEA0] =	vst v63  }
0x58: {  	_ =	swait.ge [sflag:s14], $0x2800  }
0x59: {  	[sflag:s14] =	ssyncset.done $0x0  }
0x5a: {  	s22 =	sadd.s32 $0x2800, s19;
	[sflag:s14] =	ssyncadd.s32 $0xFFFFD800  }
0x5b: {  	[spmem:s3] =	stream.indirect.scatter.add.f32 [tilespmem:s17], [sflag:$0x4], $0x80, s22, s16, $0xb8;
	[tilespmem:$0x1FEA0] =	vst v63  }
0x5c: {  	_ =	swait.ge [sflag:s21], $0x2800  }
0x5d: {  	[sflag:s21] =	ssyncset.done $0x0  }
0x5e: {  	s22 =	sadd.s32 $0x1E0, s19;
	[sflag:s21] =	ssyncadd.s32 $0xFFFFD800  }
0x5f: {  	[tilespmem:s17], [sflag:$0x1] =	stream.indirect.gather [hbm4b:s1+s16], $0x80, s22, s16, $0xb8;
	[tilespmem:$0x1FEA0] =	vst v63  }
0x60: {  	_ =	swait.ge [sflag:s15], $0x2800  }
0x61: {  	[sflag:s15] =	ssyncset.done $0x0  }
0x62: {  	s22 =	sadd.s32 $0x2850, s19;
	[sflag:s15] =	ssyncadd.s32 $0xFFFFD800  }
0x63: {  	[spmem:s3] =	stream.indirect.scatter.add.f32 [tilespmem:s18], [sflag:$0x5], $0x80, s22, s16, $0xb8;
	[tilespmem:$0x1FEA0] =	vst v63  }
0x64: {  	_ =	swait.ge [sflag:s24], $0x2800  }
0x65: {  	[sflag:s24] =	ssyncset.done $0x0  }
.Ltmp0:
0x66: {  	s22 =	sadd.s32 $0x230, s19;
	[sflag:s24] =	ssyncadd.s32 $0xFFFFD800;
	(pc) =	sbr.rel @p0 .LBB2_2-.Ltmp0, $4  }
0x67: {  	[tilespmem:s18], [sflag:$0x2] =	stream.indirect.gather [hbm4b:s1+s16], $0x80, s22, s16, $0xb8;
	[tilespmem:$0x1FEA0] =	vst v63  }
0x68: {  	_ =	swait.ge [sflag:s26], $0x2800  }
0x69: {  	[sflag:s26] =	ssyncset.done $0x0  }
0x6a: {  	s19 =	sadd.s32 $0x28A0, s19;
	[sflag:s26] =	ssyncadd.s32 $0xFFFFD800  }
0x6b: {  	[spmem:s3] =	stream.indirect.scatter.add.f32 [tilespmem:s20], [sflag:$0x6], $0x80, s19, s16, $0xb8;
	[tilespmem:$0x1FEA0] =	vst v63  }
0x6c: {  	_ =	swait.ge [sflag:s14], $0x2800  }
0x6d: {  	[sflag:s14] =	ssyncset.done $0x0  }
0x6e: {  	[sflag:s14] =	ssyncadd.s32 $0xFFFFD800  }
0x6f: {  	[spmem:s3] =	stream.indirect.scatter.add.f32 [tilespmem:s17], [sflag:$0x4], $0x80, s30, s16, $0xb8;
	[tilespmem:$0x1FEA0] =	vst v63  }
0x70: {  	_ =	swait.ge [sflag:s15], $0x2800  }
0x71: {  	[sflag:s15] =	ssyncset.done $0x0  }
0x72: {  	[sflag:s15] =	ssyncadd.s32 $0xFFFFD800  }
0x73: {  	[spmem:s3] =	stream.indirect.scatter.add.f32 [tilespmem:s18], [sflag:$0x5], $0x80, s31, s16, $0xb8;
	[tilespmem:$0x1FEA0] =	vst v63  }
0x74: {  	_ =	swait.ge [sflag:s29], $0x2800  }
0x75: {  	[sflag:s29] =	ssyncset.done $0x0  }
0x76: {  	[sflag:s29] =	ssyncadd.s32 $0xFFFFD800  }
0x77: {  	_ =	swait.ge [sflag:s21], $0x2800  }
0x78: {  	[sflag:s21] =	ssyncset.done $0x0  }
0x79: {  	[sflag:s21] =	ssyncadd.s32 $0xFFFFD800  }
0x7a: {  	_ =	swait.ge [sflag:s24], $0x2800  }
0x7b: {  	s0 =	sadd.s32 $0x1, s0;
	[sflag:s24] =	ssyncset.done $0x0  }
0x7c: {  	p0 =	sne.s32 s0, s8;
	[sflag:s24] =	ssyncadd.s32 $0xFFFFD800  }
.Ltmp1:
0x7d: {  	[bflag:$0x0] =	sbarrier.arrive $0xFFFF;
	(pc) =	sbr.rel @p0 .LBB2_1-.Ltmp1, $4  }
0x7e: {  	[hbm:s7], [sflag:s10] =	dma.local [spmem:s12], $0x2710  }
0x7f: {  	_ =	swait.ge [sflag:s13], $0x2710  }
0x80: {  	[sflag:s13] =	ssyncset.done $0x0  }
0x81: {  	[sflag:s13] =	ssyncadd.s32 $0xFFFFD8F0  }
0x82: {  	_ =	sfence.sel $0x180000  }
0x83: {  	[bflag:$0x0] =	sbarrier.arrive $0xFFFF  }
0x84: {  	_ =	strace $0x9000004A  }
0x85: {  	s0 =	stileid.u32;
	[bflag:$0x2] =	sbarrier.arrive $0xFFFF  }
0x86: {  	p0 =	sne.s32 s0, $0x0;
	s0 =	rddreg [dreg:$0x3]  }
0x87: {  	s0 =	sadd.s32 @!p0 $0x100000, s0  }
0x88: {  	[sflag:s0] =	ssyncadd.tile.s32 @!p0 $0x1;
	_ =	shalt  }
.Lfunc_end2:
_tile_overlayer_lowered:
.L_overlay_start_2:
0x89: {  	(tag) =	ssettag $0x2  }
0x8a: {  	s0 =	rddreg [dreg:$0x0];
	s2 =	stileid.u32  }
0x8b: {  	s1 =	rddreg [dreg:$0x1];
	p0 =	sne.s32 s2, $0x0  }
0x8c: {  	s3 =	rddreg [dreg:$0x2];
	[bflag:$0x3] =	sbarrier.arrive $0xFFFF;
	s2 =	simm.s32 @!p0 $0x1C07  }
0x8d: {  	[timem:s3], [sflag:s2] =	dma.local @!p0 [hbm:s0], s1  }
0x8e: {  	s0 =	simm.s32 @!p0 $0x7  }
0x8f: {  	_ =	swait.ge @!p0 [sflag:s0], s1  }
0x90: {  	s1 =	ssub.s32 @!p0 $0x0, s1;
	[sflag:s0] =	ssyncset.done @!p0 $0x0  }
0x91: {  	[sflag:s0] =	ssyncadd.s32 @!p0 s1  }
0x92: {  	[bflag:$0x3] =	sbarrier.arrive $0xFFFF  }
0x93: {  	_ =	shalt  }

// kernel: kernel.16.cloned.1.call-start
scs
__scs_entry_jumppad:
0x0: {  	(pc) =	sbr.rel $0x88, $3  }
0x1: {  	(tag) =	ssettag $0x0;
	lr =	simm.s32 $0x1  }
0x2: {  	[smem:$0x3F93] =	sst lr;
	_ =	strace $0xD0000000  }
0x3: {  	_ = 	snop  }
0x4: {  	_ = 	snop  }
0x5: {  	_ = 	snop  }
0x6: {  	_ = 	snop  }
0x7: {  	_ = 	snop  }
__scs_overlays_trampoline_lowered:
0x8: {  	[smem:$0x3FA2] =	sst s0  }
0x9: {  	[smem:$0x3FA3] =	sst s1  }
0xa: {  	[smem:$0x3FA4] =	sst s2  }
0xb: {  	[smem:$0x3FA5] =	sst s3  }
0xc: {  	[smem:$0x3FA6] =	sst s4  }
0xd: {  	[smem:$0x3FA7] =	sst s5  }
0xe: {  	[smem:$0x3FA8] =	sst s6  }
0xf: {  	[smem:$0x3FA9] =	sst s7  }
0x10: {  	[smem:$0x3FAA] =	sst s8  }
0x11: {  	[smem:$0x3FAB] =	sst s9;
	s0 =	simm.s32 @!p0 $0x0  }
0x12: {  	s1 =	sld [smem:$0x3F91];
	s0 =	simm.s32 @p0 $0x1  }
0x13: {  	[smem:$0x3FAC] =	sst s0;
	s0 =	simm.s32 @!p1 $0x0  }
0x14: {  	s2 =	sld [smem:$0x3F90];
	s0 =	simm.s32 @p1 $0x1  }
0x15: {  	[smem:$0x3FAD] =	sst s0;
	s0 =	simm.s32 @!p2 $0x0  }
0x16: {  	s3 =	sld [smem:$0x3FDB];
	s0 =	simm.s32 @p2 $0x1  }
0x17: {  	s4 =	simm.s32 $0x1BF5;
	[smem:$0x3FAF] =	sst s0  }
0x18: {  	s0 =	sld [smem:$0x3F92];
	_ =	swait.ge [sflag:s4], $0x0  }
0x19: {  	s7 =	sld [smem:$0x3F93]  }
0x1a: {  	s8 =	sadd.s32 $0xFFFFE003, lr  }
0x1b: {  	s9 =	sadd.s32 $0xFFFFFEF7, lr;
	s5 =	simm.s32 $0xFFFFFFFF;
	p2 =	slt.u32 s8, $0xFFFFF086  }
0x1c: {  	p1 =	slt.u32 s9, $0xF7A;
	s5 =	simm.s32 @!p2 $0x0  }
0x1d: {  	s5 =	simm.s32 @p1 $0x1;
	p0 =	seq.s32 s7, s2  }
0x1e: {  	s7 =	smul.u32 @!p0 $0xF7A, s2;
	p2 =	seq.s32 @!p0 s5, $0x0  }
0x1f: {  	s9 =	smul.u32 $0xF7A, s1;
	s8 =	simm.s32 @!p0 $0x1BF5;
	p2 =	por !p2, p0  }
0x20: {  	[sflag:s8] =	ssyncset.s32 @!p0 $0xFFFFF086;
	s6 =	sadd.s32 @!p0 s3, s7;
	s7 =	simm.s32 @!p0 $0x108  }
0x21: {  	s3 =	sadd.s32 s3, s9;
	s6 =	sadd.s32 @!p0 $0x88, s6;
	s7 =	simm.s32 @p2 $0x1082  }
0x22: {  	[simem:s7], [sflag:s8] =	dma.local @!p0 [hbm:s6], $0xF7A  }
0x23: {  	s9 =	sor.u32 $0xD0000000, s2;
	s6 =	simm.s32 $0x108;
	_ =	swait.ge @!p0 [sflag:s8], $0x0  }
0x24: {  	s3 =	sadd.s32 $0x88, s3;
	s6 =	simm.s32 @!p1 $0x1082;
	[sflag:s4] =	ssyncset.s32 $0xFFFFF086  }
0x25: {  	[simem:s6], [sflag:s4] =	dma.local [hbm:s3], $0xF7A  }
0x26: {  	[smem:$0x3F93] =	sst s1;
	(tag) =	ssettag s2;
	_ =	strace s9  }
0x27: {  	s1 =	sld [smem:$0x3FA3]  }
0x28: {  	s2 =	sld [smem:$0x3FA4]  }
0x29: {  	s4 =	sld [smem:$0x3FA6]  }
0x2a: {  	p0 =	seq.s32 s5, $0x0;
	s5 =	sld [smem:$0x3FA7]  }
0x2b: {  	s6 =	sld [smem:$0x3FA8]  }
0x2c: {  	s7 =	sld [smem:$0x3FA9]  }
0x2d: {  	s3 =	simm.s32 $0x108;
	s8 =	sld [smem:$0x3FAA]  }
0x2e: {  	s3 =	simm.s32 @!p0 $0x1082;
	s9 =	sld [smem:$0x3FAB]  }
0x2f: {  	lr =	sadd.s32 s0, s3;
	s0 =	sld [smem:$0x3FA2]  }
0x30: {  	s3 =	sld [smem:$0x3FA5]  }
0x31: {  	[smem:$0x3FAE] =	sst s10  }
0x32: {  	s10 =	sld [smem:$0x3FAC];
	_ =	sdelay $0x3  }
0x33: {  	p0 =	seq.s32 s10, $0x1;
	s10 =	sld [smem:$0x3FAE];
	_ =	sdelay $0x3  }
0x34: {  	[smem:$0x3FAE] =	sst s10  }
0x35: {  	s10 =	sld [smem:$0x3FAD];
	_ =	sdelay $0x3  }
0x36: {  	p1 =	seq.s32 s10, $0x1;
	s10 =	sld [smem:$0x3FAE];
	_ =	sdelay $0x3  }
0x37: {  	[smem:$0x3FAE] =	sst s10  }
0x38: {  	s10 =	sld [smem:$0x3FAF]  }
0x39: {  	_ = 	snop;
	(pc) =	sbr.ind lr, $3  }
0x3a: {  	_ = 	snop  }
0x3b: {  	_ = 	snop  }
0x3c: {  	p2 =	seq.s32 s10, $0x1;
	s10 =	sld [smem:$0x3FAE]  }
0x3d: {  	_ =	shalt  }
0x3e: {  	_ =	shalt  }
0x3f: {  	_ =	shalt  }
0x40: {  	_ =	shalt  }
0x41: {  	_ =	shalt  }
0x42: {  	_ =	shalt  }
0x43: {  	_ =	shalt  }
0x44: {  	_ =	shalt  }
0x45: {  	_ =	shalt  }
0x46: {  	_ =	shalt  }
0x47: {  	_ =	shalt  }
0x48: {  	_ =	shalt  }
0x49: {  	_ =	shalt  }
0x4a: {  	_ =	shalt  }
0x4b: {  	_ =	shalt  }
0x4c: {  	_ =	shalt  }
0x4d: {  	_ =	shalt  }
0x4e: {  	_ =	shalt  }
0x4f: {  	_ =	shalt  }
0x50: {  	_ =	shalt  }
0x51: {  	_ =	shalt  }
0x52: {  	_ =	shalt  }
0x53: {  	_ =	shalt  }
0x54: {  	_ =	shalt  }
0x55: {  	_ =	shalt  }
0x56: {  	_ =	shalt  }
0x57: {  	_ =	shalt  }
0x58: {  	_ =	shalt  }
0x59: {  	_ =	shalt  }
0x5a: {  	_ =	shalt  }
0x5b: {  	_ =	shalt  }
0x5c: {  	_ =	shalt  }
0x5d: {  	_ =	shalt  }
0x5e: {  	_ =	shalt  }
0x5f: {  	_ =	shalt  }
0x60: {  	_ =	shalt  }
0x61: {  	_ =	shalt  }
0x62: {  	_ =	shalt  }
0x63: {  	_ =	shalt  }
0x64: {  	_ =	shalt  }
0x65: {  	_ =	shalt  }
0x66: {  	_ =	shalt  }
0x67: {  	_ =	shalt  }
0x68: {  	_ =	shalt  }
0x69: {  	_ =	shalt  }
0x6a: {  	_ =	shalt  }
0x6b: {  	_ =	shalt  }
0x6c: {  	_ =	shalt  }
0x6d: {  	_ =	shalt  }
0x6e: {  	_ =	shalt  }
0x6f: {  	_ =	shalt  }
0x70: {  	_ =	shalt  }
0x71: {  	_ =	shalt  }
0x72: {  	_ =	shalt  }
0x73: {  	_ =	shalt  }
0x74: {  	_ =	shalt  }
0x75: {  	_ =	shalt  }
0x76: {  	_ =	shalt  }
0x77: {  	_ =	shalt  }
0x78: {  	_ =	shalt  }
0x79: {  	_ =	shalt  }
0x7a: {  	_ =	shalt  }
0x7b: {  	_ =	shalt  }
0x7c: {  	_ =	shalt  }
0x7d: {  	_ =	shalt  }
0x7e: {  	_ =	shalt  }
0x7f: {  	_ =	shalt  }
0x80: {  	_ =	shalt  }
0x81: {  	_ =	shalt  }
0x82: {  	_ =	shalt  }
0x83: {  	_ =	shalt  }
0x84: {  	_ =	shalt  }
0x85: {  	_ =	shalt  }
0x86: {  	_ =	shalt  }
0x87: {  	_ =	shalt  }
.Lfunc_end0:
.L_simem_size_0:
called_computation.2_lowered:
.L_overlay_start_0:
0x88: {  	s2 =	sld [smem:$0x3FD9]  }
0x89: {  	s3 =	sld [smem:$0x3FFE];
	_ =	sdelay $0x1  }
0x8a: {  	s1 =	srdreg.scid  }
0x8b: {  	s0 =	sand.u32 $0x1, s1  }
0x8c: {  	s17 =	sshll.u32 s0, $0xA;
	s2 =	sadd.s32 s3, s2  }
0x8d: {  	s2 =	sadd.s32 s2, s17  }
0x8e: {  	[smem:$0x3FBA] =	sst s2  }
0x8f: {  	_ = 	snop  }
0x90: {  	s2 =	sld [smem:$0x3FD0];
	(tm) =	ssettm $0x1  }
0x91: {  	s18 =	sld [smem:$0x3FFB];
	_ =	sdelay $0x3  }
0x92: {  	_ =	strace s18  }
0x93: {  	s3 =	sld [smem:$0x3FFC];
	_ =	sdelay $0x3  }
0x94: {  	_ =	strace s3  }
0x95: {  	s3 =	sld [smem:$0x3FFD];
	_ =	sdelay $0x3  }
0x96: {  	_ =	strace s3  }
0x97: {  	_ =	strace $0x8FFFFFFF  }
0x98: {  	s19 =	sld [smem:$0x3FDB];
	_ =	sdelay $0x1  }
0x99: {  	s4 =	simm.s32 $_scs_section_size  }
0x9a: {  	s5 =	simm.s32 $_size__tile_overlayer_lowered;
	s6 =	simm.s32 $_tile_overlayer_lowered  }
0x9b: {  	s22 =	simm.s32 $0x1BFF;
	s21 =	sshll.u32 s6, $0x1;
	s3 =	sadd.s32 s4, s19  }
0x9c: {  	s7 =	simm.s32 $0x0;
	s20 =	sshll.u32 s5, $0x1;
	s5 =	sadd.s32 s21, s3  }
0x9d: {  	[timem:s7], [sflag:s22] =	dma.local [hbm:s5], s20  }
0x9e: {  	_ =	swait.ge [sflag:s22], s20  }
0x9f: {  	s4 =	ssub.s32 $0x0, s20;
	[sflag:s22] =	ssyncset.done $0x0  }
0xa0: {  	[sflag:s22] =	ssyncadd.s32 s4;
	_ =	sdelay $0x1  }
0xa1: {  	s23 =	simm.s32 $0x1B8B  }
0xa2: {  	_ =	swait.ge [sflag:s23], $0x1  }
0xa3: {  	[sflag:s23] =	ssyncset.done $0x0  }
0xa4: {  	s25 =	simm.s32 $0x1B8E;
	s24 =	sld [smem:$0x3FFE];
	[sflag:s23] =	ssyncadd.s32 $0xFFFFFFFF  }
0xa5: {  	s26 =	simm.s32 $execute0_lowered;
	[smem:$0x3FD2] =	sst s25  }
0xa6: {  	s5 =	sshll.u32 s26, $0x1;
	_ =	strace $0x8000004C;
	[dreg:$0x1] =	wrdreg $0xFFFFFFFF  }
0xa7: {  	s28 =	simm.s32 $_size_execute0_lowered;
	s3 =	sadd.s32 s3, s5;
	[dreg:$0x0] =	wrdreg $0x0  }
0xa8: {  	s5 =	sshll.u32 s28, $0x1;
	[dreg:$0x2] =	wrdreg s3  }
0xa9: {  	[dreg:$0x3] =	wrdreg s5  }
0xaa: {  	[dreg:$0x4] =	wrdreg $0xC0  }
0xab: {  	_ =	task [dreg:s7], $0x5FFFF  }
0xac: {  	[dreg:$0x1] =	wrdreg $0xFFFFFFFF  }
0xad: {  	[dreg:$0x0] =	wrdreg $0x60  }
0xae: {  	[dreg:$0x2] =	wrdreg s2  }
0xaf: {  	[dreg:$0x3] =	wrdreg s24  }
0xb0: {  	[dreg:$0x4] =	wrdreg $0xC6200  }
0xb1: {  	[dreg:$0x5] =	wrdreg $0x9  }
0xb2: {  	_ =	task.clear_ibuf [dreg:s7], $0x6FFFF;
	_ =	strace $0x9000004C  }
0xb3: {  	s29 =	simm.s32 $0x9;
	_ =	strace $0x8000004E  }
0xb4: {  	_ =	swait.ge [sflag:s29], $0x1  }
0xb5: {  	[sflag:s29] =	ssyncadd.s32 $0xFFFFFFFF  }
0xb6: {  	_ =	strace $0x9000004E  }
0xb7: {  	_ =	sfence  }
0xb8: {  	s30 =	sld [smem:$0x0];
	_ =	sdelay $0x2  }
0xb9: {  	s31 =	sshll.u32 s1, $0xD;
	s1 =	sshrl.u32 s1, $0x2  }
0xba: {  	s3 =	sand.u32 $0x4000, s31;
	s1 =	sadd.s32 s1, s30  }
0xbb: {  	s0 =	sor.u32 s3, s0;
	s1 =	sshll.u32 s1, $0x11  }
0xbc: {  	s0 =	sor.u32 s1, s0  }
0xbd: {  	s0 =	sadd.s32 $0x8F2B, s0  }
0xbe: {  	[sflag:s0] =	ssyncadd.remote.s32 $0x1  }
0xbf: {  	_ =	sfence.sel $0xFFFF  }
0xc0: {  	[dreg:$0x0] =	wrdreg $0xFFFFFFFF;
	(pc) =	sbr.abs _section_cstart, $3  }
0xc1: {  	[dreg:$0x1] =	wrdreg $0xFFFFFFFF  }
0xc2: {  	_ =	task.clear_ibuf [dreg:s7], $0x2FFFF;
	_ =	strace $0x9FFFFFFF  }
0xc3: {  	(tm) =	ssettm $0x7FFFFFFF  }
tec
execute0_lowered:
.L_overlay_start_1:
0x0: {  	(tag) =	ssettag $0x1  }
0x1: {  	s1 =	rddreg [dreg:$0x0]  }
0x2: {  	s0 =	rddreg [dreg:$0x1]  }
0x3: {  	s3 =	rddreg [dreg:$0x2]  }
0x4: {  	s2 =	srdreg.scid;
	s12 =	stileid.u32;
	s4 =	simm.s32 $0x0  }
0x5: {  	s13 =	simm.s32 $0x7;
	s14 =	simm.s32 $0x1;
	s15 =	simm.s32 $0x2  }
0x6: {  	s16 =	simm.s32 $0x50;
	s17 =	simm.s32 $0x4E20;
	s18 =	simm.s32 $0x7620  }
0x7: {  	s20 =	simm.s32 $0x9E20;
	s21 =	simm.s32 $0x4;
	s28 =	simm.s32 $0x27B0  }
0x8: {  	s29 =	simm.s32 $0x6;
	s30 =	simm.s32 $0x4D80;
	s31 =	simm.s32 $0x4DD0  }
0x9: {  	s2 =	sand.u32 $0x1, s2;
	s5 =	sshll.u32 s12, $0x1;
	s7 =	smul.u32 $0x13880, s12  }
0xa: {  	[smem:$0x7FF] =	sst s4;
	s8 =	sadd.s32 $0x17800, s0;
	s11 =	smov.u32 s1  }
0xb: {  	s26 =	sshll.u32 s12, $0x6;
	s5 =	sor.u32 s2, s5;
	s6 =	smul.u32 $0x138800, s2  }
0xc: {  	_ =	strace $0x8000004D;
	s9 =	ssub.s32 $0x2, s2;
	p0 =	seq.s32 s2, $0x1  }
0xd: {  	s5 =	smul.u32 $0x2710, s5;
	s23 =	sshrl.u32 s9, $0x1;
	s24 =	sadd.s32 s7, s3  }
0xe: {  	s25 =	sshrl.u32 s7, $0x3;
	s11 =	smov.u32 @p0 s8;
	s6 =	sadd.s32 s7, s6  }
0xf: {  	s9 =	ssub.s32 s9, s23;
	s12 =	sshrl.u32 s24, $0x3;
	s23 =	simm.s32 $0x2760  }
0x10: {  	s24 =	simm.s32 $0x5;
	s5 =	sshrl.u32 s5, $0x3;
	s6 =	sshrl.u32 s6, $0x3  }
0x11: {  	s8 =	smax.u32 s9, $0x1;
	s9 =	sadd.s32 s11, s25;
	s11 =	simm.s32 $0x2710  }
0x12: {  	s25 =	simm.s32 $0x140;
	s10 =	sadd.s32 s5, s0;
	s0 =	sadd.s32 s6, s0  }
0x13: {  	s5 =	sadd.s32 $0x3E00, s10;
	s6 =	sadd.s32 $0xDA40, s10;
	s7 =	sadd.s32 $0x3EA00, s0  }
0x14: {  	s10 =	sor.u32 $0x1C07, s26;
	s26 =	simm.s32 $0x3;
	s0 =	simm.s32 $0x0  }
.LBB2_1:
0x15: {  	[tilespmem:s4], [sflag:$0x1] =	stream.linear.gather [hbm4b:s5+s4], $0x2710, $0x38;
	[tilespmem:$0x1FEA0] =	vst v63  }
0x16: {  	_ = 	snop  }
0x17: {  	[tilespmem:s11], [sflag:$0x2] =	stream.linear.gather [hbm4b:s6+s4], $0x2710, $0x38;
	[tilespmem:$0x1FEA0] =	vst v63  }
0x18: {  	[spmem:s12], [sflag:s10] =	dma.local [hbm:s9], $0x2710  }
0x19: {  	_ =	swait.ge [sflag:s13], $0x2710  }
0x1a: {  	[sflag:s13] =	ssyncset.done $0x0  }
0x1b: {  	[sflag:s13] =	ssyncadd.s32 $0xFFFFD8F0  }
0x1c: {  	_ =	swait.ge [sflag:s14], $0x2710  }
0x1d: {  	[sflag:s14] =	ssyncset.done $0x0  }
0x1e: {  	[sflag:s14] =	ssyncadd.s32 $0xFFFFD8F0  }
0x1f: {  	_ =	swait.ge [sflag:s15], $0x2710  }
0x20: {  	[sflag:s15] =	ssyncset.done $0x0  }
0x21: {  	[sflag:s15] =	ssyncadd.s32 $0xFFFFD8F0  }
0x22: {  	[tilespmem:s17], [sflag:$0x1] =	stream.indirect.gather [hbm4b:s1+s16], $0x80, s4, s16, $0xb8;
	[tilespmem:$0x1FEA0] =	vst v63  }
0x23: {  	_ = 	snop  }
0x24: {  	[tilespmem:s18], [sflag:$0x2] =	stream.indirect.gather [hbm4b:s1+s16], $0x80, s16, s16, $0xb8;
	[tilespmem:$0x1FEA0] =	vst v63  }
0x25: {  	s2 =	simm.s32 $0xA0;
	[bflag:$0x0] =	sbarrier.arrive $0xFFFF  }
0x26: {  	[tilespmem:s20], [sflag:$0x3] =	stream.indirect.gather [hbm4b:s1+s16], $0x80, s2, s16, $0xb8;
	[tilespmem:$0x1FEA0] =	vst v63  }
0x27: {  	_ =	swait.ge [sflag:s14], $0x2800  }
0x28: {  	[sflag:s14] =	ssyncset.done $0x0  }
0x29: {  	[sflag:s14] =	ssyncadd.s32 $0xFFFFD800  }
0x2a: {  	[spmem:s3] =	stream.indirect.scatter.add.f32 [tilespmem:s17], [sflag:$0x4], $0x80, s11, s16, $0xb8;
	[tilespmem:$0x1FEA0] =	vst v63  }
0x2b: {  	_ =	swait.ge [sflag:s21], $0x2800  }
0x2c: {  	[sflag:s21] =	ssyncset.done $0x0  }
0x2d: {  	s19 =	simm.s32 $0xF0;
	[sflag:s21] =	ssyncadd.s32 $0xFFFFD800  }
0x2e: {  	[tilespmem:s17], [sflag:$0x1] =	stream.indirect.gather [hbm4b:s1+s16], $0x80, s19, s16, $0xb8;
	[tilespmem:$0x1FEA0] =	vst v63  }
0x2f: {  	_ =	swait.ge [sflag:s15], $0x2800  }
0x30: {  	[sflag:s15] =	ssyncset.done $0x0  }
0x31: {  	[sflag:s15] =	ssyncadd.s32 $0xFFFFD800  }
0x32: {  	[spmem:s3] =	stream.indirect.scatter.add.f32 [tilespmem:s18], [sflag:$0x5], $0x80, s23, s16, $0xb8;
	[tilespmem:$0x1FEA0] =	vst v63  }
0x33: {  	_ =	swait.ge [sflag:s24], $0x2800  }
0x34: {  	[sflag:s24] =	ssyncset.done $0x0  }
0x35: {  	[sflag:s24] =	ssyncadd.s32 $0xFFFFD800  }
0x36: {  	[tilespmem:s18], [sflag:$0x2] =	stream.indirect.gather [hbm4b:s1+s16], $0x80, s25, s16, $0xb8;
	[tilespmem:$0x1FEA0] =	vst v63  }
0x37: {  	_ =	swait.ge [sflag:s26], $0x2800  }
0x38: {  	[sflag:s26] =	ssyncset.done $0x0  }
0x39: {  	[sflag:s26] =	ssyncadd.s32 $0xFFFFD800  }
0x3a: {  	[spmem:s3] =	stream.indirect.scatter.add.f32 [tilespmem:s20], [sflag:$0x6], $0x80, s28, s16, $0xb8;
	[tilespmem:$0x1FEA0] =	vst v63  }
0x3b: {  	_ =	swait.ge [sflag:s29], $0x2800  }
0x3c: {  	[sflag:s29] =	ssyncset.done $0x0  }
0x3d: {  	s22 =	simm.s32 $0x190;
	[sflag:s29] =	ssyncadd.s32 $0xFFFFD800  }
0x3e: {  	[tilespmem:s20], [sflag:$0x3] =	stream.indirect.gather [hbm4b:s1+s16], $0x80, s22, s16, $0xb8;
	[tilespmem:$0x1FEA0] =	vst v63  }
0x3f: {  	_ =	swait.ge [sflag:s14], $0x2800  }
0x40: {  	[sflag:s14] =	ssyncset.done $0x0  }
0x41: {  	s19 =	simm.s32 $0x2800;
	[sflag:s14] =	ssyncadd.s32 $0xFFFFD800  }
0x42: {  	[spmem:s3] =	stream.indirect.scatter.add.f32 [tilespmem:s17], [sflag:$0x4], $0x80, s19, s16, $0xb8;
	[tilespmem:$0x1FEA0] =	vst v63  }
0x43: {  	_ =	swait.ge [sflag:s21], $0x2800  }
0x44: {  	[sflag:s21] =	ssyncset.done $0x0  }
0x45: {  	s22 =	simm.s32 $0x1E0;
	[sflag:s21] =	ssyncadd.s32 $0xFFFFD800  }
0x46: {  	[tilespmem:s17], [sflag:$0x1] =	stream.indirect.gather [hbm4b:s1+s16], $0x80, s22, s16, $0xb8;
	[tilespmem:$0x1FEA0] =	vst v63  }
0x47: {  	_ =	swait.ge [sflag:s15], $0x2800  }
0x48: {  	[sflag:s15] =	ssyncset.done $0x0  }
0x49: {  	s19 =	simm.s32 $0x2850;
	[sflag:s15] =	ssyncadd.s32 $0xFFFFD800  }
0x4a: {  	[spmem:s3] =	stream.indirect.scatter.add.f32 [tilespmem:s18], [sflag:$0x5], $0x80, s19, s16, $0xb8;
	[tilespmem:$0x1FEA0] =	vst v63  }
0x4b: {  	_ =	swait.ge [sflag:s24], $0x2800  }
0x4c: {  	[sflag:s24] =	ssyncset.done $0x0  }
0x4d: {  	s22 =	simm.s32 $0x230;
	[sflag:s24] =	ssyncadd.s32 $0xFFFFD800  }
0x4e: {  	[tilespmem:s18], [sflag:$0x2] =	stream.indirect.gather [hbm4b:s1+s16], $0x80, s22, s16, $0xb8;
	[tilespmem:$0x1FEA0] =	vst v63  }
0x4f: {  	_ =	swait.ge [sflag:s26], $0x2800  }
0x50: {  	[sflag:s26] =	ssyncset.done $0x0  }
0x51: {  	s2 =	simm.s32 $0x3C0;
	s19 =	simm.s32 $0x28A0;
	[sflag:s26] =	ssyncadd.s32 $0xFFFFD800  }
.LBB2_2:
0x52: {  	[spmem:s3] =	stream.indirect.scatter.add.f32 [tilespmem:s20], [sflag:$0x6], $0x80, s19, s16, $0xb8;
	[tilespmem:$0x1FEA0] =	vst v63  }
0x53: {  	s19 =	smov.u32 s2  }
0x54: {  	p0 =	sne.s32 s2, $0x9240;
	s2 =	sadd.s32 $0x3C0, s2;
	_ =	swait.ge [sflag:s29], $0x2800  }
0x55: {  	s19 =	sshra.s32 s19, $0x2;
	[sflag:s29] =	ssyncset.done $0x0  }
0x56: {  	s22 =	sadd.s32 $0x190, s19;
	[sflag:s29] =	ssyncadd.s32 $0xFFFFD800  }
0x57: {  	[tilespmem:s20], [sflag:$0x3] =	stream.indirect.gather [hbm4b:s1+s16], $0x80, s22, s16, $0xb8;
	[tilespmem:$0x1FEA0] =	vst v63  }
0x58: {  	_ =	swait.ge [sflag:s14], $0x2800  }
0x59: {  	[sflag:s14] =	ssyncset.done $0x0  }
0x5a: {  	s22 =	sadd.s32 $0x2800, s19;
	[sflag:s14] =	ssyncadd.s32 $0xFFFFD800  }
0x5b: {  	[spmem:s3] =	stream.indirect.scatter.add.f32 [tilespmem:s17], [sflag:$0x4], $0x80, s22, s16, $0xb8;
	[tilespmem:$0x1FEA0] =	vst v63  }
0x5c: {  	_ =	swait.ge [sflag:s21], $0x2800  }
0x5d: {  	[sflag:s21] =	ssyncset.done $0x0  }
0x5e: {  	s22 =	sadd.s32 $0x1E0, s19;
	[sflag:s21] =	ssyncadd.s32 $0xFFFFD800  }
0x5f: {  	[tilespmem:s17], [sflag:$0x1] =	stream.indirect.gather [hbm4b:s1+s16], $0x80, s22, s16, $0xb8;
	[tilespmem:$0x1FEA0] =	vst v63  }
0x60: {  	_ =	swait.ge [sflag:s15], $0x2800  }
0x61: {  	[sflag:s15] =	ssyncset.done $0x0  }
0x62: {  	s22 =	sadd.s32 $0x2850, s19;
	[sflag:s15] =	ssyncadd.s32 $0xFFFFD800  }
0x63: {  	[spmem:s3] =	stream.indirect.scatter.add.f32 [tilespmem:s18], [sflag:$0x5], $0x80, s22, s16, $0xb8;
	[tilespmem:$0x1FEA0] =	vst v63  }
0x64: {  	_ =	swait.ge [sflag:s24], $0x2800  }
0x65: {  	[sflag:s24] =	ssyncset.done $0x0  }
.Ltmp0:
0x66: {  	s22 =	sadd.s32 $0x230, s19;
	[sflag:s24] =	ssyncadd.s32 $0xFFFFD800;
	(pc) =	sbr.rel @p0 .LBB2_2-.Ltmp0, $4  }
0x67: {  	[tilespmem:s18], [sflag:$0x2] =	stream.indirect.gather [hbm4b:s1+s16], $0x80, s22, s16, $0xb8;
	[tilespmem:$0x1FEA0] =	vst v63  }
0x68: {  	_ =	swait.ge [sflag:s26], $0x2800  }
0x69: {  	[sflag:s26] =	ssyncset.done $0x0  }
0x6a: {  	s19 =	sadd.s32 $0x28A0, s19;
	[sflag:s26] =	ssyncadd.s32 $0xFFFFD800  }
0x6b: {  	[spmem:s3] =	stream.indirect.scatter.add.f32 [tilespmem:s20], [sflag:$0x6], $0x80, s19, s16, $0xb8;
	[tilespmem:$0x1FEA0] =	vst v63  }
0x6c: {  	_ =	swait.ge [sflag:s14], $0x2800  }
0x6d: {  	[sflag:s14] =	ssyncset.done $0x0  }
0x6e: {  	[sflag:s14] =	ssyncadd.s32 $0xFFFFD800  }
0x6f: {  	[spmem:s3] =	stream.indirect.scatter.add.f32 [tilespmem:s17], [sflag:$0x4], $0x80, s30, s16, $0xb8;
	[tilespmem:$0x1FEA0] =	vst v63  }
0x70: {  	_ =	swait.ge [sflag:s15], $0x2800  }
0x71: {  	[sflag:s15] =	ssyncset.done $0x0  }
0x72: {  	[sflag:s15] =	ssyncadd.s32 $0xFFFFD800  }
0x73: {  	[spmem:s3] =	stream.indirect.scatter.add.f32 [tilespmem:s18], [sflag:$0x5], $0x80, s31, s16, $0xb8;
	[tilespmem:$0x1FEA0] =	vst v63  }
0x74: {  	_ =	swait.ge [sflag:s29], $0x2800  }
0x75: {  	[sflag:s29] =	ssyncset.done $0x0  }
0x76: {  	[sflag:s29] =	ssyncadd.s32 $0xFFFFD800  }
0x77: {  	_ =	swait.ge [sflag:s21], $0x2800  }
0x78: {  	[sflag:s21] =	ssyncset.done $0x0  }
0x79: {  	[sflag:s21] =	ssyncadd.s32 $0xFFFFD800  }
0x7a: {  	_ =	swait.ge [sflag:s24], $0x2800  }
0x7b: {  	s0 =	sadd.s32 $0x1, s0;
	[sflag:s24] =	ssyncset.done $0x0  }
0x7c: {  	p0 =	sne.s32 s0, s8;
	[sflag:s24] =	ssyncadd.s32 $0xFFFFD800  }
.Ltmp1:
0x7d: {  	[bflag:$0x0] =	sbarrier.arrive $0xFFFF;
	(pc) =	sbr.rel @p0 .LBB2_1-.Ltmp1, $4  }
0x7e: {  	[hbm:s7], [sflag:s10] =	dma.local [spmem:s12], $0x2710  }
0x7f: {  	_ =	swait.ge [sflag:s13], $0x2710  }
0x80: {  	[sflag:s13] =	ssyncset.done $0x0  }
0x81: {  	[sflag:s13] =	ssyncadd.s32 $0xFFFFD8F0  }
0x82: {  	_ =	sfence.sel $0x180000  }
0x83: {  	[bflag:$0x0] =	sbarrier.arrive $0xFFFF  }
0x84: {  	_ =	strace $0x9000004D  }
0x85: {  	s0 =	stileid.u32;
	[bflag:$0x2] =	sbarrier.arrive $0xFFFF  }
0x86: {  	p0 =	sne.s32 s0, $0x0;
	s0 =	rddreg [dreg:$0x3]  }
0x87: {  	s0 =	sadd.s32 @!p0 $0x100000, s0  }
0x88: {  	[sflag:s0] =	ssyncadd.tile.s32 @!p0 $0x1;
	_ =	shalt  }
.Lfunc_end2:
_tile_overlayer_lowered:
.L_overlay_start_2:
0x89: {  	(tag) =	ssettag $0x2  }
0x8a: {  	s0 =	rddreg [dreg:$0x0];
	s2 =	stileid.u32  }
0x8b: {  	s1 =	rddreg [dreg:$0x1];
	p0 =	sne.s32 s2, $0x0  }
0x8c: {  	s3 =	rddreg [dreg:$0x2];
	[bflag:$0x3] =	sbarrier.arrive $0xFFFF;
	s2 =	simm.s32 @!p0 $0x1C07  }
0x8d: {  	[timem:s3], [sflag:s2] =	dma.local @!p0 [hbm:s0], s1  }
0x8e: {  	s0 =	simm.s32 @!p0 $0x7  }
0x8f: {  	_ =	swait.ge @!p0 [sflag:s0], s1  }
0x90: {  	s1 =	ssub.s32 @!p0 $0x0, s1;
	[sflag:s0] =	ssyncset.done @!p0 $0x0  }
0x91: {  	[sflag:s0] =	ssyncadd.s32 @!p0 s1  }
0x92: {  	[bflag:$0x3] =	sbarrier.arrive $0xFFFF  }
0x93: {  	_ =	shalt  }

// kernel: kernel.19.cloned.1.call-start
scs
__scs_entry_jumppad:
0x0: {  	(pc) =	sbr.rel $0x88, $3  }
0x1: {  	(tag) =	ssettag $0x0;
	lr =	simm.s32 $0x1  }
0x2: {  	[smem:$0x3F93] =	sst lr;
	_ =	strace $0xD0000000  }
0x3: {  	_ = 	snop  }
0x4: {  	_ = 	snop  }
0x5: {  	_ = 	snop  }
0x6: {  	_ = 	snop  }
0x7: {  	_ = 	snop  }
__scs_overlays_trampoline_lowered:
0x8: {  	[smem:$0x3FA2] =	sst s0  }
0x9: {  	[smem:$0x3FA3] =	sst s1  }
0xa: {  	[smem:$0x3FA4] =	sst s2  }
0xb: {  	[smem:$0x3FA5] =	sst s3  }
0xc: {  	[smem:$0x3FA6] =	sst s4  }
0xd: {  	[smem:$0x3FA7] =	sst s5  }
0xe: {  	[smem:$0x3FA8] =	sst s6  }
0xf: {  	[smem:$0x3FA9] =	sst s7  }
0x10: {  	[smem:$0x3FAA] =	sst s8  }
0x11: {  	[smem:$0x3FAB] =	sst s9;
	s0 =	simm.s32 @!p0 $0x0  }
0x12: {  	s1 =	sld [smem:$0x3F91];
	s0 =	simm.s32 @p0 $0x1  }
0x13: {  	[smem:$0x3FAC] =	sst s0;
	s0 =	simm.s32 @!p1 $0x0  }
0x14: {  	s2 =	sld [smem:$0x3F90];
	s0 =	simm.s32 @p1 $0x1  }
0x15: {  	[smem:$0x3FAD] =	sst s0;
	s0 =	simm.s32 @!p2 $0x0  }
0x16: {  	s3 =	sld [smem:$0x3FDB];
	s0 =	simm.s32 @p2 $0x1  }
0x17: {  	s4 =	simm.s32 $0x1BF5;
	[smem:$0x3FAF] =	sst s0  }
0x18: {  	s0 =	sld [smem:$0x3F92];
	_ =	swait.ge [sflag:s4], $0x0  }
0x19: {  	s7 =	sld [smem:$0x3F93]  }
0x1a: {  	s8 =	sadd.s32 $0xFFFFE003, lr  }
0x1b: {  	s9 =	sadd.s32 $0xFFFFFEF7, lr;
	s5 =	simm.s32 $0xFFFFFFFF;
	p2 =	slt.u32 s8, $0xFFFFF086  }
0x1c: {  	p1 =	slt.u32 s9, $0xF7A;
	s5 =	simm.s32 @!p2 $0x0  }
0x1d: {  	s5 =	simm.s32 @p1 $0x1;
	p0 =	seq.s32 s7, s2  }
0x1e: {  	s7 =	smul.u32 @!p0 $0xF7A, s2;
	p2 =	seq.s32 @!p0 s5, $0x0  }
0x1f: {  	s9 =	smul.u32 $0xF7A, s1;
	s8 =	simm.s32 @!p0 $0x1BF5;
	p2 =	por !p2, p0  }
0x20: {  	[sflag:s8] =	ssyncset.s32 @!p0 $0xFFFFF086;
	s6 =	sadd.s32 @!p0 s3, s7;
	s7 =	simm.s32 @!p0 $0x108  }
0x21: {  	s3 =	sadd.s32 s3, s9;
	s6 =	sadd.s32 @!p0 $0x88, s6;
	s7 =	simm.s32 @p2 $0x1082  }
0x22: {  	[simem:s7], [sflag:s8] =	dma.local @!p0 [hbm:s6], $0xF7A  }
0x23: {  	s9 =	sor.u32 $0xD0000000, s2;
	s6 =	simm.s32 $0x108;
	_ =	swait.ge @!p0 [sflag:s8], $0x0  }
0x24: {  	s3 =	sadd.s32 $0x88, s3;
	s6 =	simm.s32 @!p1 $0x1082;
	[sflag:s4] =	ssyncset.s32 $0xFFFFF086  }
0x25: {  	[simem:s6], [sflag:s4] =	dma.local [hbm:s3], $0xF7A  }
0x26: {  	[smem:$0x3F93] =	sst s1;
	(tag) =	ssettag s2;
	_ =	strace s9  }
0x27: {  	s1 =	sld [smem:$0x3FA3]  }
0x28: {  	s2 =	sld [smem:$0x3FA4]  }
0x29: {  	s4 =	sld [smem:$0x3FA6]  }
0x2a: {  	p0 =	seq.s32 s5, $0x0;
	s5 =	sld [smem:$0x3FA7]  }
0x2b: {  	s6 =	sld [smem:$0x3FA8]  }
0x2c: {  	s7 =	sld [smem:$0x3FA9]  }
0x2d: {  	s3 =	simm.s32 $0x108;
	s8 =	sld [smem:$0x3FAA]  }
0x2e: {  	s3 =	simm.s32 @!p0 $0x1082;
	s9 =	sld [smem:$0x3FAB]  }
0x2f: {  	lr =	sadd.s32 s0, s3;
	s0 =	sld [smem:$0x3FA2]  }
0x30: {  	s3 =	sld [smem:$0x3FA5]  }
0x31: {  	[smem:$0x3FAE] =	sst s10  }
0x32: {  	s10 =	sld [smem:$0x3FAC];
	_ =	sdelay $0x3  }
0x33: {  	p0 =	seq.s32 s10, $0x1;
	s10 =	sld [smem:$0x3FAE];
	_ =	sdelay $0x3  }
0x34: {  	[smem:$0x3FAE] =	sst s10  }
0x35: {  	s10 =	sld [smem:$0x3FAD];
	_ =	sdelay $0x3  }
0x36: {  	p1 =	seq.s32 s10, $0x1;
	s10 =	sld [smem:$0x3FAE];
	_ =	sdelay $0x3  }
0x37: {  	[smem:$0x3FAE] =	sst s10  }
0x38: {  	s10 =	sld [smem:$0x3FAF]  }
0x39: {  	_ = 	snop;
	(pc) =	sbr.ind lr, $3  }
0x3a: {  	_ = 	snop  }
0x3b: {  	_ = 	snop  }
0x3c: {  	p2 =	seq.s32 s10, $0x1;
	s10 =	sld [smem:$0x3FAE]  }
0x3d: {  	_ =	shalt  }
0x3e: {  	_ =	shalt  }
0x3f: {  	_ =	shalt  }
0x40: {  	_ =	shalt  }
0x41: {  	_ =	shalt  }
0x42: {  	_ =	shalt  }
0x43: {  	_ =	shalt  }
0x44: {  	_ =	shalt  }
0x45: {  	_ =	shalt  }
0x46: {  	_ =	shalt  }
0x47: {  	_ =	shalt  }
0x48: {  	_ =	shalt  }
0x49: {  	_ =	shalt  }
0x4a: {  	_ =	shalt  }
0x4b: {  	_ =	shalt  }
0x4c: {  	_ =	shalt  }
0x4d: {  	_ =	shalt  }
0x4e: {  	_ =	shalt  }
0x4f: {  	_ =	shalt  }
0x50: {  	_ =	shalt  }
0x51: {  	_ =	shalt  }
0x52: {  	_ =	shalt  }
0x53: {  	_ =	shalt  }
0x54: {  	_ =	shalt  }
0x55: {  	_ =	shalt  }
0x56: {  	_ =	shalt  }
0x57: {  	_ =	shalt  }
0x58: {  	_ =	shalt  }
0x59: {  	_ =	shalt  }
0x5a: {  	_ =	shalt  }
0x5b: {  	_ =	shalt  }
0x5c: {  	_ =	shalt  }
0x5d: {  	_ =	shalt  }
0x5e: {  	_ =	shalt  }
0x5f: {  	_ =	shalt  }
0x60: {  	_ =	shalt  }
0x61: {  	_ =	shalt  }
0x62: {  	_ =	shalt  }
0x63: {  	_ =	shalt  }
0x64: {  	_ =	shalt  }
0x65: {  	_ =	shalt  }
0x66: {  	_ =	shalt  }
0x67: {  	_ =	shalt  }
0x68: {  	_ =	shalt  }
0x69: {  	_ =	shalt  }
0x6a: {  	_ =	shalt  }
0x6b: {  	_ =	shalt  }
0x6c: {  	_ =	shalt  }
0x6d: {  	_ =	shalt  }
0x6e: {  	_ =	shalt  }
0x6f: {  	_ =	shalt  }
0x70: {  	_ =	shalt  }
0x71: {  	_ =	shalt  }
0x72: {  	_ =	shalt  }
0x73: {  	_ =	shalt  }
0x74: {  	_ =	shalt  }
0x75: {  	_ =	shalt  }
0x76: {  	_ =	shalt  }
0x77: {  	_ =	shalt  }
0x78: {  	_ =	shalt  }
0x79: {  	_ =	shalt  }
0x7a: {  	_ =	shalt  }
0x7b: {  	_ =	shalt  }
0x7c: {  	_ =	shalt  }
0x7d: {  	_ =	shalt  }
0x7e: {  	_ =	shalt  }
0x7f: {  	_ =	shalt  }
0x80: {  	_ =	shalt  }
0x81: {  	_ =	shalt  }
0x82: {  	_ =	shalt  }
0x83: {  	_ =	shalt  }
0x84: {  	_ =	shalt  }
0x85: {  	_ =	shalt  }
0x86: {  	_ =	shalt  }
0x87: {  	_ =	shalt  }
.Lfunc_end0:
.L_simem_size_0:
called_computation.3_lowered:
.L_overlay_start_0:
0x88: {  	s2 =	sld [smem:$0x3FD9]  }
0x89: {  	s3 =	sld [smem:$0x3FFE];
	_ =	sdelay $0x1  }
0x8a: {  	s1 =	srdreg.scid  }
0x8b: {  	s0 =	sand.u32 $0x1, s1  }
0x8c: {  	s17 =	sshll.u32 s0, $0xA;
	s2 =	sadd.s32 s3, s2  }
0x8d: {  	s2 =	sadd.s32 s2, s17  }
0x8e: {  	[smem:$0x3FBA] =	sst s2  }
0x8f: {  	_ = 	snop  }
0x90: {  	s2 =	sld [smem:$0x3FD0];
	(tm) =	ssettm $0x1  }
0x91: {  	s18 =	sld [smem:$0x3FFB];
	_ =	sdelay $0x3  }
0x92: {  	_ =	strace s18  }
0x93: {  	s3 =	sld [smem:$0x3FFC];
	_ =	sdelay $0x3  }
0x94: {  	_ =	strace s3  }
0x95: {  	s3 =	sld [smem:$0x3FFD];
	_ =	sdelay $0x3  }
0x96: {  	_ =	strace s3  }
0x97: {  	_ =	strace $0x8FFFFFFF  }
0x98: {  	s19 =	sld [smem:$0x3FDB];
	_ =	sdelay $0x1  }
0x99: {  	s4 =	simm.s32 $_scs_section_size  }
0x9a: {  	s5 =	simm.s32 $_size__tile_overlayer_lowered;
	s6 =	simm.s32 $_tile_overlayer_lowered  }
0x9b: {  	s22 =	simm.s32 $0x1BFF;
	s21 =	sshll.u32 s6, $0x1;
	s3 =	sadd.s32 s4, s19  }
0x9c: {  	s7 =	simm.s32 $0x0;
	s20 =	sshll.u32 s5, $0x1;
	s5 =	sadd.s32 s21, s3  }
0x9d: {  	[timem:s7], [sflag:s22] =	dma.local [hbm:s5], s20  }
0x9e: {  	_ =	swait.ge [sflag:s22], s20  }
0x9f: {  	s4 =	ssub.s32 $0x0, s20;
	[sflag:s22] =	ssyncset.done $0x0  }
0xa0: {  	[sflag:s22] =	ssyncadd.s32 s4;
	_ =	sdelay $0x1  }
0xa1: {  	s23 =	simm.s32 $0x1B8B  }
0xa2: {  	_ =	swait.ge [sflag:s23], $0x1  }
0xa3: {  	[sflag:s23] =	ssyncset.done $0x0  }
0xa4: {  	s25 =	simm.s32 $0x1B8E;
	s24 =	sld [smem:$0x3FFE];
	[sflag:s23] =	ssyncadd.s32 $0xFFFFFFFF  }
0xa5: {  	s26 =	simm.s32 $execute0_lowered;
	[smem:$0x3FD2] =	sst s25  }
0xa6: {  	s5 =	sshll.u32 s26, $0x1;
	_ =	strace $0x8000004F;
	[dreg:$0x1] =	wrdreg $0xFFFFFFFF  }
0xa7: {  	s28 =	simm.s32 $_size_execute0_lowered;
	s3 =	sadd.s32 s3, s5;
	[dreg:$0x0] =	wrdreg $0x0  }
0xa8: {  	s5 =	sshll.u32 s28, $0x1;
	[dreg:$0x2] =	wrdreg s3  }
0xa9: {  	[dreg:$0x3] =	wrdreg s5  }
0xaa: {  	[dreg:$0x4] =	wrdreg $0xC0  }
0xab: {  	_ =	task [dreg:s7], $0x5FFFF  }
0xac: {  	[dreg:$0x1] =	wrdreg $0xFFFFFFFF  }
0xad: {  	[dreg:$0x0] =	wrdreg $0x60  }
0xae: {  	[dreg:$0x2] =	wrdreg s2  }
0xaf: {  	[dreg:$0x3] =	wrdreg s24  }
0xb0: {  	[dreg:$0x4] =	wrdreg $0xC6200  }
0xb1: {  	[dreg:$0x5] =	wrdreg $0x9  }
0xb2: {  	_ =	task.clear_ibuf [dreg:s7], $0x6FFFF;
	_ =	strace $0x9000004F  }
0xb3: {  	s29 =	simm.s32 $0x9;
	_ =	strace $0x80000051  }
0xb4: {  	_ =	swait.ge [sflag:s29], $0x1  }
0xb5: {  	[sflag:s29] =	ssyncadd.s32 $0xFFFFFFFF  }
0xb6: {  	_ =	strace $0x90000051  }
0xb7: {  	_ =	sfence  }
0xb8: {  	s30 =	sld [smem:$0x0];
	_ =	sdelay $0x2  }
0xb9: {  	s31 =	sshll.u32 s1, $0xD;
	s1 =	sshrl.u32 s1, $0x2  }
0xba: {  	s3 =	sand.u32 $0x4000, s31;
	s1 =	sadd.s32 s1, s30  }
0xbb: {  	s0 =	sor.u32 s3, s0;
	s1 =	sshll.u32 s1, $0x11  }
0xbc: {  	s0 =	sor.u32 s1, s0  }
0xbd: {  	s0 =	sadd.s32 $0x8F2B, s0  }
0xbe: {  	[sflag:s0] =	ssyncadd.remote.s32 $0x1  }
0xbf: {  	_ =	sfence.sel $0xFFFF  }
0xc0: {  	[dreg:$0x0] =	wrdreg $0xFFFFFFFF;
	(pc) =	sbr.abs _section_cstart, $3  }
0xc1: {  	[dreg:$0x1] =	wrdreg $0xFFFFFFFF  }
0xc2: {  	_ =	task.clear_ibuf [dreg:s7], $0x2FFFF;
	_ =	strace $0x9FFFFFFF  }
0xc3: {  	(tm) =	ssettm $0x7FFFFFFF  }
tec
execute0_lowered:
.L_overlay_start_1:
0x0: {  	(tag) =	ssettag $0x1  }
0x1: {  	s1 =	rddreg [dreg:$0x0]  }
0x2: {  	s0 =	rddreg [dreg:$0x1]  }
0x3: {  	s3 =	rddreg [dreg:$0x2]  }
0x4: {  	s2 =	srdreg.scid;
	s12 =	stileid.u32;
	s4 =	simm.s32 $0x0  }
0x5: {  	s13 =	simm.s32 $0x7;
	s14 =	simm.s32 $0x1;
	s15 =	simm.s32 $0x2  }
0x6: {  	s16 =	simm.s32 $0x50;
	s17 =	simm.s32 $0x4E20;
	s18 =	simm.s32 $0x7620  }
0x7: {  	s20 =	simm.s32 $0x9E20;
	s21 =	simm.s32 $0x4;
	s28 =	simm.s32 $0x27B0  }
0x8: {  	s29 =	simm.s32 $0x6;
	s30 =	simm.s32 $0x4D80;
	s31 =	simm.s32 $0x4DD0  }
0x9: {  	s2 =	sand.u32 $0x1, s2;
	s5 =	sshll.u32 s12, $0x1;
	s7 =	smul.u32 $0x13880, s12  }
0xa: {  	[smem:$0x7FF] =	sst s4;
	s8 =	sadd.s32 $0x17800, s0;
	s11 =	smov.u32 s1  }
0xb: {  	s26 =	sshll.u32 s12, $0x6;
	s5 =	sor.u32 s2, s5;
	s6 =	smul.u32 $0x138800, s2  }
0xc: {  	_ =	strace $0x80000050;
	s9 =	ssub.s32 $0x2, s2;
	p0 =	seq.s32 s2, $0x1  }
0xd: {  	s5 =	smul.u32 $0x2710, s5;
	s23 =	sshrl.u32 s9, $0x1;
	s24 =	sadd.s32 s7, s3  }
0xe: {  	s25 =	sshrl.u32 s7, $0x3;
	s11 =	smov.u32 @p0 s8;
	s6 =	sadd.s32 s7, s6  }
0xf: {  	s9 =	ssub.s32 s9, s23;
	s12 =	sshrl.u32 s24, $0x3;
	s23 =	simm.s32 $0x2760  }
0x10: {  	s24 =	simm.s32 $0x5;
	s5 =	sshrl.u32 s5, $0x3;
	s6 =	sshrl.u32 s6, $0x3  }
0x11: {  	s8 =	smax.u32 s9, $0x1;
	s9 =	sadd.s32 s11, s25;
	s11 =	simm.s32 $0x2710  }
0x12: {  	s25 =	simm.s32 $0x140;
	s10 =	sadd.s32 s5, s0;
	s0 =	sadd.s32 s6, s0  }
0x13: {  	s5 =	sadd.s32 $0x3E00, s10;
	s6 =	sadd.s32 $0xDA40, s10;
	s7 =	sadd.s32 $0x3EA00, s0  }
0x14: {  	s10 =	sor.u32 $0x1C07, s26;
	s26 =	simm.s32 $0x3;
	s0 =	simm.s32 $0x0  }
.LBB2_1:
0x15: {  	[tilespmem:s4], [sflag:$0x1] =	stream.linear.gather [hbm4b:s5+s4], $0x2710, $0x38;
	[tilespmem:$0x1FEA0] =	vst v63  }
0x16: {  	_ = 	snop  }
0x17: {  	[tilespmem:s11], [sflag:$0x2] =	stream.linear.gather [hbm4b:s6+s4], $0x2710, $0x38;
	[tilespmem:$0x1FEA0] =	vst v63  }
0x18: {  	[spmem:s12], [sflag:s10] =	dma.local [hbm:s9], $0x2710  }
0x19: {  	_ =	swait.ge [sflag:s13], $0x2710  }
0x1a: {  	[sflag:s13] =	ssyncset.done $0x0  }
0x1b: {  	[sflag:s13] =	ssyncadd.s32 $0xFFFFD8F0  }
0x1c: {  	_ =	swait.ge [sflag:s14], $0x2710  }
0x1d: {  	[sflag:s14] =	ssyncset.done $0x0  }
0x1e: {  	[sflag:s14] =	ssyncadd.s32 $0xFFFFD8F0  }
0x1f: {  	_ =	swait.ge [sflag:s15], $0x2710  }
0x20: {  	[sflag:s15] =	ssyncset.done $0x0  }
0x21: {  	[sflag:s15] =	ssyncadd.s32 $0xFFFFD8F0  }
0x22: {  	[tilespmem:s17], [sflag:$0x1] =	stream.indirect.gather [hbm4b:s1+s16], $0x80, s4, s16, $0xb8;
	[tilespmem:$0x1FEA0] =	vst v63  }
0x23: {  	_ = 	snop  }
0x24: {  	[tilespmem:s18], [sflag:$0x2] =	stream.indirect.gather [hbm4b:s1+s16], $0x80, s16, s16, $0xb8;
	[tilespmem:$0x1FEA0] =	vst v63  }
0x25: {  	s2 =	simm.s32 $0xA0;
	[bflag:$0x0] =	sbarrier.arrive $0xFFFF  }
0x26: {  	[tilespmem:s20], [sflag:$0x3] =	stream.indirect.gather [hbm4b:s1+s16], $0x80, s2, s16, $0xb8;
	[tilespmem:$0x1FEA0] =	vst v63  }
0x27: {  	_ =	swait.ge [sflag:s14], $0x2800  }
0x28: {  	[sflag:s14] =	ssyncset.done $0x0  }
0x29: {  	[sflag:s14] =	ssyncadd.s32 $0xFFFFD800  }
0x2a: {  	[spmem:s3] =	stream.indirect.scatter.add.f32 [tilespmem:s17], [sflag:$0x4], $0x80, s11, s16, $0xb8;
	[tilespmem:$0x1FEA0] =	vst v63  }
0x2b: {  	_ =	swait.ge [sflag:s21], $0x2800  }
0x2c: {  	[sflag:s21] =	ssyncset.done $0x0  }
0x2d: {  	s19 =	simm.s32 $0xF0;
	[sflag:s21] =	ssyncadd.s32 $0xFFFFD800  }
0x2e: {  	[tilespmem:s17], [sflag:$0x1] =	stream.indirect.gather [hbm4b:s1+s16], $0x80, s19, s16, $0xb8;
	[tilespmem:$0x1FEA0] =	vst v63  }
0x2f: {  	_ =	swait.ge [sflag:s15], $0x2800  }
0x30: {  	[sflag:s15] =	ssyncset.done $0x0  }
0x31: {  	[sflag:s15] =	ssyncadd.s32 $0xFFFFD800  }
0x32: {  	[spmem:s3] =	stream.indirect.scatter.add.f32 [tilespmem:s18], [sflag:$0x5], $0x80, s23, s16, $0xb8;
	[tilespmem:$0x1FEA0] =	vst v63  }
0x33: {  	_ =	swait.ge [sflag:s24], $0x2800  }
0x34: {  	[sflag:s24] =	ssyncset.done $0x0  }
0x35: {  	[sflag:s24] =	ssyncadd.s32 $0xFFFFD800  }
0x36: {  	[tilespmem:s18], [sflag:$0x2] =	stream.indirect.gather [hbm4b:s1+s16], $0x80, s25, s16, $0xb8;
	[tilespmem:$0x1FEA0] =	vst v63  }
0x37: {  	_ =	swait.ge [sflag:s26], $0x2800  }
0x38: {  	[sflag:s26] =	ssyncset.done $0x0  }
0x39: {  	[sflag:s26] =	ssyncadd.s32 $0xFFFFD800  }
0x3a: {  	[spmem:s3] =	stream.indirect.scatter.add.f32 [tilespmem:s20], [sflag:$0x6], $0x80, s28, s16, $0xb8;
	[tilespmem:$0x1FEA0] =	vst v63  }
0x3b: {  	_ =	swait.ge [sflag:s29], $0x2800  }
0x3c: {  	[sflag:s29] =	ssyncset.done $0x0  }
0x3d: {  	s22 =	simm.s32 $0x190;
	[sflag:s29] =	ssyncadd.s32 $0xFFFFD800  }
0x3e: {  	[tilespmem:s20], [sflag:$0x3] =	stream.indirect.gather [hbm4b:s1+s16], $0x80, s22, s16, $0xb8;
	[tilespmem:$0x1FEA0] =	vst v63  }
0x3f: {  	_ =	swait.ge [sflag:s14], $0x2800  }
0x40: {  	[sflag:s14] =	ssyncset.done $0x0  }
0x41: {  	s19 =	simm.s32 $0x2800;
	[sflag:s14] =	ssyncadd.s32 $0xFFFFD800  }
0x42: {  	[spmem:s3] =	stream.indirect.scatter.add.f32 [tilespmem:s17], [sflag:$0x4], $0x80, s19, s16, $0xb8;
	[tilespmem:$0x1FEA0] =	vst v63  }
0x43: {  	_ =	swait.ge [sflag:s21], $0x2800  }
0x44: {  	[sflag:s21] =	ssyncset.done $0x0  }
0x45: {  	s22 =	simm.s32 $0x1E0;
	[sflag:s21] =	ssyncadd.s32 $0xFFFFD800  }
0x46: {  	[tilespmem:s17], [sflag:$0x1] =	stream.indirect.gather [hbm4b:s1+s16], $0x80, s22, s16, $0xb8;
	[tilespmem:$0x1FEA0] =	vst v63  }
0x47: {  	_ =	swait.ge [sflag:s15], $0x2800  }
0x48: {  	[sflag:s15] =	ssyncset.done $0x0  }
0x49: {  	s19 =	simm.s32 $0x2850;
	[sflag:s15] =	ssyncadd.s32 $0xFFFFD800  }
0x4a: {  	[spmem:s3] =	stream.indirect.scatter.add.f32 [tilespmem:s18], [sflag:$0x5], $0x80, s19, s16, $0xb8;
	[tilespmem:$0x1FEA0] =	vst v63  }
0x4b: {  	_ =	swait.ge [sflag:s24], $0x2800  }
0x4c: {  	[sflag:s24] =	ssyncset.done $0x0  }
0x4d: {  	s22 =	simm.s32 $0x230;
	[sflag:s24] =	ssyncadd.s32 $0xFFFFD800  }
0x4e: {  	[tilespmem:s18], [sflag:$0x2] =	stream.indirect.gather [hbm4b:s1+s16], $0x80, s22, s16, $0xb8;
	[tilespmem:$0x1FEA0] =	vst v63  }
0x4f: {  	_ =	swait.ge [sflag:s26], $0x2800  }
0x50: {  	[sflag:s26] =	ssyncset.done $0x0  }
0x51: {  	s2 =	simm.s32 $0x3C0;
	s19 =	simm.s32 $0x28A0;
	[sflag:s26] =	ssyncadd.s32 $0xFFFFD800  }
.LBB2_2:
0x52: {  	[spmem:s3] =	stream.indirect.scatter.add.f32 [tilespmem:s20], [sflag:$0x6], $0x80, s19, s16, $0xb8;
	[tilespmem:$0x1FEA0] =	vst v63  }
0x53: {  	s19 =	smov.u32 s2  }
0x54: {  	p0 =	sne.s32 s2, $0x9240;
	s2 =	sadd.s32 $0x3C0, s2;
	_ =	swait.ge [sflag:s29], $0x2800  }
0x55: {  	s19 =	sshra.s32 s19, $0x2;
	[sflag:s29] =	ssyncset.done $0x0  }
0x56: {  	s22 =	sadd.s32 $0x190, s19;
	[sflag:s29] =	ssyncadd.s32 $0xFFFFD800  }
0x57: {  	[tilespmem:s20], [sflag:$0x3] =	stream.indirect.gather [hbm4b:s1+s16], $0x80, s22, s16, $0xb8;
	[tilespmem:$0x1FEA0] =	vst v63  }
0x58: {  	_ =	swait.ge [sflag:s14], $0x2800  }
0x59: {  	[sflag:s14] =	ssyncset.done $0x0  }
0x5a: {  	s22 =	sadd.s32 $0x2800, s19;
	[sflag:s14] =	ssyncadd.s32 $0xFFFFD800  }
0x5b: {  	[spmem:s3] =	stream.indirect.scatter.add.f32 [tilespmem:s17], [sflag:$0x4], $0x80, s22, s16, $0xb8;
	[tilespmem:$0x1FEA0] =	vst v63  }
0x5c: {  	_ =	swait.ge [sflag:s21], $0x2800  }
0x5d: {  	[sflag:s21] =	ssyncset.done $0x0  }
0x5e: {  	s22 =	sadd.s32 $0x1E0, s19;
	[sflag:s21] =	ssyncadd.s32 $0xFFFFD800  }
0x5f: {  	[tilespmem:s17], [sflag:$0x1] =	stream.indirect.gather [hbm4b:s1+s16], $0x80, s22, s16, $0xb8;
	[tilespmem:$0x1FEA0] =	vst v63  }
0x60: {  	_ =	swait.ge [sflag:s15], $0x2800  }
0x61: {  	[sflag:s15] =	ssyncset.done $0x0  }
0x62: {  	s22 =	sadd.s32 $0x2850, s19;
	[sflag:s15] =	ssyncadd.s32 $0xFFFFD800  }
0x63: {  	[spmem:s3] =	stream.indirect.scatter.add.f32 [tilespmem:s18], [sflag:$0x5], $0x80, s22, s16, $0xb8;
	[tilespmem:$0x1FEA0] =	vst v63  }
0x64: {  	_ =	swait.ge [sflag:s24], $0x2800  }
0x65: {  	[sflag:s24] =	ssyncset.done $0x0  }
.Ltmp0:
0x66: {  	s22 =	sadd.s32 $0x230, s19;
	[sflag:s24] =	ssyncadd.s32 $0xFFFFD800;
	(pc) =	sbr.rel @p0 .LBB2_2-.Ltmp0, $4  }
0x67: {  	[tilespmem:s18], [sflag:$0x2] =	stream.indirect.gather [hbm4b:s1+s16], $0x80, s22, s16, $0xb8;
	[tilespmem:$0x1FEA0] =	vst v63  }
0x68: {  	_ =	swait.ge [sflag:s26], $0x2800  }
0x69: {  	[sflag:s26] =	ssyncset.done $0x0  }
0x6a: {  	s19 =	sadd.s32 $0x28A0, s19;
	[sflag:s26] =	ssyncadd.s32 $0xFFFFD800  }
0x6b: {  	[spmem:s3] =	stream.indirect.scatter.add.f32 [tilespmem:s20], [sflag:$0x6], $0x80, s19, s16, $0xb8;
	[tilespmem:$0x1FEA0] =	vst v63  }
0x6c: {  	_ =	swait.ge [sflag:s14], $0x2800  }
0x6d: {  	[sflag:s14] =	ssyncset.done $0x0  }
0x6e: {  	[sflag:s14] =	ssyncadd.s32 $0xFFFFD800  }
0x6f: {  	[spmem:s3] =	stream.indirect.scatter.add.f32 [tilespmem:s17], [sflag:$0x4], $0x80, s30, s16, $0xb8;
	[tilespmem:$0x1FEA0] =	vst v63  }
0x70: {  	_ =	swait.ge [sflag:s15], $0x2800  }
0x71: {  	[sflag:s15] =	ssyncset.done $0x0  }
0x72: {  	[sflag:s15] =	ssyncadd.s32 $0xFFFFD800  }
0x73: {  	[spmem:s3] =	stream.indirect.scatter.add.f32 [tilespmem:s18], [sflag:$0x5], $0x80, s31, s16, $0xb8;
	[tilespmem:$0x1FEA0] =	vst v63  }
0x74: {  	_ =	swait.ge [sflag:s29], $0x2800  }
0x75: {  	[sflag:s29] =	ssyncset.done $0x0  }
0x76: {  	[sflag:s29] =	ssyncadd.s32 $0xFFFFD800  }
0x77: {  	_ =	swait.ge [sflag:s21], $0x2800  }
0x78: {  	[sflag:s21] =	ssyncset.done $0x0  }
0x79: {  	[sflag:s21] =	ssyncadd.s32 $0xFFFFD800  }
0x7a: {  	_ =	swait.ge [sflag:s24], $0x2800  }
0x7b: {  	s0 =	sadd.s32 $0x1, s0;
	[sflag:s24] =	ssyncset.done $0x0  }
0x7c: {  	p0 =	sne.s32 s0, s8;
	[sflag:s24] =	ssyncadd.s32 $0xFFFFD800  }
.Ltmp1:
0x7d: {  	[bflag:$0x0] =	sbarrier.arrive $0xFFFF;
	(pc) =	sbr.rel @p0 .LBB2_1-.Ltmp1, $4  }
0x7e: {  	[hbm:s7], [sflag:s10] =	dma.local [spmem:s12], $0x2710  }
0x7f: {  	_ =	swait.ge [sflag:s13], $0x2710  }
0x80: {  	[sflag:s13] =	ssyncset.done $0x0  }
0x81: {  	[sflag:s13] =	ssyncadd.s32 $0xFFFFD8F0  }
0x82: {  	_ =	sfence.sel $0x180000  }
0x83: {  	[bflag:$0x0] =	sbarrier.arrive $0xFFFF  }
0x84: {  	_ =	strace $0x90000050  }
0x85: {  	s0 =	stileid.u32;
	[bflag:$0x2] =	sbarrier.arrive $0xFFFF  }
0x86: {  	p0 =	sne.s32 s0, $0x0;
	s0 =	rddreg [dreg:$0x3]  }
0x87: {  	s0 =	sadd.s32 @!p0 $0x100000, s0  }
0x88: {  	[sflag:s0] =	ssyncadd.tile.s32 @!p0 $0x1;
	_ =	shalt  }
.Lfunc_end2:
_tile_overlayer_lowered:
.L_overlay_start_2:
0x89: {  	(tag) =	ssettag $0x2  }
0x8a: {  	s0 =	rddreg [dreg:$0x0];
	s2 =	stileid.u32  }
0x8b: {  	s1 =	rddreg [dreg:$0x1];
	p0 =	sne.s32 s2, $0x0  }
0x8c: {  	s3 =	rddreg [dreg:$0x2];
	[bflag:$0x3] =	sbarrier.arrive $0xFFFF;
	s2 =	simm.s32 @!p0 $0x1C07  }
0x8d: {  	[timem:s3], [sflag:s2] =	dma.local @!p0 [hbm:s0], s1  }
0x8e: {  	s0 =	simm.s32 @!p0 $0x7  }
0x8f: {  	_ =	swait.ge @!p0 [sflag:s0], s1  }
0x90: {  	s1 =	ssub.s32 @!p0 $0x0, s1;
	[sflag:s0] =	ssyncset.done @!p0 $0x0  }
0x91: {  	[sflag:s0] =	ssyncadd.s32 @!p0 s1  }
0x92: {  	[bflag:$0x3] =	sbarrier.arrive $0xFFFF  }
0x93: {  	_ =	shalt  }

</sc_bundles>
